<compile_context>
chip_gen: v7x
topology: tpu7x:2x2x1
jax: 0.10.2.dev20260603
libtpu: 0.0.44.dev20260713+nightly
codegen_flags: <defaults>
</compile_context>

<pallas_src>
import functools

import jax
import jax.numpy as jnp
from jax import lax
from jax.experimental import pallas as pl
from jax.experimental.pallas import tpu as pltpu
from jax.experimental.pallas import tpu_sc as plsc

N = 10000
E = 320000
H = 128
G = 64
L = 3

NC, NS = 2, 16
NW = NC * NS
CHUNK = 128
CPW0 = 120
CPW1 = 40
NBUF = 2
DSTAGE = 40
TOTCH = NS * (CPW0 + CPW1)
EPAD = TOTCH * CHUNK
NPAD = 10112
ZR = NPAD // NS

BN = 1000
NB = N // BN

_PREC = lax.Precision.DEFAULT

_sc_mesh = plsc.VectorSubcoreMesh(core_axis_name="c", subcore_axis_name="s")


@functools.partial(
    pl.kernel,
    out_type=jax.ShapeDtypeStruct((NC, NPAD, H), jnp.float32),
    mesh=_sc_mesh,
    scratch_types=[
        pltpu.VMEM((DSTAGE, CHUNK), jnp.int32),
        pltpu.VMEM((DSTAGE, CHUNK), jnp.int32),
        pltpu.VMEM((NBUF, CHUNK, H), jnp.float32),
        pltpu.VMEM_SHARED((NPAD, H), jnp.float32),
        pltpu.SemaphoreType.DMA((NBUF,)),
    ],
)
def _sc_edge_aggregate(m_hbm, srcs_hbm, dsts_hbm, out_hbm,
                       srcv, dstv, rows, agg_sh, gsem):
    c = lax.axis_index("c")
    s = lax.axis_index("s")

    @pl.when(c == 0)
    def _probe_everything_on_core0():
        _sc_body(c, s, m_hbm, srcs_hbm, dsts_hbm, out_hbm, srcv, dstv, rows,
                 agg_sh, gsem)


def _sc_body(c, s, m_hbm, srcs_hbm, dsts_hbm, out_hbm, srcv, dstv, rows,
             agg_sh, gsem):
    z16 = jnp.zeros((16,), jnp.float32)

    def zfill(i, carry):
        for jj in range(8):
            rows[0, i, pl.ds(jj * 16, 16)] = z16
        return carry

    lax.fori_loop(0, CHUNK, zfill, 0)
    zbase = s * ZR
    for k in range(4):
        pltpu.sync_copy(rows.at[0], agg_sh.at[pl.ds(zbase + k * CHUNK, CHUNK)])
    pltpu.sync_copy(rows.at[0, pl.ds(0, ZR - 4 * CHUNK)],
                    agg_sh.at[pl.ds(zbase + 4 * CHUNK, ZR - 4 * CHUNK)])
    dbase = lax.select(c == 0, s * CPW0, NS * CPW0 + s * CPW1)
    cpw = lax.select(c == 0, CPW0, CPW1)
    pltpu.sync_copy(srcs_hbm.at[pl.ds(dbase, DSTAGE)], srcv)
    pltpu.sync_copy(dsts_hbm.at[pl.ds(dbase, DSTAGE)], dstv)
    plsc.subcore_barrier()

    for b in range(NBUF - 1):
        pltpu.async_copy(m_hbm.at[srcv.at[b]], rows.at[b], gsem.at[b])

    def body(g, carry):
        buf = lax.rem(g, NBUF)
        drow = lax.rem(g, DSTAGE)
        pltpu.make_async_copy(m_hbm.at[srcv.at[drow]],
                              rows.at[buf], gsem.at[buf]).wait()

        @pl.when((drow == DSTAGE - 1) & (g + 1 < cpw))
        def _refresh_src():
            sstart = pl.multiple_of(dbase + g + 1, 8)
            pltpu.sync_copy(srcs_hbm.at[pl.ds(sstart, DSTAGE)], srcv)

        @pl.when(g + NBUF - 1 < cpw)
        def _prefetch():
            nb = lax.rem(g + NBUF - 1, NBUF)
            nrow = lax.rem(g + NBUF - 1, DSTAGE)
            pltpu.async_copy(m_hbm.at[srcv.at[nrow]],
                             rows.at[nb], gsem.at[nb])

        @pl.when((drow == 0) & (g > 0))
        def _refresh_dst():
            start = pl.multiple_of(dbase + g, 8)
            pltpu.sync_copy(dsts_hbm.at[pl.ds(start, DSTAGE)], dstv)

        pltpu.sync_copy(rows.at[buf], agg_sh.at[dstv.at[drow]], add=True)
        return carry

    lax.fori_loop(0, cpw, body, 0)
    plsc.subcore_barrier()
    pltpu.sync_copy(agg_sh.at[pl.ds(s * ZR, ZR)],
                    out_hbm.at[c, pl.ds(s * ZR, ZR)])


def _sigmoid(v):
    return 1.0 / (1.0 + jnp.exp(-v))


def _mm_body(x_ref, w_ref, o_ref):
    o_ref[...] = jnp.dot(x_ref[...], w_ref[...], precision=_PREC,
                         preferred_element_type=jnp.float32)


def _matmul(x, w):
    return pl.pallas_call(
        _mm_body,
        grid=(NB,),
        in_specs=[pl.BlockSpec((BN, H), lambda j: (j, 0)),
                  pl.BlockSpec((H, H), lambda j: (0, 0))],
        out_specs=pl.BlockSpec((BN, H), lambda j: (j, 0)),
        out_shape=jax.ShapeDtypeStruct((N, H), jnp.float32),
    )(x, w)


def _gru_math(p0, p1, h, wih, whh, bih, bhh):
    agg = p0[...] + p1[...]
    gi = jnp.dot(agg, wih[...], precision=_PREC,
                 preferred_element_type=jnp.float32) + bih[...]
    gh = jnp.dot(h[...], whh[...], precision=_PREC,
                 preferred_element_type=jnp.float32) + bhh[...]
    hv = h[...]
    r = _sigmoid(gi[:, 0:H] + gh[:, 0:H])
    z = _sigmoid(gi[:, H:2 * H] + gh[:, H:2 * H])
    n = jnp.tanh(gi[:, 2 * H:3 * H] + r * gh[:, 2 * H:3 * H])
    return (1.0 - z) * n + z * hv


def _gru_body(p0, p1, h, wih, whh, bih, bhh, wn, ho, mo):
    hn = _gru_math(p0, p1, h, wih, whh, bih, bhh)
    ho[...] = hn
    mo[...] = jnp.dot(hn, wn[...], precision=_PREC,
                      preferred_element_type=jnp.float32)


def _gru_next(p0, p1, h, wihT, whhT, bih2, bhh2, wnext):
    full = lambda r, c: pl.BlockSpec((r, c), lambda j: (0, 0))
    blk = pl.BlockSpec((BN, H), lambda j: (j, 0))
    return pl.pallas_call(
        _gru_body,
        grid=(NB,),
        in_specs=[blk, blk, blk, full(H, 3 * H), full(H, 3 * H),
                  full(1, 3 * H), full(1, 3 * H), full(H, H)],
        out_specs=[blk, blk],
        out_shape=[jax.ShapeDtypeStruct((N, H), jnp.float32),
                   jax.ShapeDtypeStruct((N, H), jnp.float32)],
    )(p0, p1, h, wihT, whhT, bih2, bhh2, wnext)


def _final_body(p0, p1, h, x, wih, whh, bih, bhh, wht, bh, bidx, out):
    j = pl.program_id(0)
    hn = _gru_math(p0, p1, h, wih, whh, bih, bhh)
    feat = jnp.concatenate([x[...], hn], axis=1)
    rowlog = jnp.dot(feat, wht[...], precision=_PREC,
                     preferred_element_type=jnp.float32) + bh[...]
    bi = bidx[0]
    onehot = (lax.broadcasted_iota(jnp.int32, (G, BN), 0) == bi
              ).astype(jnp.float32)
    pp = jnp.dot(onehot, rowlog, precision=lax.Precision.HIGHEST,
                 preferred_element_type=jnp.float32)

    @pl.when(j == 0)
    def _init():
        out[...] = jnp.zeros_like(out)

    out[...] += pp

    @pl.when(j == NB - 1)
    def _fin():
        out[...] = _sigmoid(out[...])


def _final(p0, p1, h, x, wihT, whhT, bih2, bhh2, whT, bh2, bidx3):
    full = lambda r, c: pl.BlockSpec((r, c), lambda j: (0, 0))
    blk = pl.BlockSpec((BN, H), lambda j: (j, 0))
    return pl.pallas_call(
        _final_body,
        grid=(NB,),
        in_specs=[blk, blk, blk, blk, full(H, 3 * H), full(H, 3 * H),
                  full(1, 3 * H), full(1, 3 * H), full(2 * H, 1),
                  full(1, 1), pl.BlockSpec((1, 1, BN), lambda j: (j, 0, 0))],
        out_specs=pl.BlockSpec((G, 1), lambda j: (0, 0)),
        out_shape=jax.ShapeDtypeStruct((G, 1), jnp.float32),
    )(p0, p1, h, x, wihT, whhT, bih2, bhh2, whT, bh2, bidx3)


def kernel(x, edge_index, batch_index, weight, w_ih, w_hh, b_ih, b_hh,
           w_head, b_head):
    src = edge_index[0]
    dst = edge_index[1]
    pad = EPAD - E
    src_p = jnp.concatenate([src, jnp.zeros((pad,), jnp.int32)])
    dst_p = jnp.concatenate([dst, jnp.full((pad,), N, jnp.int32)])
    srcs = src_p.reshape(TOTCH, CHUNK)
    dsts = dst_p.reshape(TOTCH, CHUNK)
    wihT = w_ih.T
    whhT = w_hh.T
    bih2 = b_ih.reshape(1, 3 * H)
    bhh2 = b_hh.reshape(1, 3 * H)
    whT = w_head.T
    bh2 = b_head.reshape(1, 1)
    bidx3 = batch_index.reshape(NB, 1, BN)

    h = x
    m = _matmul(x, weight[0])
    for i in range(L - 1):
        p = _sc_edge_aggregate(m, srcs, dsts)
        h, m = _gru_next(p[0, :N], p[1, :N], h, wihT, whhT, bih2, bhh2,
                         weight[i + 1])
    p = _sc_edge_aggregate(m, srcs, dsts)
    out = _final(p[0, :N], p[1, :N], h, x, wihT, whhT, bih2, bhh2, whT,
                 bh2, bidx3)
    return out[:, 0]

# --- scband reference (transcript-rebuilt; emitter-appended) ---
"""Pipeline reference for scband-ggnnflat-sum-12730283065775 (READ-ONLY COPY).

The authoritative reference and input builder live on the scoring server;
editing this copy changes nothing except your own understanding.
"""

import jax, jax.numpy as jnp
import numpy as np

N = 10000
E = 320000
D_IN = 128
H = 128
L = 3
G = 64


def setup_inputs(seed: int = 0) -> dict:
    key = jax.random.key(seed)
    ks = [jax.random.fold_in(key, i) for i in range(10)]
    x = jax.random.normal(ks[0], (N, D_IN), dtype=jnp.float32)
    edge_index = jax.random.randint(ks[1], (2, E), 0, N, dtype=jnp.int32)
    batch_index = jnp.sort(jax.random.randint(ks[2], (N,), 0, G, dtype=jnp.int32))
    s = 1.0 / np.sqrt(H)
    weight = jax.random.normal(ks[3], (L, H, H), dtype=jnp.float32) * s
    w_ih = jax.random.normal(ks[4], (3 * H, H), dtype=jnp.float32) * s
    w_hh = jax.random.normal(ks[5], (3 * H, H), dtype=jnp.float32) * s
    b_ih = jax.random.normal(ks[6], (3 * H,), dtype=jnp.float32) * s
    b_hh = jax.random.normal(ks[7], (3 * H,), dtype=jnp.float32) * s
    w_head = jax.random.normal(ks[8], (1, D_IN + H), dtype=jnp.float32) * (1.0 / np.sqrt(D_IN + H))
    b_head = jnp.zeros((1,), dtype=jnp.float32)
    return {"x": x, "edge_index": edge_index, "batch_index": batch_index,
            "weight": weight, "w_ih": w_ih, "w_hh": w_hh, "b_ih": b_ih, "b_hh": b_hh,
            "w_head": w_head, "b_head": b_head}


def reference(x, edge_index, batch_index, weight, w_ih, w_hh, b_ih, b_hh, w_head, b_head):
    # GatedGraphConv: pad input to hidden size if needed, then L rounds of
    # (linear -> scatter-add message passing -> GRUCell update)
    Hc = weight.shape[-1]
    h = x
    if h.shape[1] < Hc:
        h = jnp.pad(h, ((0, 0), (0, Hc - h.shape[1])))
    src = edge_index[0]
    dst = edge_index[1]
    for i in range(weight.shape[0]):
        m = h @ weight[i]
        # message = m[src], aggregated with 'add' at dst
        agg = jnp.zeros_like(h).at[dst].add(m[src])
        # torch.nn.GRUCell(agg, h)
        gi = agg @ w_ih.T + b_ih
        gh = h @ w_hh.T + b_hh
        i_r, i_z, i_n = jnp.split(gi, 3, axis=1)
        h_r, h_z, h_n = jnp.split(gh, 3, axis=1)
        r = jax.nn.sigmoid(i_r + h_r)
        z = jax.nn.sigmoid(i_z + h_z)
        n = jnp.tanh(i_n + r * h_n)
        h = (1.0 - z) * n + z * h
    feat = jnp.concatenate([x, h], axis=1)
    # head: Dropout (identity in eval) + Linear(in+hidden, 1)
    logits = feat @ w_head.T + b_head
    # global_add_pool over batch_index
    pooled = jax.ops.segment_sum(logits, batch_index, num_segments=G)
    out = jax.nn.sigmoid(pooled.squeeze(1))
    return out

if __name__ == "__main__":
    import jax
    _d = setup_inputs()
    print(jax.jit(kernel)(*tuple(_d.values())))

</pallas_src>

<mosaic_0001>
#map = affine_map<(d0, d1) -> (0, 0)>
#map1 = affine_map<(d0, d1) -> (0, 0, 0)>
module attributes {stable_mosaic.version = 14 : i64} {
  func.func @_sc_edge_aggregate(%arg0: i32, %arg1: i32, %arg2: memref<10000x128xf32, #tpu.memory_space<hbm>>, %arg3: memref<2560x128xi32, #tpu.memory_space<hbm>>, %arg4: memref<2560x128xi32, #tpu.memory_space<hbm>>, %arg5: memref<2x10112x128xf32, #tpu.memory_space<hbm>>, %arg6: memref<40x128xi32, #tpu.memory_space<vmem>>, %arg7: memref<40x128xi32, #tpu.memory_space<vmem>>, %arg8: memref<2x128x128xf32, #tpu.memory_space<vmem>>, %arg9: memref<10112x128xf32, #tpu.memory_space<vmem_shared>>, %arg10: memref<2x!tpu.dma_semaphore, #tpu.memory_space<semaphore_mem>>) attributes {dimension_semantics = [#tpu.dimension_semantics<core_parallel>, #tpu.dimension_semantics<subcore_parallel>], iteration_bounds = array<i64: 2, 16>, scalar_prefetch = 0 : i64, scratch_operands = 5 : i64, tpu.core_type = #tpu.core_type<sc_vector_subcore>, window_params = [{transform_indices = #map}, {transform_indices = #map}, {transform_indices = #map}, {transform_indices = #map1}]} {
    %eq3A = arith.constant 0 : i32
    %eq3A_0 = arith.cmpi eq, %arg0, %eq3A : i32
    %convert_element_type3A = arith.extui %eq3A_0 : i1 to i32
    %cond3A = arith.constant 0 : i32
    %cond3A_1 = arith.cmpi ne, %convert_element_type3A, %cond3A : i32
    scf.if %cond3A_1 {
      %broadcast_in_dim3A = arith.constant 0.000000e+00 : f32
      %broadcast_in_dim3A_2 = vector.broadcast %broadcast_in_dim3A : f32 to vector<16xf32>
      %scan3A = arith.constant 0 : i32
      %scan3A_3 = arith.constant 0 : i32
      %scan3A_4 = arith.constant 128 : i32
      %scan3A_5 = arith.addi %scan3A_3, %scan3A_4 : i32
      %scan3A_6 = arith.constant 1 : i32
      scf.for %scan3A_63 = %scan3A_3 to %scan3A_5 step %scan3A_6  : i32 {
        %swap3A = arith.constant 0 : i32
        %swap3A_64 = arith.index_cast %swap3A : i32 to index
        %swap3A_65 = arith.index_cast %scan3A_63 : i32 to index
        %swap3A_66 = arith.constant 0 : index
        %swap3A_67 = tpu.vector_load %arg8[%swap3A_64, %swap3A_65, %swap3A_66] {strides = array<i32>} : memref<2x128x128xf32, #tpu.memory_space<vmem>>, vector<1x1x16xf32>,
        %swap3A_68 = vector.shape_cast %swap3A_67 : vector<1x1x16xf32> to vector<16xf32>
        %swap3A_69 = vector.shape_cast %broadcast_in_dim3A_2 : vector<16xf32> to vector<1x1x16xf32>
        tpu.vector_store %arg8[%swap3A_64, %swap3A_65, %swap3A_66], %swap3A_69 {strides = array<i32>} : memref<2x128x128xf32, #tpu.memory_space<vmem>>, vector<1x1x16xf32>,
        %swap3A_70 = arith.constant 0 : i32
        %swap3A_71 = arith.index_cast %swap3A_70 : i32 to index
        %swap3A_72 = arith.index_cast %scan3A_63 : i32 to index
        %swap3A_73 = arith.constant 16 : index
        %swap3A_74 = tpu.vector_load %arg8[%swap3A_71, %swap3A_72, %swap3A_73] {strides = array<i32>} : memref<2x128x128xf32, #tpu.memory_space<vmem>>, vector<1x1x16xf32>,
        %swap3A_75 = vector.shape_cast %swap3A_74 : vector<1x1x16xf32> to vector<16xf32>
        %swap3A_76 = vector.shape_cast %broadcast_in_dim3A_2 : vector<16xf32> to vector<1x1x16xf32>
        tpu.vector_store %arg8[%swap3A_71, %swap3A_72, %swap3A_73], %swap3A_76 {strides = array<i32>} : memref<2x128x128xf32, #tpu.memory_space<vmem>>, vector<1x1x16xf32>,
        %swap3A_77 = arith.constant 0 : i32
        %swap3A_78 = arith.index_cast %swap3A_77 : i32 to index
        %swap3A_79 = arith.index_cast %scan3A_63 : i32 to index
        %swap3A_80 = arith.constant 32 : index
        %swap3A_81 = tpu.vector_load %arg8[%swap3A_78, %swap3A_79, %swap3A_80] {strides = array<i32>} : memref<2x128x128xf32, #tpu.memory_space<vmem>>, vector<1x1x16xf32>,
        %swap3A_82 = vector.shape_cast %swap3A_81 : vector<1x1x16xf32> to vector<16xf32>
        %swap3A_83 = vector.shape_cast %broadcast_in_dim3A_2 : vector<16xf32> to vector<1x1x16xf32>
        tpu.vector_store %arg8[%swap3A_78, %swap3A_79, %swap3A_80], %swap3A_83 {strides = array<i32>} : memref<2x128x128xf32, #tpu.memory_space<vmem>>, vector<1x1x16xf32>,
        %swap3A_84 = arith.constant 0 : i32
        %swap3A_85 = arith.index_cast %swap3A_84 : i32 to index
        %swap3A_86 = arith.index_cast %scan3A_63 : i32 to index
        %swap3A_87 = arith.constant 48 : index
        %swap3A_88 = tpu.vector_load %arg8[%swap3A_85, %swap3A_86, %swap3A_87] {strides = array<i32>} : memref<2x128x128xf32, #tpu.memory_space<vmem>>, vector<1x1x16xf32>,
        %swap3A_89 = vector.shape_cast %swap3A_88 : vector<1x1x16xf32> to vector<16xf32>
        %swap3A_90 = vector.shape_cast %broadcast_in_dim3A_2 : vector<16xf32> to vector<1x1x16xf32>
        tpu.vector_store %arg8[%swap3A_85, %swap3A_86, %swap3A_87], %swap3A_90 {strides = array<i32>} : memref<2x128x128xf32, #tpu.memory_space<vmem>>, vector<1x1x16xf32>,
        %swap3A_91 = arith.constant 0 : i32
        %swap3A_92 = arith.index_cast %swap3A_91 : i32 to index
        %swap3A_93 = arith.index_cast %scan3A_63 : i32 to index
        %swap3A_94 = arith.constant 64 : index
        %swap3A_95 = tpu.vector_load %arg8[%swap3A_92, %swap3A_93, %swap3A_94] {strides = array<i32>} : memref<2x128x128xf32, #tpu.memory_space<vmem>>, vector<1x1x16xf32>,
        %swap3A_96 = vector.shape_cast %swap3A_95 : vector<1x1x16xf32> to vector<16xf32>
        %swap3A_97 = vector.shape_cast %broadcast_in_dim3A_2 : vector<16xf32> to vector<1x1x16xf32>
        tpu.vector_store %arg8[%swap3A_92, %swap3A_93, %swap3A_94], %swap3A_97 {strides = array<i32>} : memref<2x128x128xf32, #tpu.memory_space<vmem>>, vector<1x1x16xf32>,
        %swap3A_98 = arith.constant 0 : i32
        %swap3A_99 = arith.index_cast %swap3A_98 : i32 to index
        %swap3A_100 = arith.index_cast %scan3A_63 : i32 to index
        %swap3A_101 = arith.constant 80 : index
        %swap3A_102 = tpu.vector_load %arg8[%swap3A_99, %swap3A_100, %swap3A_101] {strides = array<i32>} : memref<2x128x128xf32, #tpu.memory_space<vmem>>, vector<1x1x16xf32>,
        %swap3A_103 = vector.shape_cast %swap3A_102 : vector<1x1x16xf32> to vector<16xf32>
        %swap3A_104 = vector.shape_cast %broadcast_in_dim3A_2 : vector<16xf32> to vector<1x1x16xf32>
        tpu.vector_store %arg8[%swap3A_99, %swap3A_100, %swap3A_101], %swap3A_104 {strides = array<i32>} : memref<2x128x128xf32, #tpu.memory_space<vmem>>, vector<1x1x16xf32>,
        %swap3A_105 = arith.constant 0 : i32
        %swap3A_106 = arith.index_cast %swap3A_105 : i32 to index
        %swap3A_107 = arith.index_cast %scan3A_63 : i32 to index
        %swap3A_108 = arith.constant 96 : index
        %swap3A_109 = tpu.vector_load %arg8[%swap3A_106, %swap3A_107, %swap3A_108] {strides = array<i32>} : memref<2x128x128xf32, #tpu.memory_space<vmem>>, vector<1x1x16xf32>,
        %swap3A_110 = vector.shape_cast %swap3A_109 : vector<1x1x16xf32> to vector<16xf32>
        %swap3A_111 = vector.shape_cast %broadcast_in_dim3A_2 : vector<16xf32> to vector<1x1x16xf32>
        tpu.vector_store %arg8[%swap3A_106, %swap3A_107, %swap3A_108], %swap3A_111 {strides = array<i32>} : memref<2x128x128xf32, #tpu.memory_space<vmem>>, vector<1x1x16xf32>,
        %swap3A_112 = arith.constant 0 : i32
        %swap3A_113 = arith.index_cast %swap3A_112 : i32 to index
        %swap3A_114 = arith.index_cast %scan3A_63 : i32 to index
        %swap3A_115 = arith.constant 112 : index
        %swap3A_116 = tpu.vector_load %arg8[%swap3A_113, %swap3A_114, %swap3A_115] {strides = array<i32>} : memref<2x128x128xf32, #tpu.memory_space<vmem>>, vector<1x1x16xf32>,
        %swap3A_117 = vector.shape_cast %swap3A_116 : vector<1x1x16xf32> to vector<16xf32>
        %swap3A_118 = vector.shape_cast %broadcast_in_dim3A_2 : vector<16xf32> to vector<1x1x16xf32>
        tpu.vector_store %arg8[%swap3A_113, %swap3A_114, %swap3A_115], %swap3A_118 {strides = array<i32>} : memref<2x128x128xf32, #tpu.memory_space<vmem>>, vector<1x1x16xf32>,
      }
      %scan3A_7 = arith.constant 128 : i32
      %mul3A = arith.constant 632 : i32
      %mul3A_8 = arith.muli %arg1, %mul3A : i32
      %add3A = arith.constant 0 : i32
      %add3A_9 = arith.addi %mul3A_8, %add3A : i32
      %run_scoped3A = arith.constant 0 : i32
      "tpu.region"() ({
        %run_scoped3A_63 = tpu.sem_alloc : memref<!tpu.dma_semaphore, #tpu.memory_space<semaphore_mem>>
        %dma_start3A_64 = arith.constant 0 : i32
        %dma_start3A_65 = arith.constant 0 : i32
        %dma_start3A_66 = tpu.memref_slice %arg8[%run_scoped3A, %dma_start3A_64, %dma_start3A_65] : memref<2x128x128xf32, #tpu.memory_space<vmem>> -> memref<1x128x128xf32, #tpu.memory_space<vmem>>
        %dma_start3A_67 = tpu.memref_squeeze %dma_start3A_66 : memref<1x128x128xf32, #tpu.memory_space<vmem>> -> memref<128x128xf32, #tpu.memory_space<vmem>>
        %dma_start3A_68 = arith.constant 0 : i32
        %dma_start3A_69 = tpu.memref_slice %arg9[%add3A_9, %dma_start3A_68] : memref<10112x128xf32, #tpu.memory_space<vmem_shared>> -> memref<128x128xf32, #tpu.memory_space<vmem_shared>>
        %dma_start3A_70 = arith.constant 0 : i32
        %dma_start3A_71 = tpu.memref_slice %arg9[%add3A_9, %dma_start3A_70] : memref<10112x128xf32, #tpu.memory_space<vmem_shared>> -> memref<128x128xf32, #tpu.memory_space<vmem_shared>>
        %dma_start3A_72 = arith.constant 0 : i32
        %dma_start3A_73 = arith.constant 0 : i32
        %dma_start3A_74 = tpu.memref_slice %arg8[%run_scoped3A, %dma_start3A_72, %dma_start3A_73] : memref<2x128x128xf32, #tpu.memory_space<vmem>> -> memref<1x128x128xf32, #tpu.memory_space<vmem>>
        %dma_start3A_75 = tpu.memref_squeeze %dma_start3A_74 : memref<1x128x128xf32, #tpu.memory_space<vmem>> -> memref<128x128xf32, #tpu.memory_space<vmem>>
        tpu.enqueue_dma source(%dma_start3A_75 : memref<128x128xf32, #tpu.memory_space<vmem>>) target(%dma_start3A_71 : memref<128x128xf32, #tpu.memory_space<vmem_shared>>) target_semaphore(%run_scoped3A_63 : memref<!tpu.dma_semaphore, #tpu.memory_space<semaphore_mem>>)
        %dma_wait3A = arith.constant 0 : i32
        %dma_wait3A_76 = arith.constant 0 : i32
        %dma_wait3A_77 = tpu.memref_slice %arg8[%run_scoped3A, %dma_wait3A, %dma_wait3A_76] : memref<2x128x128xf32, #tpu.memory_space<vmem>> -> memref<1x128x128xf32, #tpu.memory_space<vmem>>
        %dma_wait3A_78 = tpu.memref_squeeze %dma_wait3A_77 : memref<1x128x128xf32, #tpu.memory_space<vmem>> -> memref<128x128xf32, #tpu.memory_space<vmem>>
        %dma_wait3A_79 = arith.constant 0 : i32
        %dma_wait3A_80 = tpu.memref_slice %arg9[%add3A_9, %dma_wait3A_79] : memref<10112x128xf32, #tpu.memory_space<vmem_shared>> -> memref<128x128xf32, #tpu.memory_space<vmem_shared>>
        %dma_wait3A_81 = arith.constant 0 : i32
        %dma_wait3A_82 = tpu.memref_slice %arg9[%add3A_9, %dma_wait3A_81] : memref<10112x128xf32, #tpu.memory_space<vmem_shared>> -> memref<128x128xf32, #tpu.memory_space<vmem_shared>>
        %dma_wait3A_83 = arith.constant 0 : i32
        %dma_wait3A_84 = arith.constant 0 : i32
        %dma_wait3A_85 = tpu.memref_slice %arg8[%run_scoped3A, %dma_wait3A_83, %dma_wait3A_84] : memref<2x128x128xf32, #tpu.memory_space<vmem>> -> memref<1x128x128xf32, #tpu.memory_space<vmem>>
        %dma_wait3A_86 = tpu.memref_squeeze %dma_wait3A_85 : memref<1x128x128xf32, #tpu.memory_space<vmem>> -> memref<128x128xf32, #tpu.memory_space<vmem>>
        tpu.wait_dma2 semaphore(%run_scoped3A_63 : memref<!tpu.dma_semaphore, #tpu.memory_space<semaphore_mem>>) src(%dma_wait3A_86 : memref<128x128xf32, #tpu.memory_space<vmem>>) dst(%dma_wait3A_82 : memref<128x128xf32, #tpu.memory_space<vmem_shared>>)
        tpu.yield
      }) : () -> ()
      %add3A_10 = arith.constant 128 : i32
      %add3A_11 = arith.addi %mul3A_8, %add3A_10 : i32
      %run_scoped3A_12 = arith.constant 0 : i32
      "tpu.region"() ({
        %run_scoped3A_63 = tpu.sem_alloc : memref<!tpu.dma_semaphore, #tpu.memory_space<semaphore_mem>>
        %dma_start3A_64 = arith.constant 0 : i32
        %dma_start3A_65 = arith.constant 0 : i32
        %dma_start3A_66 = tpu.memref_slice %arg8[%run_scoped3A_12, %dma_start3A_64, %dma_start3A_65] : memref<2x128x128xf32, #tpu.memory_space<vmem>> -> memref<1x128x128xf32, #tpu.memory_space<vmem>>
        %dma_start3A_67 = tpu.memref_squeeze %dma_start3A_66 : memref<1x128x128xf32, #tpu.memory_space<vmem>> -> memref<128x128xf32, #tpu.memory_space<vmem>>
        %dma_start3A_68 = arith.constant 0 : i32
        %dma_start3A_69 = tpu.memref_slice %arg9[%add3A_11, %dma_start3A_68] : memref<10112x128xf32, #tpu.memory_space<vmem_shared>> -> memref<128x128xf32, #tpu.memory_space<vmem_shared>>
        %dma_start3A_70 = arith.constant 0 : i32
        %dma_start3A_71 = tpu.memref_slice %arg9[%add3A_11, %dma_start3A_70] : memref<10112x128xf32, #tpu.memory_space<vmem_shared>> -> memref<128x128xf32, #tpu.memory_space<vmem_shared>>
        %dma_start3A_72 = arith.constant 0 : i32
        %dma_start3A_73 = arith.constant 0 : i32
        %dma_start3A_74 = tpu.memref_slice %arg8[%run_scoped3A_12, %dma_start3A_72, %dma_start3A_73] : memref<2x128x128xf32, #tpu.memory_space<vmem>> -> memref<1x128x128xf32, #tpu.memory_space<vmem>>
        %dma_start3A_75 = tpu.memref_squeeze %dma_start3A_74 : memref<1x128x128xf32, #tpu.memory_space<vmem>> -> memref<128x128xf32, #tpu.memory_space<vmem>>
        tpu.enqueue_dma source(%dma_start3A_75 : memref<128x128xf32, #tpu.memory_space<vmem>>) target(%dma_start3A_71 : memref<128x128xf32, #tpu.memory_space<vmem_shared>>) target_semaphore(%run_scoped3A_63 : memref<!tpu.dma_semaphore, #tpu.memory_space<semaphore_mem>>)
        %dma_wait3A = arith.constant 0 : i32
        %dma_wait3A_76 = arith.constant 0 : i32
        %dma_wait3A_77 = tpu.memref_slice %arg8[%run_scoped3A_12, %dma_wait3A, %dma_wait3A_76] : memref<2x128x128xf32, #tpu.memory_space<vmem>> -> memref<1x128x128xf32, #tpu.memory_space<vmem>>
        %dma_wait3A_78 = tpu.memref_squeeze %dma_wait3A_77 : memref<1x128x128xf32, #tpu.memory_space<vmem>> -> memref<128x128xf32, #tpu.memory_space<vmem>>
        %dma_wait3A_79 = arith.constant 0 : i32
        %dma_wait3A_80 = tpu.memref_slice %arg9[%add3A_11, %dma_wait3A_79] : memref<10112x128xf32, #tpu.memory_space<vmem_shared>> -> memref<128x128xf32, #tpu.memory_space<vmem_shared>>
        %dma_wait3A_81 = arith.constant 0 : i32
        %dma_wait3A_82 = tpu.memref_slice %arg9[%add3A_11, %dma_wait3A_81] : memref<10112x128xf32, #tpu.memory_space<vmem_shared>> -> memref<128x128xf32, #tpu.memory_space<vmem_shared>>
        %dma_wait3A_83 = arith.constant 0 : i32
        %dma_wait3A_84 = arith.constant 0 : i32
        %dma_wait3A_85 = tpu.memref_slice %arg8[%run_scoped3A_12, %dma_wait3A_83, %dma_wait3A_84] : memref<2x128x128xf32, #tpu.memory_space<vmem>> -> memref<1x128x128xf32, #tpu.memory_space<vmem>>
        %dma_wait3A_86 = tpu.memref_squeeze %dma_wait3A_85 : memref<1x128x128xf32, #tpu.memory_space<vmem>> -> memref<128x128xf32, #tpu.memory_space<vmem>>
        tpu.wait_dma2 semaphore(%run_scoped3A_63 : memref<!tpu.dma_semaphore, #tpu.memory_space<semaphore_mem>>) src(%dma_wait3A_86 : memref<128x128xf32, #tpu.memory_space<vmem>>) dst(%dma_wait3A_82 : memref<128x128xf32, #tpu.memory_space<vmem_shared>>)
        tpu.yield
      }) : () -> ()
      %add3A_13 = arith.constant 256 : i32
      %add3A_14 = arith.addi %mul3A_8, %add3A_13 : i32
      %run_scoped3A_15 = arith.constant 0 : i32
      "tpu.region"() ({
        %run_scoped3A_63 = tpu.sem_alloc : memref<!tpu.dma_semaphore, #tpu.memory_space<semaphore_mem>>
        %dma_start3A_64 = arith.constant 0 : i32
        %dma_start3A_65 = arith.constant 0 : i32
        %dma_start3A_66 = tpu.memref_slice %arg8[%run_scoped3A_15, %dma_start3A_64, %dma_start3A_65] : memref<2x128x128xf32, #tpu.memory_space<vmem>> -> memref<1x128x128xf32, #tpu.memory_space<vmem>>
        %dma_start3A_67 = tpu.memref_squeeze %dma_start3A_66 : memref<1x128x128xf32, #tpu.memory_space<vmem>> -> memref<128x128xf32, #tpu.memory_space<vmem>>
        %dma_start3A_68 = arith.constant 0 : i32
        %dma_start3A_69 = tpu.memref_slice %arg9[%add3A_14, %dma_start3A_68] : memref<10112x128xf32, #tpu.memory_space<vmem_shared>> -> memref<128x128xf32, #tpu.memory_space<vmem_shared>>
        %dma_start3A_70 = arith.constant 0 : i32
        %dma_start3A_71 = tpu.memref_slice %arg9[%add3A_14, %dma_start3A_70] : memref<10112x128xf32, #tpu.memory_space<vmem_shared>> -> memref<128x128xf32, #tpu.memory_space<vmem_shared>>
        %dma_start3A_72 = arith.constant 0 : i32
        %dma_start3A_73 = arith.constant 0 : i32
        %dma_start3A_74 = tpu.memref_slice %arg8[%run_scoped3A_15, %dma_start3A_72, %dma_start3A_73] : memref<2x128x128xf32, #tpu.memory_space<vmem>> -> memref<1x128x128xf32, #tpu.memory_space<vmem>>
        %dma_start3A_75 = tpu.memref_squeeze %dma_start3A_74 : memref<1x128x128xf32, #tpu.memory_space<vmem>> -> memref<128x128xf32, #tpu.memory_space<vmem>>
        tpu.enqueue_dma source(%dma_start3A_75 : memref<128x128xf32, #tpu.memory_space<vmem>>) target(%dma_start3A_71 : memref<128x128xf32, #tpu.memory_space<vmem_shared>>) target_semaphore(%run_scoped3A_63 : memref<!tpu.dma_semaphore, #tpu.memory_space<semaphore_mem>>)
        %dma_wait3A = arith.constant 0 : i32
        %dma_wait3A_76 = arith.constant 0 : i32
        %dma_wait3A_77 = tpu.memref_slice %arg8[%run_scoped3A_15, %dma_wait3A, %dma_wait3A_76] : memref<2x128x128xf32, #tpu.memory_space<vmem>> -> memref<1x128x128xf32, #tpu.memory_space<vmem>>
        %dma_wait3A_78 = tpu.memref_squeeze %dma_wait3A_77 : memref<1x128x128xf32, #tpu.memory_space<vmem>> -> memref<128x128xf32, #tpu.memory_space<vmem>>
        %dma_wait3A_79 = arith.constant 0 : i32
        %dma_wait3A_80 = tpu.memref_slice %arg9[%add3A_14, %dma_wait3A_79] : memref<10112x128xf32, #tpu.memory_space<vmem_shared>> -> memref<128x128xf32, #tpu.memory_space<vmem_shared>>
        %dma_wait3A_81 = arith.constant 0 : i32
        %dma_wait3A_82 = tpu.memref_slice %arg9[%add3A_14, %dma_wait3A_81] : memref<10112x128xf32, #tpu.memory_space<vmem_shared>> -> memref<128x128xf32, #tpu.memory_space<vmem_shared>>
        %dma_wait3A_83 = arith.constant 0 : i32
        %dma_wait3A_84 = arith.constant 0 : i32
        %dma_wait3A_85 = tpu.memref_slice %arg8[%run_scoped3A_15, %dma_wait3A_83, %dma_wait3A_84] : memref<2x128x128xf32, #tpu.memory_space<vmem>> -> memref<1x128x128xf32, #tpu.memory_space<vmem>>
        %dma_wait3A_86 = tpu.memref_squeeze %dma_wait3A_85 : memref<1x128x128xf32, #tpu.memory_space<vmem>> -> memref<128x128xf32, #tpu.memory_space<vmem>>
        tpu.wait_dma2 semaphore(%run_scoped3A_63 : memref<!tpu.dma_semaphore, #tpu.memory_space<semaphore_mem>>) src(%dma_wait3A_86 : memref<128x128xf32, #tpu.memory_space<vmem>>) dst(%dma_wait3A_82 : memref<128x128xf32, #tpu.memory_space<vmem_shared>>)
        tpu.yield
      }) : () -> ()
      %add3A_16 = arith.constant 384 : i32
      %add3A_17 = arith.addi %mul3A_8, %add3A_16 : i32
      %run_scoped3A_18 = arith.constant 0 : i32
      "tpu.region"() ({
        %run_scoped3A_63 = tpu.sem_alloc : memref<!tpu.dma_semaphore, #tpu.memory_space<semaphore_mem>>
        %dma_start3A_64 = arith.constant 0 : i32
        %dma_start3A_65 = arith.constant 0 : i32
        %dma_start3A_66 = tpu.memref_slice %arg8[%run_scoped3A_18, %dma_start3A_64, %dma_start3A_65] : memref<2x128x128xf32, #tpu.memory_space<vmem>> -> memref<1x128x128xf32, #tpu.memory_space<vmem>>
        %dma_start3A_67 = tpu.memref_squeeze %dma_start3A_66 : memref<1x128x128xf32, #tpu.memory_space<vmem>> -> memref<128x128xf32, #tpu.memory_space<vmem>>
        %dma_start3A_68 = arith.constant 0 : i32
        %dma_start3A_69 = tpu.memref_slice %arg9[%add3A_17, %dma_start3A_68] : memref<10112x128xf32, #tpu.memory_space<vmem_shared>> -> memref<128x128xf32, #tpu.memory_space<vmem_shared>>
        %dma_start3A_70 = arith.constant 0 : i32
        %dma_start3A_71 = tpu.memref_slice %arg9[%add3A_17, %dma_start3A_70] : memref<10112x128xf32, #tpu.memory_space<vmem_shared>> -> memref<128x128xf32, #tpu.memory_space<vmem_shared>>
        %dma_start3A_72 = arith.constant 0 : i32
        %dma_start3A_73 = arith.constant 0 : i32
        %dma_start3A_74 = tpu.memref_slice %arg8[%run_scoped3A_18, %dma_start3A_72, %dma_start3A_73] : memref<2x128x128xf32, #tpu.memory_space<vmem>> -> memref<1x128x128xf32, #tpu.memory_space<vmem>>
        %dma_start3A_75 = tpu.memref_squeeze %dma_start3A_74 : memref<1x128x128xf32, #tpu.memory_space<vmem>> -> memref<128x128xf32, #tpu.memory_space<vmem>>
        tpu.enqueue_dma source(%dma_start3A_75 : memref<128x128xf32, #tpu.memory_space<vmem>>) target(%dma_start3A_71 : memref<128x128xf32, #tpu.memory_space<vmem_shared>>) target_semaphore(%run_scoped3A_63 : memref<!tpu.dma_semaphore, #tpu.memory_space<semaphore_mem>>)
        %dma_wait3A = arith.constant 0 : i32
        %dma_wait3A_76 = arith.constant 0 : i32
        %dma_wait3A_77 = tpu.memref_slice %arg8[%run_scoped3A_18, %dma_wait3A, %dma_wait3A_76] : memref<2x128x128xf32, #tpu.memory_space<vmem>> -> memref<1x128x128xf32, #tpu.memory_space<vmem>>
        %dma_wait3A_78 = tpu.memref_squeeze %dma_wait3A_77 : memref<1x128x128xf32, #tpu.memory_space<vmem>> -> memref<128x128xf32, #tpu.memory_space<vmem>>
        %dma_wait3A_79 = arith.constant 0 : i32
        %dma_wait3A_80 = tpu.memref_slice %arg9[%add3A_17, %dma_wait3A_79] : memref<10112x128xf32, #tpu.memory_space<vmem_shared>> -> memref<128x128xf32, #tpu.memory_space<vmem_shared>>
        %dma_wait3A_81 = arith.constant 0 : i32
        %dma_wait3A_82 = tpu.memref_slice %arg9[%add3A_17, %dma_wait3A_81] : memref<10112x128xf32, #tpu.memory_space<vmem_shared>> -> memref<128x128xf32, #tpu.memory_space<vmem_shared>>
        %dma_wait3A_83 = arith.constant 0 : i32
        %dma_wait3A_84 = arith.constant 0 : i32
        %dma_wait3A_85 = tpu.memref_slice %arg8[%run_scoped3A_18, %dma_wait3A_83, %dma_wait3A_84] : memref<2x128x128xf32, #tpu.memory_space<vmem>> -> memref<1x128x128xf32, #tpu.memory_space<vmem>>
        %dma_wait3A_86 = tpu.memref_squeeze %dma_wait3A_85 : memref<1x128x128xf32, #tpu.memory_space<vmem>> -> memref<128x128xf32, #tpu.memory_space<vmem>>
        tpu.wait_dma2 semaphore(%run_scoped3A_63 : memref<!tpu.dma_semaphore, #tpu.memory_space<semaphore_mem>>) src(%dma_wait3A_86 : memref<128x128xf32, #tpu.memory_space<vmem>>) dst(%dma_wait3A_82 : memref<128x128xf32, #tpu.memory_space<vmem_shared>>)
        tpu.yield
      }) : () -> ()
      %add3A_19 = arith.constant 512 : i32
      %add3A_20 = arith.addi %mul3A_8, %add3A_19 : i32
      %run_scoped3A_21 = arith.constant 0 : i32
      "tpu.region"() ({
        %run_scoped3A_63 = tpu.sem_alloc : memref<!tpu.dma_semaphore, #tpu.memory_space<semaphore_mem>>
        %dma_start3A_64 = arith.constant 0 : i32
        %dma_start3A_65 = arith.constant 0 : i32
        %dma_start3A_66 = tpu.memref_slice %arg8[%run_scoped3A_21, %dma_start3A_64, %dma_start3A_65] : memref<2x128x128xf32, #tpu.memory_space<vmem>> -> memref<1x120x128xf32, #tpu.memory_space<vmem>>
        %dma_start3A_67 = tpu.memref_squeeze %dma_start3A_66 : memref<1x120x128xf32, #tpu.memory_space<vmem>> -> memref<120x128xf32, #tpu.memory_space<vmem>>
        %dma_start3A_68 = arith.constant 0 : i32
        %dma_start3A_69 = tpu.memref_slice %arg9[%add3A_20, %dma_start3A_68] : memref<10112x128xf32, #tpu.memory_space<vmem_shared>> -> memref<120x128xf32, #tpu.memory_space<vmem_shared>>
        %dma_start3A_70 = arith.constant 0 : i32
        %dma_start3A_71 = tpu.memref_slice %arg9[%add3A_20, %dma_start3A_70] : memref<10112x128xf32, #tpu.memory_space<vmem_shared>> -> memref<120x128xf32, #tpu.memory_space<vmem_shared>>
        %dma_start3A_72 = arith.constant 0 : i32
        %dma_start3A_73 = arith.constant 0 : i32
        %dma_start3A_74 = tpu.memref_slice %arg8[%run_scoped3A_21, %dma_start3A_72, %dma_start3A_73] : memref<2x128x128xf32, #tpu.memory_space<vmem>> -> memref<1x120x128xf32, #tpu.memory_space<vmem>>
        %dma_start3A_75 = tpu.memref_squeeze %dma_start3A_74 : memref<1x120x128xf32, #tpu.memory_space<vmem>> -> memref<120x128xf32, #tpu.memory_space<vmem>>
        tpu.enqueue_dma source(%dma_start3A_75 : memref<120x128xf32, #tpu.memory_space<vmem>>) target(%dma_start3A_71 : memref<120x128xf32, #tpu.memory_space<vmem_shared>>) target_semaphore(%run_scoped3A_63 : memref<!tpu.dma_semaphore, #tpu.memory_space<semaphore_mem>>)
        %dma_wait3A = arith.constant 0 : i32
        %dma_wait3A_76 = arith.constant 0 : i32
        %dma_wait3A_77 = tpu.memref_slice %arg8[%run_scoped3A_21, %dma_wait3A, %dma_wait3A_76] : memref<2x128x128xf32, #tpu.memory_space<vmem>> -> memref<1x120x128xf32, #tpu.memory_space<vmem>>
        %dma_wait3A_78 = tpu.memref_squeeze %dma_wait3A_77 : memref<1x120x128xf32, #tpu.memory_space<vmem>> -> memref<120x128xf32, #tpu.memory_space<vmem>>
        %dma_wait3A_79 = arith.constant 0 : i32
        %dma_wait3A_80 = tpu.memref_slice %arg9[%add3A_20, %dma_wait3A_79] : memref<10112x128xf32, #tpu.memory_space<vmem_shared>> -> memref<120x128xf32, #tpu.memory_space<vmem_shared>>
        %dma_wait3A_81 = arith.constant 0 : i32
        %dma_wait3A_82 = tpu.memref_slice %arg9[%add3A_20, %dma_wait3A_81] : memref<10112x128xf32, #tpu.memory_space<vmem_shared>> -> memref<120x128xf32, #tpu.memory_space<vmem_shared>>
        %dma_wait3A_83 = arith.constant 0 : i32
        %dma_wait3A_84 = arith.constant 0 : i32
        %dma_wait3A_85 = tpu.memref_slice %arg8[%run_scoped3A_21, %dma_wait3A_83, %dma_wait3A_84] : memref<2x128x128xf32, #tpu.memory_space<vmem>> -> memref<1x120x128xf32, #tpu.memory_space<vmem>>
        %dma_wait3A_86 = tpu.memref_squeeze %dma_wait3A_85 : memref<1x120x128xf32, #tpu.memory_space<vmem>> -> memref<120x128xf32, #tpu.memory_space<vmem>>
        tpu.wait_dma2 semaphore(%run_scoped3A_63 : memref<!tpu.dma_semaphore, #tpu.memory_space<semaphore_mem>>) src(%dma_wait3A_86 : memref<120x128xf32, #tpu.memory_space<vmem>>) dst(%dma_wait3A_82 : memref<120x128xf32, #tpu.memory_space<vmem_shared>>)
        tpu.yield
      }) : () -> ()
      %eq3A_22 = arith.constant 0 : i32
      %eq3A_23 = arith.cmpi eq, %arg0, %eq3A_22 : i32
      %mul3A_24 = arith.constant 120 : i32
      %mul3A_25 = arith.muli %arg1, %mul3A_24 : i32
      %mul3A_26 = arith.constant 40 : i32
      %mul3A_27 = arith.muli %arg1, %mul3A_26 : i32
      %add3A_28 = arith.constant 1920 : i32
      %add3A_29 = arith.addi %add3A_28, %mul3A_27 : i32
      %select_n3A = arith.select %eq3A_23, %mul3A_25, %add3A_29 : i32
      %eq3A_30 = arith.constant 0 : i32
      %eq3A_31 = arith.cmpi eq, %arg0, %eq3A_30 : i32
      %select_n3A_32 = arith.constant 40 : i32
      %select_n3A_33 = arith.constant 120 : i32
      %select_n3A_34 = arith.select %eq3A_31, %select_n3A_33, %select_n3A_32 : i32
      "tpu.region"() ({
        %run_scoped3A_63 = tpu.sem_alloc : memref<!tpu.dma_semaphore, #tpu.memory_space<semaphore_mem>>
        %dma_start3A_64 = arith.constant 0 : i32
        %dma_start3A_65 = tpu.memref_slice %arg3[%select_n3A, %dma_start3A_64] : memref<2560x128xi32, #tpu.memory_space<hbm>> -> memref<40x128xi32, #tpu.memory_space<hbm>>
        %dma_start3A_66 = arith.constant 0 : i32
        %dma_start3A_67 = tpu.memref_slice %arg3[%select_n3A, %dma_start3A_66] : memref<2560x128xi32, #tpu.memory_space<hbm>> -> memref<40x128xi32, #tpu.memory_space<hbm>>
        tpu.enqueue_dma source(%dma_start3A_67 : memref<40x128xi32, #tpu.memory_space<hbm>>) target(%arg6 : memref<40x128xi32, #tpu.memory_space<vmem>>) target_semaphore(%run_scoped3A_63 : memref<!tpu.dma_semaphore, #tpu.memory_space<semaphore_mem>>)
        %dma_wait3A = arith.constant 0 : i32
        %dma_wait3A_68 = tpu.memref_slice %arg3[%select_n3A, %dma_wait3A] : memref<2560x128xi32, #tpu.memory_space<hbm>> -> memref<40x128xi32, #tpu.memory_space<hbm>>
        %dma_wait3A_69 = arith.constant 0 : i32
        %dma_wait3A_70 = tpu.memref_slice %arg3[%select_n3A, %dma_wait3A_69] : memref<2560x128xi32, #tpu.memory_space<hbm>> -> memref<40x128xi32, #tpu.memory_space<hbm>>
        tpu.wait_dma2 semaphore(%run_scoped3A_63 : memref<!tpu.dma_semaphore, #tpu.memory_space<semaphore_mem>>) src(%dma_wait3A_70 : memref<40x128xi32, #tpu.memory_space<hbm>>) dst(%arg6 : memref<40x128xi32, #tpu.memory_space<vmem>>)
        tpu.yield
      }) : () -> ()
      "tpu.region"() ({
        %run_scoped3A_63 = tpu.sem_alloc : memref<!tpu.dma_semaphore, #tpu.memory_space<semaphore_mem>>
        %dma_start3A_64 = arith.constant 0 : i32
        %dma_start3A_65 = tpu.memref_slice %arg4[%select_n3A, %dma_start3A_64] : memref<2560x128xi32, #tpu.memory_space<hbm>> -> memref<40x128xi32, #tpu.memory_space<hbm>>
        %dma_start3A_66 = arith.constant 0 : i32
        %dma_start3A_67 = tpu.memref_slice %arg4[%select_n3A, %dma_start3A_66] : memref<2560x128xi32, #tpu.memory_space<hbm>> -> memref<40x128xi32, #tpu.memory_space<hbm>>
        tpu.enqueue_dma source(%dma_start3A_67 : memref<40x128xi32, #tpu.memory_space<hbm>>) target(%arg7 : memref<40x128xi32, #tpu.memory_space<vmem>>) target_semaphore(%run_scoped3A_63 : memref<!tpu.dma_semaphore, #tpu.memory_space<semaphore_mem>>)
        %dma_wait3A = arith.constant 0 : i32
        %dma_wait3A_68 = tpu.memref_slice %arg4[%select_n3A, %dma_wait3A] : memref<2560x128xi32, #tpu.memory_space<hbm>> -> memref<40x128xi32, #tpu.memory_space<hbm>>
        %dma_wait3A_69 = arith.constant 0 : i32
        %dma_wait3A_70 = tpu.memref_slice %arg4[%select_n3A, %dma_wait3A_69] : memref<2560x128xi32, #tpu.memory_space<hbm>> -> memref<40x128xi32, #tpu.memory_space<hbm>>
        tpu.wait_dma2 semaphore(%run_scoped3A_63 : memref<!tpu.dma_semaphore, #tpu.memory_space<semaphore_mem>>) src(%dma_wait3A_70 : memref<40x128xi32, #tpu.memory_space<hbm>>) dst(%arg7 : memref<40x128xi32, #tpu.memory_space<vmem>>)
        tpu.yield
      }) : () -> ()
      %barrier3A = arith.constant 0 : index
      tpu.barrier barrier_id(%barrier3A)
      %dma_start3A = arith.constant 0 : i32
      %dma_start3A_35 = arith.constant 0 : i32
      %dma_start3A_36 = arith.constant 0 : i32
      %dma_start3A_37 = arith.constant 0 : i32
      %dma_start3A_38 = arith.constant 0 : i32
      %dma_start3A_39 = tpu.memref_slice %arg8[%dma_start3A_35, %dma_start3A_37, %dma_start3A_38] : memref<2x128x128xf32, #tpu.memory_space<vmem>> -> memref<1x128x128xf32, #tpu.memory_space<vmem>>
      %dma_start3A_40 = tpu.memref_squeeze %dma_start3A_39 : memref<1x128x128xf32, #tpu.memory_space<vmem>> -> memref<128x128xf32, #tpu.memory_space<vmem>>
      %dma_start3A_41 = arith.constant 0 : i32
      %dma_start3A_42 = tpu.memref_slice %arg6[%dma_start3A, %dma_start3A_41] : memref<40x128xi32, #tpu.memory_space<vmem>> -> memref<1x128xi32, #tpu.memory_space<vmem>>
      %dma_start3A_43 = tpu.memref_squeeze %dma_start3A_42 : memref<1x128xi32, #tpu.memory_space<vmem>> -> memref<128xi32, #tpu.memory_space<vmem>>
      %dma_start3A_44 = arith.constant 0 : i32
      %dma_start3A_45 = arith.constant 0 : i32
      %dma_start3A_46 = tpu.memref_slice %arg2[%dma_start3A_44, %dma_start3A_45] : memref<10000x128xf32, #tpu.memory_space<hbm>> -> memref<10000x128xf32, #tpu.memory_space<hbm>>
      %dma_start3A_47 = tpu.memref_slice %arg10[%dma_start3A_36] : memref<2x!tpu.dma_semaphore, #tpu.memory_space<semaphore_mem>> -> memref<1x!tpu.dma_semaphore, #tpu.memory_space<semaphore_mem>>
      %dma_start3A_48 = tpu.memref_squeeze %dma_start3A_47 : memref<1x!tpu.dma_semaphore, #tpu.memory_space<semaphore_mem>> -> memref<!tpu.dma_semaphore, #tpu.memory_space<semaphore_mem>>
      tpu.enqueue_indirect_dma source(%dma_start3A_46 : memref<10000x128xf32, #tpu.memory_space<hbm>>) target(%dma_start3A_40 : memref<128x128xf32, #tpu.memory_space<vmem>>) offsets(%dma_start3A_43 : memref<128xi32, #tpu.memory_space<vmem>>) semaphore(%dma_start3A_48 : memref<!tpu.dma_semaphore, #tpu.memory_space<semaphore_mem>>)
      %while3A = arith.constant 0 : i32
      %while3A_49 = arith.constant 0 : i32
      %while3A_50 = arith.subi %select_n3A_34, %while3A_49 : i32
      %while3A_51 = arith.addi %while3A_49, %while3A_50 : i32
      %while3A_52 = arith.constant 1 : i32
      %while3A_53 = arith.divsi %while3A_50, %while3A_52 : i32
      %while3A_54 = arith.muli %while3A_53, %while3A_52 : i32
      %while3A_55 = arith.addi %while3A_49, %while3A_54 : i32
      %while3A_56 = arith.constant 1 : i32
      scf.for %while3A_63 = %while3A_49 to %while3A_55 step %while3A_56  : i32 {
        %rem3A = arith.constant 2 : i32
        %rem3A_64 = arith.remsi %while3A_63, %rem3A : i32
        %rem3A_65 = arith.constant 40 : i32
        %rem3A_66 = arith.remsi %while3A_63, %rem3A_65 : i32
        %dma_wait3A = arith.constant 0 : i32
        %dma_wait3A_67 = arith.constant 0 : i32
        %dma_wait3A_68 = tpu.memref_slice %arg8[%rem3A_64, %dma_wait3A, %dma_wait3A_67] : memref<2x128x128xf32, #tpu.memory_space<vmem>> -> memref<1x128x128xf32, #tpu.memory_space<vmem>>
        %dma_wait3A_69 = tpu.memref_squeeze %dma_wait3A_68 : memref<1x128x128xf32, #tpu.memory_space<vmem>> -> memref<128x128xf32, #tpu.memory_space<vmem>>
        %dma_wait3A_70 = arith.constant 0 : i32
        %dma_wait3A_71 = tpu.memref_slice %arg6[%rem3A_66, %dma_wait3A_70] : memref<40x128xi32, #tpu.memory_space<vmem>> -> memref<1x128xi32, #tpu.memory_space<vmem>>
        %dma_wait3A_72 = tpu.memref_squeeze %dma_wait3A_71 : memref<1x128xi32, #tpu.memory_space<vmem>> -> memref<128xi32, #tpu.memory_space<vmem>>
        %dma_wait3A_73 = arith.constant 0 : i32
        %dma_wait3A_74 = arith.constant 0 : i32
        %dma_wait3A_75 = tpu.memref_slice %arg2[%dma_wait3A_73, %dma_wait3A_74] : memref<10000x128xf32, #tpu.memory_space<hbm>> -> memref<10000x128xf32, #tpu.memory_space<hbm>>
        %dma_wait3A_76 = tpu.memref_slice %arg10[%rem3A_64] : memref<2x!tpu.dma_semaphore, #tpu.memory_space<semaphore_mem>> -> memref<1x!tpu.dma_semaphore, #tpu.memory_space<semaphore_mem>>
        %dma_wait3A_77 = tpu.memref_squeeze %dma_wait3A_76 : memref<1x!tpu.dma_semaphore, #tpu.memory_space<semaphore_mem>> -> memref<!tpu.dma_semaphore, #tpu.memory_space<semaphore_mem>>
        tpu.wait_indirect_dma semaphore(%dma_wait3A_77 : memref<!tpu.dma_semaphore, #tpu.memory_space<semaphore_mem>>) src(%dma_wait3A_75 : memref<10000x128xf32, #tpu.memory_space<hbm>>) dst(%dma_wait3A_69 : memref<128x128xf32, #tpu.memory_space<vmem>>)
        %eq3A_78 = arith.constant 39 : i32
        %eq3A_79 = arith.cmpi eq, %rem3A_66, %eq3A_78 : i32
        %add3A_80 = arith.constant 1 : i32
        %add3A_81 = arith.addi %while3A_63, %add3A_80 : i32
        %lt3A = arith.cmpi slt, %add3A_81, %select_n3A_34 : i32
        %and3A = arith.andi %eq3A_79, %lt3A : i1
        %convert_element_type3A_82 = arith.extui %and3A : i1 to i32
        %cond3A_83 = arith.constant 0 : i32
        %cond3A_84 = arith.cmpi ne, %convert_element_type3A_82, %cond3A_83 : i32
        scf.if %cond3A_84 {
          %add3A_99 = arith.addi %select_n3A, %while3A_63 : i32
          %add3A_100 = arith.constant 1 : i32
          %add3A_101 = arith.addi %add3A_99, %add3A_100 : i32
          %multiple_of3A = tpu.assume_multiple %add3A_101, 8 : i32
          "tpu.region"() ({
            %run_scoped3A_102 = tpu.sem_alloc : memref<!tpu.dma_semaphore, #tpu.memory_space<semaphore_mem>>
            %dma_start3A_103 = arith.constant 0 : i32
            %dma_start3A_104 = tpu.memref_slice %arg3[%multiple_of3A, %dma_start3A_103] : memref<2560x128xi32, #tpu.memory_space<hbm>> -> memref<40x128xi32, #tpu.memory_space<hbm>>
            %dma_start3A_105 = arith.constant 0 : i32
            %dma_start3A_106 = tpu.memref_slice %arg3[%multiple_of3A, %dma_start3A_105] : memref<2560x128xi32, #tpu.memory_space<hbm>> -> memref<40x128xi32, #tpu.memory_space<hbm>>
            tpu.enqueue_dma source(%dma_start3A_106 : memref<40x128xi32, #tpu.memory_space<hbm>>) target(%arg6 : memref<40x128xi32, #tpu.memory_space<vmem>>) target_semaphore(%run_scoped3A_102 : memref<!tpu.dma_semaphore, #tpu.memory_space<semaphore_mem>>)
            %dma_wait3A_107 = arith.constant 0 : i32
            %dma_wait3A_108 = tpu.memref_slice %arg3[%multiple_of3A, %dma_wait3A_107] : memref<2560x128xi32, #tpu.memory_space<hbm>> -> memref<40x128xi32, #tpu.memory_space<hbm>>
            %dma_wait3A_109 = arith.constant 0 : i32
            %dma_wait3A_110 = tpu.memref_slice %arg3[%multiple_of3A, %dma_wait3A_109] : memref<2560x128xi32, #tpu.memory_space<hbm>> -> memref<40x128xi32, #tpu.memory_space<hbm>>
            tpu.wait_dma2 semaphore(%run_scoped3A_102 : memref<!tpu.dma_semaphore, #tpu.memory_space<semaphore_mem>>) src(%dma_wait3A_110 : memref<40x128xi32, #tpu.memory_space<hbm>>) dst(%arg6 : memref<40x128xi32, #tpu.memory_space<vmem>>)
            tpu.yield
          }) : () -> ()
        } else {
        }
        %add3A_85 = arith.constant 2 : i32
        %add3A_86 = arith.addi %while3A_63, %add3A_85 : i32
        %sub3A = arith.constant 1 : i32
        %sub3A_87 = arith.subi %add3A_86, %sub3A : i32
        %lt3A_88 = arith.cmpi slt, %sub3A_87, %select_n3A_34 : i32
        %convert_element_type3A_89 = arith.extui %lt3A_88 : i1 to i32
        %cond3A_90 = arith.constant 0 : i32
        %cond3A_91 = arith.cmpi ne, %convert_element_type3A_89, %cond3A_90 : i32
        scf.if %cond3A_91 {
          %add3A_99 = arith.constant 2 : i32
          %add3A_100 = arith.addi %while3A_63, %add3A_99 : i32
          %sub3A_101 = arith.constant 1 : i32
          %sub3A_102 = arith.subi %add3A_100, %sub3A_101 : i32
          %rem3A_103 = arith.constant 2 : i32
          %rem3A_104 = arith.remsi %sub3A_102, %rem3A_103 : i32
          %add3A_105 = arith.constant 2 : i32
          %add3A_106 = arith.addi %while3A_63, %add3A_105 : i32
          %sub3A_107 = arith.constant 1 : i32
          %sub3A_108 = arith.subi %add3A_106, %sub3A_107 : i32
          %rem3A_109 = arith.constant 40 : i32
          %rem3A_110 = arith.remsi %sub3A_108, %rem3A_109 : i32
          %dma_start3A_111 = arith.constant 0 : i32
          %dma_start3A_112 = arith.constant 0 : i32
          %dma_start3A_113 = tpu.memref_slice %arg8[%rem3A_104, %dma_start3A_111, %dma_start3A_112] : memref<2x128x128xf32, #tpu.memory_space<vmem>> -> memref<1x128x128xf32, #tpu.memory_space<vmem>>
          %dma_start3A_114 = tpu.memref_squeeze %dma_start3A_113 : memref<1x128x128xf32, #tpu.memory_space<vmem>> -> memref<128x128xf32, #tpu.memory_space<vmem>>
          %dma_start3A_115 = arith.constant 0 : i32
          %dma_start3A_116 = tpu.memref_slice %arg6[%rem3A_110, %dma_start3A_115] : memref<40x128xi32, #tpu.memory_space<vmem>> -> memref<1x128xi32, #tpu.memory_space<vmem>>
          %dma_start3A_117 = tpu.memref_squeeze %dma_start3A_116 : memref<1x128xi32, #tpu.memory_space<vmem>> -> memref<128xi32, #tpu.memory_space<vmem>>
          %dma_start3A_118 = arith.constant 0 : i32
          %dma_start3A_119 = arith.constant 0 : i32
          %dma_start3A_120 = tpu.memref_slice %arg2[%dma_start3A_118, %dma_start3A_119] : memref<10000x128xf32, #tpu.memory_space<hbm>> -> memref<10000x128xf32, #tpu.memory_space<hbm>>
          %dma_start3A_121 = tpu.memref_slice %arg10[%rem3A_104] : memref<2x!tpu.dma_semaphore, #tpu.memory_space<semaphore_mem>> -> memref<1x!tpu.dma_semaphore, #tpu.memory_space<semaphore_mem>>
          %dma_start3A_122 = tpu.memref_squeeze %dma_start3A_121 : memref<1x!tpu.dma_semaphore, #tpu.memory_space<semaphore_mem>> -> memref<!tpu.dma_semaphore, #tpu.memory_space<semaphore_mem>>
          tpu.enqueue_indirect_dma source(%dma_start3A_120 : memref<10000x128xf32, #tpu.memory_space<hbm>>) target(%dma_start3A_114 : memref<128x128xf32, #tpu.memory_space<vmem>>) offsets(%dma_start3A_117 : memref<128xi32, #tpu.memory_space<vmem>>) semaphore(%dma_start3A_122 : memref<!tpu.dma_semaphore, #tpu.memory_space<semaphore_mem>>)
        } else {
        }
        %eq3A_92 = arith.constant 0 : i32
        %eq3A_93 = arith.cmpi eq, %rem3A_66, %eq3A_92 : i32
        %gt3A = arith.constant 0 : i32
        %gt3A_94 = arith.cmpi sgt, %while3A_63, %gt3A : i32
        %and3A_95 = arith.andi %eq3A_93, %gt3A_94 : i1
        %convert_element_type3A_96 = arith.extui %and3A_95 : i1 to i32
        %cond3A_97 = arith.constant 0 : i32
        %cond3A_98 = arith.cmpi ne, %convert_element_type3A_96, %cond3A_97 : i32
        scf.if %cond3A_98 {
          %add3A_99 = arith.addi %select_n3A, %while3A_63 : i32
          %multiple_of3A = tpu.assume_multiple %add3A_99, 8 : i32
          "tpu.region"() ({
            %run_scoped3A_100 = tpu.sem_alloc : memref<!tpu.dma_semaphore, #tpu.memory_space<semaphore_mem>>
            %dma_start3A_101 = arith.constant 0 : i32
            %dma_start3A_102 = tpu.memref_slice %arg4[%multiple_of3A, %dma_start3A_101] : memref<2560x128xi32, #tpu.memory_space<hbm>> -> memref<40x128xi32, #tpu.memory_space<hbm>>
            %dma_start3A_103 = arith.constant 0 : i32
            %dma_start3A_104 = tpu.memref_slice %arg4[%multiple_of3A, %dma_start3A_103] : memref<2560x128xi32, #tpu.memory_space<hbm>> -> memref<40x128xi32, #tpu.memory_space<hbm>>
            tpu.enqueue_dma source(%dma_start3A_104 : memref<40x128xi32, #tpu.memory_space<hbm>>) target(%arg7 : memref<40x128xi32, #tpu.memory_space<vmem>>) target_semaphore(%run_scoped3A_100 : memref<!tpu.dma_semaphore, #tpu.memory_space<semaphore_mem>>)
            %dma_wait3A_105 = arith.constant 0 : i32
            %dma_wait3A_106 = tpu.memref_slice %arg4[%multiple_of3A, %dma_wait3A_105] : memref<2560x128xi32, #tpu.memory_space<hbm>> -> memref<40x128xi32, #tpu.memory_space<hbm>>
            %dma_wait3A_107 = arith.constant 0 : i32
            %dma_wait3A_108 = tpu.memref_slice %arg4[%multiple_of3A, %dma_wait3A_107] : memref<2560x128xi32, #tpu.memory_space<hbm>> -> memref<40x128xi32, #tpu.memory_space<hbm>>
            tpu.wait_dma2 semaphore(%run_scoped3A_100 : memref<!tpu.dma_semaphore, #tpu.memory_space<semaphore_mem>>) src(%dma_wait3A_108 : memref<40x128xi32, #tpu.memory_space<hbm>>) dst(%arg7 : memref<40x128xi32, #tpu.memory_space<vmem>>)
            tpu.yield
          }) : () -> ()
        } else {
        }
        "tpu.region"() ({
          %run_scoped3A_99 = tpu.sem_alloc : memref<!tpu.dma_semaphore, #tpu.memory_space<semaphore_mem>>
          %dma_start3A_100 = arith.constant 0 : i32
          %dma_start3A_101 = arith.constant 0 : i32
          %dma_start3A_102 = tpu.memref_slice %arg8[%rem3A_64, %dma_start3A_100, %dma_start3A_101] : memref<2x128x128xf32, #tpu.memory_space<vmem>> -> memref<1x128x128xf32, #tpu.memory_space<vmem>>
          %dma_start3A_103 = tpu.memref_squeeze %dma_start3A_102 : memref<1x128x128xf32, #tpu.memory_space<vmem>> -> memref<128x128xf32, #tpu.memory_space<vmem>>
          %dma_start3A_104 = arith.constant 0 : i32
          %dma_start3A_105 = tpu.memref_slice %arg7[%rem3A_66, %dma_start3A_104] : memref<40x128xi32, #tpu.memory_space<vmem>> -> memref<1x128xi32, #tpu.memory_space<vmem>>
          %dma_start3A_106 = tpu.memref_squeeze %dma_start3A_105 : memref<1x128xi32, #tpu.memory_space<vmem>> -> memref<128xi32, #tpu.memory_space<vmem>>
          %dma_start3A_107 = arith.constant 0 : i32
          %dma_start3A_108 = arith.constant 0 : i32
          %dma_start3A_109 = tpu.memref_slice %arg9[%dma_start3A_107, %dma_start3A_108] : memref<10112x128xf32, #tpu.memory_space<vmem_shared>> -> memref<10112x128xf32, #tpu.memory_space<vmem_shared>>
          tpu.enqueue_indirect_dma source(%dma_start3A_103 : memref<128x128xf32, #tpu.memory_space<vmem>>) target(%dma_start3A_109 : memref<10112x128xf32, #tpu.memory_space<vmem_shared>>) offsets(%dma_start3A_106 : memref<128xi32, #tpu.memory_space<vmem>>) semaphore(%run_scoped3A_99 : memref<!tpu.dma_semaphore, #tpu.memory_space<semaphore_mem>>) {add = true}
          %dma_wait3A_110 = arith.constant 0 : i32
          %dma_wait3A_111 = arith.constant 0 : i32
          %dma_wait3A_112 = tpu.memref_slice %arg8[%rem3A_64, %dma_wait3A_110, %dma_wait3A_111] : memref<2x128x128xf32, #tpu.memory_space<vmem>> -> memref<1x128x128xf32, #tpu.memory_space<vmem>>
          %dma_wait3A_113 = tpu.memref_squeeze %dma_wait3A_112 : memref<1x128x128xf32, #tpu.memory_space<vmem>> -> memref<128x128xf32, #tpu.memory_space<vmem>>
          %dma_wait3A_114 = arith.constant 0 : i32
          %dma_wait3A_115 = tpu.memref_slice %arg7[%rem3A_66, %dma_wait3A_114] : memref<40x128xi32, #tpu.memory_space<vmem>> -> memref<1x128xi32, #tpu.memory_space<vmem>>
          %dma_wait3A_116 = tpu.memref_squeeze %dma_wait3A_115 : memref<1x128xi32, #tpu.memory_space<vmem>> -> memref<128xi32, #tpu.memory_space<vmem>>
          %dma_wait3A_117 = arith.constant 0 : i32
          %dma_wait3A_118 = arith.constant 0 : i32
          %dma_wait3A_119 = tpu.memref_slice %arg9[%dma_wait3A_117, %dma_wait3A_118] : memref<10112x128xf32, #tpu.memory_space<vmem_shared>> -> memref<10112x128xf32, #tpu.memory_space<vmem_shared>>
          tpu.wait_indirect_dma semaphore(%run_scoped3A_99 : memref<!tpu.dma_semaphore, #tpu.memory_space<semaphore_mem>>) src(%dma_wait3A_113 : memref<128x128xf32, #tpu.memory_space<vmem>>) dst(%dma_wait3A_119 : memref<10112x128xf32, #tpu.memory_space<vmem_shared>>)
          tpu.yield
        }) : () -> ()
      }
      %while3A_57 = arith.constant 1 : i32
      scf.for %while3A_63 = %while3A_55 to %while3A_51 step %while3A_57  : i32 {
        %rem3A = arith.constant 2 : i32
        %rem3A_64 = arith.remsi %while3A_63, %rem3A : i32
        %rem3A_65 = arith.constant 40 : i32
        %rem3A_66 = arith.remsi %while3A_63, %rem3A_65 : i32
        %dma_wait3A = arith.constant 0 : i32
        %dma_wait3A_67 = arith.constant 0 : i32
        %dma_wait3A_68 = tpu.memref_slice %arg8[%rem3A_64, %dma_wait3A, %dma_wait3A_67] : memref<2x128x128xf32, #tpu.memory_space<vmem>> -> memref<1x128x128xf32, #tpu.memory_space<vmem>>
        %dma_wait3A_69 = tpu.memref_squeeze %dma_wait3A_68 : memref<1x128x128xf32, #tpu.memory_space<vmem>> -> memref<128x128xf32, #tpu.memory_space<vmem>>
        %dma_wait3A_70 = arith.constant 0 : i32
        %dma_wait3A_71 = tpu.memref_slice %arg6[%rem3A_66, %dma_wait3A_70] : memref<40x128xi32, #tpu.memory_space<vmem>> -> memref<1x128xi32, #tpu.memory_space<vmem>>
        %dma_wait3A_72 = tpu.memref_squeeze %dma_wait3A_71 : memref<1x128xi32, #tpu.memory_space<vmem>> -> memref<128xi32, #tpu.memory_space<vmem>>
        %dma_wait3A_73 = arith.constant 0 : i32
        %dma_wait3A_74 = arith.constant 0 : i32
        %dma_wait3A_75 = tpu.memref_slice %arg2[%dma_wait3A_73, %dma_wait3A_74] : memref<10000x128xf32, #tpu.memory_space<hbm>> -> memref<10000x128xf32, #tpu.memory_space<hbm>>
        %dma_wait3A_76 = tpu.memref_slice %arg10[%rem3A_64] : memref<2x!tpu.dma_semaphore, #tpu.memory_space<semaphore_mem>> -> memref<1x!tpu.dma_semaphore, #tpu.memory_space<semaphore_mem>>
        %dma_wait3A_77 = tpu.memref_squeeze %dma_wait3A_76 : memref<1x!tpu.dma_semaphore, #tpu.memory_space<semaphore_mem>> -> memref<!tpu.dma_semaphore, #tpu.memory_space<semaphore_mem>>
        tpu.wait_indirect_dma semaphore(%dma_wait3A_77 : memref<!tpu.dma_semaphore, #tpu.memory_space<semaphore_mem>>) src(%dma_wait3A_75 : memref<10000x128xf32, #tpu.memory_space<hbm>>) dst(%dma_wait3A_69 : memref<128x128xf32, #tpu.memory_space<vmem>>)
        %eq3A_78 = arith.constant 39 : i32
        %eq3A_79 = arith.cmpi eq, %rem3A_66, %eq3A_78 : i32
        %add3A_80 = arith.constant 1 : i32
        %add3A_81 = arith.addi %while3A_63, %add3A_80 : i32
        %lt3A = arith.cmpi slt, %add3A_81, %select_n3A_34 : i32
        %and3A = arith.andi %eq3A_79, %lt3A : i1
        %convert_element_type3A_82 = arith.extui %and3A : i1 to i32
        %cond3A_83 = arith.constant 0 : i32
        %cond3A_84 = arith.cmpi ne, %convert_element_type3A_82, %cond3A_83 : i32
        scf.if %cond3A_84 {
          %add3A_99 = arith.addi %select_n3A, %while3A_63 : i32
          %add3A_100 = arith.constant 1 : i32
          %add3A_101 = arith.addi %add3A_99, %add3A_100 : i32
          %multiple_of3A = tpu.assume_multiple %add3A_101, 8 : i32
          "tpu.region"() ({
            %run_scoped3A_102 = tpu.sem_alloc : memref<!tpu.dma_semaphore, #tpu.memory_space<semaphore_mem>>
            %dma_start3A_103 = arith.constant 0 : i32
            %dma_start3A_104 = tpu.memref_slice %arg3[%multiple_of3A, %dma_start3A_103] : memref<2560x128xi32, #tpu.memory_space<hbm>> -> memref<40x128xi32, #tpu.memory_space<hbm>>
            %dma_start3A_105 = arith.constant 0 : i32
            %dma_start3A_106 = tpu.memref_slice %arg3[%multiple_of3A, %dma_start3A_105] : memref<2560x128xi32, #tpu.memory_space<hbm>> -> memref<40x128xi32, #tpu.memory_space<hbm>>
            tpu.enqueue_dma source(%dma_start3A_106 : memref<40x128xi32, #tpu.memory_space<hbm>>) target(%arg6 : memref<40x128xi32, #tpu.memory_space<vmem>>) target_semaphore(%run_scoped3A_102 : memref<!tpu.dma_semaphore, #tpu.memory_space<semaphore_mem>>)
            %dma_wait3A_107 = arith.constant 0 : i32
            %dma_wait3A_108 = tpu.memref_slice %arg3[%multiple_of3A, %dma_wait3A_107] : memref<2560x128xi32, #tpu.memory_space<hbm>> -> memref<40x128xi32, #tpu.memory_space<hbm>>
            %dma_wait3A_109 = arith.constant 0 : i32
            %dma_wait3A_110 = tpu.memref_slice %arg3[%multiple_of3A, %dma_wait3A_109] : memref<2560x128xi32, #tpu.memory_space<hbm>> -> memref<40x128xi32, #tpu.memory_space<hbm>>
            tpu.wait_dma2 semaphore(%run_scoped3A_102 : memref<!tpu.dma_semaphore, #tpu.memory_space<semaphore_mem>>) src(%dma_wait3A_110 : memref<40x128xi32, #tpu.memory_space<hbm>>) dst(%arg6 : memref<40x128xi32, #tpu.memory_space<vmem>>)
            tpu.yield
          }) : () -> ()
        } else {
        }
        %add3A_85 = arith.constant 2 : i32
        %add3A_86 = arith.addi %while3A_63, %add3A_85 : i32
        %sub3A = arith.constant 1 : i32
        %sub3A_87 = arith.subi %add3A_86, %sub3A : i32
        %lt3A_88 = arith.cmpi slt, %sub3A_87, %select_n3A_34 : i32
        %convert_element_type3A_89 = arith.extui %lt3A_88 : i1 to i32
        %cond3A_90 = arith.constant 0 : i32
        %cond3A_91 = arith.cmpi ne, %convert_element_type3A_89, %cond3A_90 : i32
        scf.if %cond3A_91 {
          %add3A_99 = arith.constant 2 : i32
          %add3A_100 = arith.addi %while3A_63, %add3A_99 : i32
          %sub3A_101 = arith.constant 1 : i32
          %sub3A_102 = arith.subi %add3A_100, %sub3A_101 : i32
          %rem3A_103 = arith.constant 2 : i32
          %rem3A_104 = arith.remsi %sub3A_102, %rem3A_103 : i32
          %add3A_105 = arith.constant 2 : i32
          %add3A_106 = arith.addi %while3A_63, %add3A_105 : i32
          %sub3A_107 = arith.constant 1 : i32
          %sub3A_108 = arith.subi %add3A_106, %sub3A_107 : i32
          %rem3A_109 = arith.constant 40 : i32
          %rem3A_110 = arith.remsi %sub3A_108, %rem3A_109 : i32
          %dma_start3A_111 = arith.constant 0 : i32
          %dma_start3A_112 = arith.constant 0 : i32
          %dma_start3A_113 = tpu.memref_slice %arg8[%rem3A_104, %dma_start3A_111, %dma_start3A_112] : memref<2x128x128xf32, #tpu.memory_space<vmem>> -> memref<1x128x128xf32, #tpu.memory_space<vmem>>
          %dma_start3A_114 = tpu.memref_squeeze %dma_start3A_113 : memref<1x128x128xf32, #tpu.memory_space<vmem>> -> memref<128x128xf32, #tpu.memory_space<vmem>>
          %dma_start3A_115 = arith.constant 0 : i32
          %dma_start3A_116 = tpu.memref_slice %arg6[%rem3A_110, %dma_start3A_115] : memref<40x128xi32, #tpu.memory_space<vmem>> -> memref<1x128xi32, #tpu.memory_space<vmem>>
          %dma_start3A_117 = tpu.memref_squeeze %dma_start3A_116 : memref<1x128xi32, #tpu.memory_space<vmem>> -> memref<128xi32, #tpu.memory_space<vmem>>
          %dma_start3A_118 = arith.constant 0 : i32
          %dma_start3A_119 = arith.constant 0 : i32
          %dma_start3A_120 = tpu.memref_slice %arg2[%dma_start3A_118, %dma_start3A_119] : memref<10000x128xf32, #tpu.memory_space<hbm>> -> memref<10000x128xf32, #tpu.memory_space<hbm>>
          %dma_start3A_121 = tpu.memref_slice %arg10[%rem3A_104] : memref<2x!tpu.dma_semaphore, #tpu.memory_space<semaphore_mem>> -> memref<1x!tpu.dma_semaphore, #tpu.memory_space<semaphore_mem>>
          %dma_start3A_122 = tpu.memref_squeeze %dma_start3A_121 : memref<1x!tpu.dma_semaphore, #tpu.memory_space<semaphore_mem>> -> memref<!tpu.dma_semaphore, #tpu.memory_space<semaphore_mem>>
          tpu.enqueue_indirect_dma source(%dma_start3A_120 : memref<10000x128xf32, #tpu.memory_space<hbm>>) target(%dma_start3A_114 : memref<128x128xf32, #tpu.memory_space<vmem>>) offsets(%dma_start3A_117 : memref<128xi32, #tpu.memory_space<vmem>>) semaphore(%dma_start3A_122 : memref<!tpu.dma_semaphore, #tpu.memory_space<semaphore_mem>>)
        } else {
        }
        %eq3A_92 = arith.constant 0 : i32
        %eq3A_93 = arith.cmpi eq, %rem3A_66, %eq3A_92 : i32
        %gt3A = arith.constant 0 : i32
        %gt3A_94 = arith.cmpi sgt, %while3A_63, %gt3A : i32
        %and3A_95 = arith.andi %eq3A_93, %gt3A_94 : i1
        %convert_element_type3A_96 = arith.extui %and3A_95 : i1 to i32
        %cond3A_97 = arith.constant 0 : i32
        %cond3A_98 = arith.cmpi ne, %convert_element_type3A_96, %cond3A_97 : i32
        scf.if %cond3A_98 {
          %add3A_99 = arith.addi %select_n3A, %while3A_63 : i32
          %multiple_of3A = tpu.assume_multiple %add3A_99, 8 : i32
          "tpu.region"() ({
            %run_scoped3A_100 = tpu.sem_alloc : memref<!tpu.dma_semaphore, #tpu.memory_space<semaphore_mem>>
            %dma_start3A_101 = arith.constant 0 : i32
            %dma_start3A_102 = tpu.memref_slice %arg4[%multiple_of3A, %dma_start3A_101] : memref<2560x128xi32, #tpu.memory_space<hbm>> -> memref<40x128xi32, #tpu.memory_space<hbm>>
            %dma_start3A_103 = arith.constant 0 : i32
            %dma_start3A_104 = tpu.memref_slice %arg4[%multiple_of3A, %dma_start3A_103] : memref<2560x128xi32, #tpu.memory_space<hbm>> -> memref<40x128xi32, #tpu.memory_space<hbm>>
            tpu.enqueue_dma source(%dma_start3A_104 : memref<40x128xi32, #tpu.memory_space<hbm>>) target(%arg7 : memref<40x128xi32, #tpu.memory_space<vmem>>) target_semaphore(%run_scoped3A_100 : memref<!tpu.dma_semaphore, #tpu.memory_space<semaphore_mem>>)
            %dma_wait3A_105 = arith.constant 0 : i32
            %dma_wait3A_106 = tpu.memref_slice %arg4[%multiple_of3A, %dma_wait3A_105] : memref<2560x128xi32, #tpu.memory_space<hbm>> -> memref<40x128xi32, #tpu.memory_space<hbm>>
            %dma_wait3A_107 = arith.constant 0 : i32
            %dma_wait3A_108 = tpu.memref_slice %arg4[%multiple_of3A, %dma_wait3A_107] : memref<2560x128xi32, #tpu.memory_space<hbm>> -> memref<40x128xi32, #tpu.memory_space<hbm>>
            tpu.wait_dma2 semaphore(%run_scoped3A_100 : memref<!tpu.dma_semaphore, #tpu.memory_space<semaphore_mem>>) src(%dma_wait3A_108 : memref<40x128xi32, #tpu.memory_space<hbm>>) dst(%arg7 : memref<40x128xi32, #tpu.memory_space<vmem>>)
            tpu.yield
          }) : () -> ()
        } else {
        }
        "tpu.region"() ({
          %run_scoped3A_99 = tpu.sem_alloc : memref<!tpu.dma_semaphore, #tpu.memory_space<semaphore_mem>>
          %dma_start3A_100 = arith.constant 0 : i32
          %dma_start3A_101 = arith.constant 0 : i32
          %dma_start3A_102 = tpu.memref_slice %arg8[%rem3A_64, %dma_start3A_100, %dma_start3A_101] : memref<2x128x128xf32, #tpu.memory_space<vmem>> -> memref<1x128x128xf32, #tpu.memory_space<vmem>>
          %dma_start3A_103 = tpu.memref_squeeze %dma_start3A_102 : memref<1x128x128xf32, #tpu.memory_space<vmem>> -> memref<128x128xf32, #tpu.memory_space<vmem>>
          %dma_start3A_104 = arith.constant 0 : i32
          %dma_start3A_105 = tpu.memref_slice %arg7[%rem3A_66, %dma_start3A_104] : memref<40x128xi32, #tpu.memory_space<vmem>> -> memref<1x128xi32, #tpu.memory_space<vmem>>
          %dma_start3A_106 = tpu.memref_squeeze %dma_start3A_105 : memref<1x128xi32, #tpu.memory_space<vmem>> -> memref<128xi32, #tpu.memory_space<vmem>>
          %dma_start3A_107 = arith.constant 0 : i32
          %dma_start3A_108 = arith.constant 0 : i32
          %dma_start3A_109 = tpu.memref_slice %arg9[%dma_start3A_107, %dma_start3A_108] : memref<10112x128xf32, #tpu.memory_space<vmem_shared>> -> memref<10112x128xf32, #tpu.memory_space<vmem_shared>>
          tpu.enqueue_indirect_dma source(%dma_start3A_103 : memref<128x128xf32, #tpu.memory_space<vmem>>) target(%dma_start3A_109 : memref<10112x128xf32, #tpu.memory_space<vmem_shared>>) offsets(%dma_start3A_106 : memref<128xi32, #tpu.memory_space<vmem>>) semaphore(%run_scoped3A_99 : memref<!tpu.dma_semaphore, #tpu.memory_space<semaphore_mem>>) {add = true}
          %dma_wait3A_110 = arith.constant 0 : i32
          %dma_wait3A_111 = arith.constant 0 : i32
          %dma_wait3A_112 = tpu.memref_slice %arg8[%rem3A_64, %dma_wait3A_110, %dma_wait3A_111] : memref<2x128x128xf32, #tpu.memory_space<vmem>> -> memref<1x128x128xf32, #tpu.memory_space<vmem>>
          %dma_wait3A_113 = tpu.memref_squeeze %dma_wait3A_112 : memref<1x128x128xf32, #tpu.memory_space<vmem>> -> memref<128x128xf32, #tpu.memory_space<vmem>>
          %dma_wait3A_114 = arith.constant 0 : i32
          %dma_wait3A_115 = tpu.memref_slice %arg7[%rem3A_66, %dma_wait3A_114] : memref<40x128xi32, #tpu.memory_space<vmem>> -> memref<1x128xi32, #tpu.memory_space<vmem>>
          %dma_wait3A_116 = tpu.memref_squeeze %dma_wait3A_115 : memref<1x128xi32, #tpu.memory_space<vmem>> -> memref<128xi32, #tpu.memory_space<vmem>>
          %dma_wait3A_117 = arith.constant 0 : i32
          %dma_wait3A_118 = arith.constant 0 : i32
          %dma_wait3A_119 = tpu.memref_slice %arg9[%dma_wait3A_117, %dma_wait3A_118] : memref<10112x128xf32, #tpu.memory_space<vmem_shared>> -> memref<10112x128xf32, #tpu.memory_space<vmem_shared>>
          tpu.wait_indirect_dma semaphore(%run_scoped3A_99 : memref<!tpu.dma_semaphore, #tpu.memory_space<semaphore_mem>>) src(%dma_wait3A_113 : memref<128x128xf32, #tpu.memory_space<vmem>>) dst(%dma_wait3A_119 : memref<10112x128xf32, #tpu.memory_space<vmem_shared>>)
          tpu.yield
        }) : () -> ()
      }
      %barrier3A_58 = arith.constant 0 : index
      tpu.barrier barrier_id(%barrier3A_58)
      %mul3A_59 = arith.constant 632 : i32
      %mul3A_60 = arith.muli %arg1, %mul3A_59 : i32
      %mul3A_61 = arith.constant 632 : i32
      %mul3A_62 = arith.muli %arg1, %mul3A_61 : i32
      "tpu.region"() ({
        %run_scoped3A_63 = tpu.sem_alloc : memref<!tpu.dma_semaphore, #tpu.memory_space<semaphore_mem>>
        %dma_start3A_64 = arith.constant 0 : i32
        %dma_start3A_65 = tpu.memref_slice %arg5[%arg0, %mul3A_62, %dma_start3A_64] : memref<2x10112x128xf32, #tpu.memory_space<hbm>> -> memref<1x632x128xf32, #tpu.memory_space<hbm>>
        %dma_start3A_66 = tpu.memref_squeeze %dma_start3A_65 : memref<1x632x128xf32, #tpu.memory_space<hbm>> -> memref<632x128xf32, #tpu.memory_space<hbm>>
        %dma_start3A_67 = arith.constant 0 : i32
        %dma_start3A_68 = tpu.memref_slice %arg9[%mul3A_60, %dma_start3A_67] : memref<10112x128xf32, #tpu.memory_space<vmem_shared>> -> memref<632x128xf32, #tpu.memory_space<vmem_shared>>
        tpu.enqueue_dma source(%dma_start3A_68 : memref<632x128xf32, #tpu.memory_space<vmem_shared>>) target(%dma_start3A_66 : memref<632x128xf32, #tpu.memory_space<hbm>>) target_semaphore(%run_scoped3A_63 : memref<!tpu.dma_semaphore, #tpu.memory_space<semaphore_mem>>)
        %dma_wait3A = arith.constant 0 : i32
        %dma_wait3A_69 = tpu.memref_slice %arg5[%arg0, %mul3A_62, %dma_wait3A] : memref<2x10112x128xf32, #tpu.memory_space<hbm>> -> memref<1x632x128xf32, #tpu.memory_space<hbm>>
        %dma_wait3A_70 = tpu.memref_squeeze %dma_wait3A_69 : memref<1x632x128xf32, #tpu.memory_space<hbm>> -> memref<632x128xf32, #tpu.memory_space<hbm>>
        %dma_wait3A_71 = arith.constant 0 : i32
        %dma_wait3A_72 = tpu.memref_slice %arg9[%mul3A_60, %dma_wait3A_71] : memref<10112x128xf32, #tpu.memory_space<vmem_shared>> -> memref<632x128xf32, #tpu.memory_space<vmem_shared>>
        tpu.wait_dma2 semaphore(%run_scoped3A_63 : memref<!tpu.dma_semaphore, #tpu.memory_space<semaphore_mem>>) src(%dma_wait3A_72 : memref<632x128xf32, #tpu.memory_space<vmem_shared>>) dst(%dma_wait3A_70 : memref<632x128xf32, #tpu.memory_space<hbm>>)
        tpu.yield
      }) : () -> ()
    } else {
    }
    return
  }
}

#map = affine_map<(d0, d1) -> (0, 0)>
#map1 = affine_map<(d0, d1) -> (0, 0, 0)>
module attributes {stable_mosaic.version = 14 : i64} {
  func.func @_sc_edge_aggregate(%arg0: i32, %arg1: i32, %arg2: memref<10000x128xf32, #tpu.memory_space<hbm>>, %arg3: memref<2560x128xi32, #tpu.memory_space<hbm>>, %arg4: memref<2560x128xi32, #tpu.memory_space<hbm>>, %arg5: memref<2x10112x128xf32, #tpu.memory_space<hbm>>, %arg6: memref<40x128xi32, #tpu.memory_space<vmem>>, %arg7: memref<40x128xi32, #tpu.memory_space<vmem>>, %arg8: memref<2x128x128xf32, #tpu.memory_space<vmem>>, %arg9: memref<10112x128xf32, #tpu.memory_space<vmem_shared>>, %arg10: memref<2x!tpu.dma_semaphore, #tpu.memory_space<semaphore_mem>>) attributes {dimension_semantics = [#tpu.dimension_semantics<core_parallel>, #tpu.dimension_semantics<subcore_parallel>], iteration_bounds = array<i64: 2, 16>, scalar_prefetch = 0 : i64, scratch_operands = 5 : i64, tpu.core_type = #tpu.core_type<sc_vector_subcore>, window_params = [{transform_indices = #map}, {transform_indices = #map}, {transform_indices = #map}, {transform_indices = #map1}]} {
    %eq3A = arith.constant 0 : i32
    %eq3A_0 = arith.cmpi eq, %arg0, %eq3A : i32
    %convert_element_type3A = arith.extui %eq3A_0 : i1 to i32
    %cond3A = arith.constant 0 : i32
    %cond3A_1 = arith.cmpi ne, %convert_element_type3A, %cond3A : i32
    scf.if %cond3A_1 {
      %broadcast_in_dim3A = arith.constant 0.000000e+00 : f32
      %broadcast_in_dim3A_2 = vector.broadcast %broadcast_in_dim3A : f32 to vector<16xf32>
      %scan3A = arith.constant 0 : i32
      %scan3A_3 = arith.constant 0 : i32
      %scan3A_4 = arith.constant 128 : i32
      %scan3A_5 = arith.addi %scan3A_3, %scan3A_4 : i32
      %scan3A_6 = arith.constant 1 : i32
      scf.for %scan3A_63 = %scan3A_3 to %scan3A_5 step %scan3A_6  : i32 {
        %swap3A = arith.constant 0 : i32
        %swap3A_64 = arith.index_cast %swap3A : i32 to index
        %swap3A_65 = arith.index_cast %scan3A_63 : i32 to index
        %swap3A_66 = arith.constant 0 : index
        %swap3A_67 = tpu.vector_load %arg8[%swap3A_64, %swap3A_65, %swap3A_66] {strides = array<i32>} : memref<2x128x128xf32, #tpu.memory_space<vmem>>, vector<1x1x16xf32>,
        %swap3A_68 = vector.shape_cast %swap3A_67 : vector<1x1x16xf32> to vector<16xf32>
        %swap3A_69 = vector.shape_cast %broadcast_in_dim3A_2 : vector<16xf32> to vector<1x1x16xf32>
        tpu.vector_store %arg8[%swap3A_64, %swap3A_65, %swap3A_66], %swap3A_69 {strides = array<i32>} : memref<2x128x128xf32, #tpu.memory_space<vmem>>, vector<1x1x16xf32>,
        %swap3A_70 = arith.constant 0 : i32
        %swap3A_71 = arith.index_cast %swap3A_70 : i32 to index
        %swap3A_72 = arith.index_cast %scan3A_63 : i32 to index
        %swap3A_73 = arith.constant 16 : index
        %swap3A_74 = tpu.vector_load %arg8[%swap3A_71, %swap3A_72, %swap3A_73] {strides = array<i32>} : memref<2x128x128xf32, #tpu.memory_space<vmem>>, vector<1x1x16xf32>,
        %swap3A_75 = vector.shape_cast %swap3A_74 : vector<1x1x16xf32> to vector<16xf32>
        %swap3A_76 = vector.shape_cast %broadcast_in_dim3A_2 : vector<16xf32> to vector<1x1x16xf32>
        tpu.vector_store %arg8[%swap3A_71, %swap3A_72, %swap3A_73], %swap3A_76 {strides = array<i32>} : memref<2x128x128xf32, #tpu.memory_space<vmem>>, vector<1x1x16xf32>,
        %swap3A_77 = arith.constant 0 : i32
        %swap3A_78 = arith.index_cast %swap3A_77 : i32 to index
        %swap3A_79 = arith.index_cast %scan3A_63 : i32 to index
        %swap3A_80 = arith.constant 32 : index
        %swap3A_81 = tpu.vector_load %arg8[%swap3A_78, %swap3A_79, %swap3A_80] {strides = array<i32>} : memref<2x128x128xf32, #tpu.memory_space<vmem>>, vector<1x1x16xf32>,
        %swap3A_82 = vector.shape_cast %swap3A_81 : vector<1x1x16xf32> to vector<16xf32>
        %swap3A_83 = vector.shape_cast %broadcast_in_dim3A_2 : vector<16xf32> to vector<1x1x16xf32>
        tpu.vector_store %arg8[%swap3A_78, %swap3A_79, %swap3A_80], %swap3A_83 {strides = array<i32>} : memref<2x128x128xf32, #tpu.memory_space<vmem>>, vector<1x1x16xf32>,
        %swap3A_84 = arith.constant 0 : i32
        %swap3A_85 = arith.index_cast %swap3A_84 : i32 to index
        %swap3A_86 = arith.index_cast %scan3A_63 : i32 to index
        %swap3A_87 = arith.constant 48 : index
        %swap3A_88 = tpu.vector_load %arg8[%swap3A_85, %swap3A_86, %swap3A_87] {strides = array<i32>} : memref<2x128x128xf32, #tpu.memory_space<vmem>>, vector<1x1x16xf32>,
        %swap3A_89 = vector.shape_cast %swap3A_88 : vector<1x1x16xf32> to vector<16xf32>
        %swap3A_90 = vector.shape_cast %broadcast_in_dim3A_2 : vector<16xf32> to vector<1x1x16xf32>
        tpu.vector_store %arg8[%swap3A_85, %swap3A_86, %swap3A_87], %swap3A_90 {strides = array<i32>} : memref<2x128x128xf32, #tpu.memory_space<vmem>>, vector<1x1x16xf32>,
        %swap3A_91 = arith.constant 0 : i32
        %swap3A_92 = arith.index_cast %swap3A_91 : i32 to index
        %swap3A_93 = arith.index_cast %scan3A_63 : i32 to index
        %swap3A_94 = arith.constant 64 : index
        %swap3A_95 = tpu.vector_load %arg8[%swap3A_92, %swap3A_93, %swap3A_94] {strides = array<i32>} : memref<2x128x128xf32, #tpu.memory_space<vmem>>, vector<1x1x16xf32>,
        %swap3A_96 = vector.shape_cast %swap3A_95 : vector<1x1x16xf32> to vector<16xf32>
        %swap3A_97 = vector.shape_cast %broadcast_in_dim3A_2 : vector<16xf32> to vector<1x1x16xf32>
        tpu.vector_store %arg8[%swap3A_92, %swap3A_93, %swap3A_94], %swap3A_97 {strides = array<i32>} : memref<2x128x128xf32, #tpu.memory_space<vmem>>, vector<1x1x16xf32>,
        %swap3A_98 = arith.constant 0 : i32
        %swap3A_99 = arith.index_cast %swap3A_98 : i32 to index
        %swap3A_100 = arith.index_cast %scan3A_63 : i32 to index
        %swap3A_101 = arith.constant 80 : index
        %swap3A_102 = tpu.vector_load %arg8[%swap3A_99, %swap3A_100, %swap3A_101] {strides = array<i32>} : memref<2x128x128xf32, #tpu.memory_space<vmem>>, vector<1x1x16xf32>,
        %swap3A_103 = vector.shape_cast %swap3A_102 : vector<1x1x16xf32> to vector<16xf32>
        %swap3A_104 = vector.shape_cast %broadcast_in_dim3A_2 : vector<16xf32> to vector<1x1x16xf32>
        tpu.vector_store %arg8[%swap3A_99, %swap3A_100, %swap3A_101], %swap3A_104 {strides = array<i32>} : memref<2x128x128xf32, #tpu.memory_space<vmem>>, vector<1x1x16xf32>,
        %swap3A_105 = arith.constant 0 : i32
        %swap3A_106 = arith.index_cast %swap3A_105 : i32 to index
        %swap3A_107 = arith.index_cast %scan3A_63 : i32 to index
        %swap3A_108 = arith.constant 96 : index
        %swap3A_109 = tpu.vector_load %arg8[%swap3A_106, %swap3A_107, %swap3A_108] {strides = array<i32>} : memref<2x128x128xf32, #tpu.memory_space<vmem>>, vector<1x1x16xf32>,
        %swap3A_110 = vector.shape_cast %swap3A_109 : vector<1x1x16xf32> to vector<16xf32>
        %swap3A_111 = vector.shape_cast %broadcast_in_dim3A_2 : vector<16xf32> to vector<1x1x16xf32>
        tpu.vector_store %arg8[%swap3A_106, %swap3A_107, %swap3A_108], %swap3A_111 {strides = array<i32>} : memref<2x128x128xf32, #tpu.memory_space<vmem>>, vector<1x1x16xf32>,
        %swap3A_112 = arith.constant 0 : i32
        %swap3A_113 = arith.index_cast %swap3A_112 : i32 to index
        %swap3A_114 = arith.index_cast %scan3A_63 : i32 to index
        %swap3A_115 = arith.constant 112 : index
        %swap3A_116 = tpu.vector_load %arg8[%swap3A_113, %swap3A_114, %swap3A_115] {strides = array<i32>} : memref<2x128x128xf32, #tpu.memory_space<vmem>>, vector<1x1x16xf32>,
        %swap3A_117 = vector.shape_cast %swap3A_116 : vector<1x1x16xf32> to vector<16xf32>
        %swap3A_118 = vector.shape_cast %broadcast_in_dim3A_2 : vector<16xf32> to vector<1x1x16xf32>
        tpu.vector_store %arg8[%swap3A_113, %swap3A_114, %swap3A_115], %swap3A_118 {strides = array<i32>} : memref<2x128x128xf32, #tpu.memory_space<vmem>>, vector<1x1x16xf32>,
      }
      %scan3A_7 = arith.constant 128 : i32
      %mul3A = arith.constant 632 : i32
      %mul3A_8 = arith.muli %arg1, %mul3A : i32
      %add3A = arith.constant 0 : i32
      %add3A_9 = arith.addi %mul3A_8, %add3A : i32
      %run_scoped3A = arith.constant 0 : i32
      "tpu.region"() ({
        %run_scoped3A_63 = tpu.sem_alloc : memref<!tpu.dma_semaphore, #tpu.memory_space<semaphore_mem>>
        %dma_start3A_64 = arith.constant 0 : i32
        %dma_start3A_65 = arith.constant 0 : i32
        %dma_start3A_66 = tpu.memref_slice %arg8[%run_scoped3A, %dma_start3A_64, %dma_start3A_65] : memref<2x128x128xf32, #tpu.memory_space<vmem>> -> memref<1x128x128xf32, #tpu.memory_space<vmem>>
        %dma_start3A_67 = tpu.memref_squeeze %dma_start3A_66 : memref<1x128x128xf32, #tpu.memory_space<vmem>> -> memref<128x128xf32, #tpu.memory_space<vmem>>
        %dma_start3A_68 = arith.constant 0 : i32
        %dma_start3A_69 = tpu.memref_slice %arg9[%add3A_9, %dma_start3A_68] : memref<10112x128xf32, #tpu.memory_space<vmem_shared>> -> memref<128x128xf32, #tpu.memory_space<vmem_shared>>
        %dma_start3A_70 = arith.constant 0 : i32
        %dma_start3A_71 = tpu.memref_slice %arg9[%add3A_9, %dma_start3A_70] : memref<10112x128xf32, #tpu.memory_space<vmem_shared>> -> memref<128x128xf32, #tpu.memory_space<vmem_shared>>
        %dma_start3A_72 = arith.constant 0 : i32
        %dma_start3A_73 = arith.constant 0 : i32
        %dma_start3A_74 = tpu.memref_slice %arg8[%run_scoped3A, %dma_start3A_72, %dma_start3A_73] : memref<2x128x128xf32, #tpu.memory_space<vmem>> -> memref<1x128x128xf32, #tpu.memory_space<vmem>>
        %dma_start3A_75 = tpu.memref_squeeze %dma_start3A_74 : memref<1x128x128xf32, #tpu.memory_space<vmem>> -> memref<128x128xf32, #tpu.memory_space<vmem>>
        tpu.enqueue_dma source(%dma_start3A_75 : memref<128x128xf32, #tpu.memory_space<vmem>>) target(%dma_start3A_71 : memref<128x128xf32, #tpu.memory_space<vmem_shared>>) target_semaphore(%run_scoped3A_63 : memref<!tpu.dma_semaphore, #tpu.memory_space<semaphore_mem>>)
        %dma_wait3A = arith.constant 0 : i32
        %dma_wait3A_76 = arith.constant 0 : i32
        %dma_wait3A_77 = tpu.memref_slice %arg8[%run_scoped3A, %dma_wait3A, %dma_wait3A_76] : memref<2x128x128xf32, #tpu.memory_space<vmem>> -> memref<1x128x128xf32, #tpu.memory_space<vmem>>
        %dma_wait3A_78 = tpu.memref_squeeze %dma_wait3A_77 : memref<1x128x128xf32, #tpu.memory_space<vmem>> -> memref<128x128xf32, #tpu.memory_space<vmem>>
        %dma_wait3A_79 = arith.constant 0 : i32
        %dma_wait3A_80 = tpu.memref_slice %arg9[%add3A_9, %dma_wait3A_79] : memref<10112x128xf32, #tpu.memory_space<vmem_shared>> -> memref<128x128xf32, #tpu.memory_space<vmem_shared>>
        %dma_wait3A_81 = arith.constant 0 : i32
        %dma_wait3A_82 = tpu.memref_slice %arg9[%add3A_9, %dma_wait3A_81] : memref<10112x128xf32, #tpu.memory_space<vmem_shared>> -> memref<128x128xf32, #tpu.memory_space<vmem_shared>>
        %dma_wait3A_83 = arith.constant 0 : i32
        %dma_wait3A_84 = arith.constant 0 : i32
        %dma_wait3A_85 = tpu.memref_slice %arg8[%run_scoped3A, %dma_wait3A_83, %dma_wait3A_84] : memref<2x128x128xf32, #tpu.memory_space<vmem>> -> memref<1x128x128xf32, #tpu.memory_space<vmem>>
        %dma_wait3A_86 = tpu.memref_squeeze %dma_wait3A_85 : memref<1x128x128xf32, #tpu.memory_space<vmem>> -> memref<128x128xf32, #tpu.memory_space<vmem>>
        tpu.wait_dma2 semaphore(%run_scoped3A_63 : memref<!tpu.dma_semaphore, #tpu.memory_space<semaphore_mem>>) src(%dma_wait3A_86 : memref<128x128xf32, #tpu.memory_space<vmem>>) dst(%dma_wait3A_82 : memref<128x128xf32, #tpu.memory_space<vmem_shared>>)
        tpu.yield
      }) : () -> ()
      %add3A_10 = arith.constant 128 : i32
      %add3A_11 = arith.addi %mul3A_8, %add3A_10 : i32
      %run_scoped3A_12 = arith.constant 0 : i32
      "tpu.region"() ({
        %run_scoped3A_63 = tpu.sem_alloc : memref<!tpu.dma_semaphore, #tpu.memory_space<semaphore_mem>>
        %dma_start3A_64 = arith.constant 0 : i32
        %dma_start3A_65 = arith.constant 0 : i32
        %dma_start3A_66 = tpu.memref_slice %arg8[%run_scoped3A_12, %dma_start3A_64, %dma_start3A_65] : memref<2x128x128xf32, #tpu.memory_space<vmem>> -> memref<1x128x128xf32, #tpu.memory_space<vmem>>
        %dma_start3A_67 = tpu.memref_squeeze %dma_start3A_66 : memref<1x128x128xf32, #tpu.memory_space<vmem>> -> memref<128x128xf32, #tpu.memory_space<vmem>>
        %dma_start3A_68 = arith.constant 0 : i32
        %dma_start3A_69 = tpu.memref_slice %arg9[%add3A_11, %dma_start3A_68] : memref<10112x128xf32, #tpu.memory_space<vmem_shared>> -> memref<128x128xf32, #tpu.memory_space<vmem_shared>>
        %dma_start3A_70 = arith.constant 0 : i32
        %dma_start3A_71 = tpu.memref_slice %arg9[%add3A_11, %dma_start3A_70] : memref<10112x128xf32, #tpu.memory_space<vmem_shared>> -> memref<128x128xf32, #tpu.memory_space<vmem_shared>>
        %dma_start3A_72 = arith.constant 0 : i32
        %dma_start3A_73 = arith.constant 0 : i32
        %dma_start3A_74 = tpu.memref_slice %arg8[%run_scoped3A_12, %dma_start3A_72, %dma_start3A_73] : memref<2x128x128xf32, #tpu.memory_space<vmem>> -> memref<1x128x128xf32, #tpu.memory_space<vmem>>
        %dma_start3A_75 = tpu.memref_squeeze %dma_start3A_74 : memref<1x128x128xf32, #tpu.memory_space<vmem>> -> memref<128x128xf32, #tpu.memory_space<vmem>>
        tpu.enqueue_dma source(%dma_start3A_75 : memref<128x128xf32, #tpu.memory_space<vmem>>) target(%dma_start3A_71 : memref<128x128xf32, #tpu.memory_space<vmem_shared>>) target_semaphore(%run_scoped3A_63 : memref<!tpu.dma_semaphore, #tpu.memory_space<semaphore_mem>>)
        %dma_wait3A = arith.constant 0 : i32
        %dma_wait3A_76 = arith.constant 0 : i32
        %dma_wait3A_77 = tpu.memref_slice %arg8[%run_scoped3A_12, %dma_wait3A, %dma_wait3A_76] : memref<2x128x128xf32, #tpu.memory_space<vmem>> -> memref<1x128x128xf32, #tpu.memory_space<vmem>>
        %dma_wait3A_78 = tpu.memref_squeeze %dma_wait3A_77 : memref<1x128x128xf32, #tpu.memory_space<vmem>> -> memref<128x128xf32, #tpu.memory_space<vmem>>
        %dma_wait3A_79 = arith.constant 0 : i32
        %dma_wait3A_80 = tpu.memref_slice %arg9[%add3A_11, %dma_wait3A_79] : memref<10112x128xf32, #tpu.memory_space<vmem_shared>> -> memref<128x128xf32, #tpu.memory_space<vmem_shared>>
        %dma_wait3A_81 = arith.constant 0 : i32
        %dma_wait3A_82 = tpu.memref_slice %arg9[%add3A_11, %dma_wait3A_81] : memref<10112x128xf32, #tpu.memory_space<vmem_shared>> -> memref<128x128xf32, #tpu.memory_space<vmem_shared>>
        %dma_wait3A_83 = arith.constant 0 : i32
        %dma_wait3A_84 = arith.constant 0 : i32
        %dma_wait3A_85 = tpu.memref_slice %arg8[%run_scoped3A_12, %dma_wait3A_83, %dma_wait3A_84] : memref<2x128x128xf32, #tpu.memory_space<vmem>> -> memref<1x128x128xf32, #tpu.memory_space<vmem>>
        %dma_wait3A_86 = tpu.memref_squeeze %dma_wait3A_85 : memref<1x128x128xf32, #tpu.memory_space<vmem>> -> memref<128x128xf32, #tpu.memory_space<vmem>>
        tpu.wait_dma2 semaphore(%run_scoped3A_63 : memref<!tpu.dma_semaphore, #tpu.memory_space<semaphore_mem>>) src(%dma_wait3A_86 : memref<128x128xf32, #tpu.memory_space<vmem>>) dst(%dma_wait3A_82 : memref<128x128xf32, #tpu.memory_space<vmem_shared>>)
        tpu.yield
      }) : () -> ()
      %add3A_13 = arith.constant 256 : i32
      %add3A_14 = arith.addi %mul3A_8, %add3A_13 : i32
      %run_scoped3A_15 = arith.constant 0 : i32
      "tpu.region"() ({
        %run_scoped3A_63 = tpu.sem_alloc : memref<!tpu.dma_semaphore, #tpu.memory_space<semaphore_mem>>
        %dma_start3A_64 = arith.constant 0 : i32
        %dma_start3A_65 = arith.constant 0 : i32
        %dma_start3A_66 = tpu.memref_slice %arg8[%run_scoped3A_15, %dma_start3A_64, %dma_start3A_65] : memref<2x128x128xf32, #tpu.memory_space<vmem>> -> memref<1x128x128xf32, #tpu.memory_space<vmem>>
        %dma_start3A_67 = tpu.memref_squeeze %dma_start3A_66 : memref<1x128x128xf32, #tpu.memory_space<vmem>> -> memref<128x128xf32, #tpu.memory_space<vmem>>
        %dma_start3A_68 = arith.constant 0 : i32
        %dma_start3A_69 = tpu.memref_slice %arg9[%add3A_14, %dma_start3A_68] : memref<10112x128xf32, #tpu.memory_space<vmem_shared>> -> memref<128x128xf32, #tpu.memory_space<vmem_shared>>
        %dma_start3A_70 = arith.constant 0 : i32
        %dma_start3A_71 = tpu.memref_slice %arg9[%add3A_14, %dma_start3A_70] : memref<10112x128xf32, #tpu.memory_space<vmem_shared>> -> memref<128x128xf32, #tpu.memory_space<vmem_shared>>
        %dma_start3A_72 = arith.constant 0 : i32
        %dma_start3A_73 = arith.constant 0 : i32
        %dma_start3A_74 = tpu.memref_slice %arg8[%run_scoped3A_15, %dma_start3A_72, %dma_start3A_73] : memref<2x128x128xf32, #tpu.memory_space<vmem>> -> memref<1x128x128xf32, #tpu.memory_space<vmem>>
        %dma_start3A_75 = tpu.memref_squeeze %dma_start3A_74 : memref<1x128x128xf32, #tpu.memory_space<vmem>> -> memref<128x128xf32, #tpu.memory_space<vmem>>
        tpu.enqueue_dma source(%dma_start3A_75 : memref<128x128xf32, #tpu.memory_space<vmem>>) target(%dma_start3A_71 : memref<128x128xf32, #tpu.memory_space<vmem_shared>>) target_semaphore(%run_scoped3A_63 : memref<!tpu.dma_semaphore, #tpu.memory_space<semaphore_mem>>)
        %dma_wait3A = arith.constant 0 : i32
        %dma_wait3A_76 = arith.constant 0 : i32
        %dma_wait3A_77 = tpu.memref_slice %arg8[%run_scoped3A_15, %dma_wait3A, %dma_wait3A_76] : memref<2x128x128xf32, #tpu.memory_space<vmem>> -> memref<1x128x128xf32, #tpu.memory_space<vmem>>
        %dma_wait3A_78 = tpu.memref_squeeze %dma_wait3A_77 : memref<1x128x128xf32, #tpu.memory_space<vmem>> -> memref<128x128xf32, #tpu.memory_space<vmem>>
        %dma_wait3A_79 = arith.constant 0 : i32
        %dma_wait3A_80 = tpu.memref_slice %arg9[%add3A_14, %dma_wait3A_79] : memref<10112x128xf32, #tpu.memory_space<vmem_shared>> -> memref<128x128xf32, #tpu.memory_space<vmem_shared>>
        %dma_wait3A_81 = arith.constant 0 : i32
        %dma_wait3A_82 = tpu.memref_slice %arg9[%add3A_14, %dma_wait3A_81] : memref<10112x128xf32, #tpu.memory_space<vmem_shared>> -> memref<128x128xf32, #tpu.memory_space<vmem_shared>>
        %dma_wait3A_83 = arith.constant 0 : i32
        %dma_wait3A_84 = arith.constant 0 : i32
        %dma_wait3A_85 = tpu.memref_slice %arg8[%run_scoped3A_15, %dma_wait3A_83, %dma_wait3A_84] : memref<2x128x128xf32, #tpu.memory_space<vmem>> -> memref<1x128x128xf32, #tpu.memory_space<vmem>>
        %dma_wait3A_86 = tpu.memref_squeeze %dma_wait3A_85 : memref<1x128x128xf32, #tpu.memory_space<vmem>> -> memref<128x128xf32, #tpu.memory_space<vmem>>
        tpu.wait_dma2 semaphore(%run_scoped3A_63 : memref<!tpu.dma_semaphore, #tpu.memory_space<semaphore_mem>>) src(%dma_wait3A_86 : memref<128x128xf32, #tpu.memory_space<vmem>>) dst(%dma_wait3A_82 : memref<128x128xf32, #tpu.memory_space<vmem_shared>>)
        tpu.yield
      }) : () -> ()
      %add3A_16 = arith.constant 384 : i32
      %add3A_17 = arith.addi %mul3A_8, %add3A_16 : i32
      %run_scoped3A_18 = arith.constant 0 : i32
      "tpu.region"() ({
        %run_scoped3A_63 = tpu.sem_alloc : memref<!tpu.dma_semaphore, #tpu.memory_space<semaphore_mem>>
        %dma_start3A_64 = arith.constant 0 : i32
        %dma_start3A_65 = arith.constant 0 : i32
        %dma_start3A_66 = tpu.memref_slice %arg8[%run_scoped3A_18, %dma_start3A_64, %dma_start3A_65] : memref<2x128x128xf32, #tpu.memory_space<vmem>> -> memref<1x128x128xf32, #tpu.memory_space<vmem>>
        %dma_start3A_67 = tpu.memref_squeeze %dma_start3A_66 : memref<1x128x128xf32, #tpu.memory_space<vmem>> -> memref<128x128xf32, #tpu.memory_space<vmem>>
        %dma_start3A_68 = arith.constant 0 : i32
        %dma_start3A_69 = tpu.memref_slice %arg9[%add3A_17, %dma_start3A_68] : memref<10112x128xf32, #tpu.memory_space<vmem_shared>> -> memref<128x128xf32, #tpu.memory_space<vmem_shared>>
        %dma_start3A_70 = arith.constant 0 : i32
        %dma_start3A_71 = tpu.memref_slice %arg9[%add3A_17, %dma_start3A_70] : memref<10112x128xf32, #tpu.memory_space<vmem_shared>> -> memref<128x128xf32, #tpu.memory_space<vmem_shared>>
        %dma_start3A_72 = arith.constant 0 : i32
        %dma_start3A_73 = arith.constant 0 : i32
        %dma_start3A_74 = tpu.memref_slice %arg8[%run_scoped3A_18, %dma_start3A_72, %dma_start3A_73] : memref<2x128x128xf32, #tpu.memory_space<vmem>> -> memref<1x128x128xf32, #tpu.memory_space<vmem>>
        %dma_start3A_75 = tpu.memref_squeeze %dma_start3A_74 : memref<1x128x128xf32, #tpu.memory_space<vmem>> -> memref<128x128xf32, #tpu.memory_space<vmem>>
        tpu.enqueue_dma source(%dma_start3A_75 : memref<128x128xf32, #tpu.memory_space<vmem>>) target(%dma_start3A_71 : memref<128x128xf32, #tpu.memory_space<vmem_shared>>) target_semaphore(%run_scoped3A_63 : memref<!tpu.dma_semaphore, #tpu.memory_space<semaphore_mem>>)
        %dma_wait3A = arith.constant 0 : i32
        %dma_wait3A_76 = arith.constant 0 : i32
        %dma_wait3A_77 = tpu.memref_slice %arg8[%run_scoped3A_18, %dma_wait3A, %dma_wait3A_76] : memref<2x128x128xf32, #tpu.memory_space<vmem>> -> memref<1x128x128xf32, #tpu.memory_space<vmem>>
        %dma_wait3A_78 = tpu.memref_squeeze %dma_wait3A_77 : memref<1x128x128xf32, #tpu.memory_space<vmem>> -> memref<128x128xf32, #tpu.memory_space<vmem>>
        %dma_wait3A_79 = arith.constant 0 : i32
        %dma_wait3A_80 = tpu.memref_slice %arg9[%add3A_17, %dma_wait3A_79] : memref<10112x128xf32, #tpu.memory_space<vmem_shared>> -> memref<128x128xf32, #tpu.memory_space<vmem_shared>>
        %dma_wait3A_81 = arith.constant 0 : i32
        %dma_wait3A_82 = tpu.memref_slice %arg9[%add3A_17, %dma_wait3A_81] : memref<10112x128xf32, #tpu.memory_space<vmem_shared>> -> memref<128x128xf32, #tpu.memory_space<vmem_shared>>
        %dma_wait3A_83 = arith.constant 0 : i32
        %dma_wait3A_84 = arith.constant 0 : i32
        %dma_wait3A_85 = tpu.memref_slice %arg8[%run_scoped3A_18, %dma_wait3A_83, %dma_wait3A_84] : memref<2x128x128xf32, #tpu.memory_space<vmem>> -> memref<1x128x128xf32, #tpu.memory_space<vmem>>
        %dma_wait3A_86 = tpu.memref_squeeze %dma_wait3A_85 : memref<1x128x128xf32, #tpu.memory_space<vmem>> -> memref<128x128xf32, #tpu.memory_space<vmem>>
        tpu.wait_dma2 semaphore(%run_scoped3A_63 : memref<!tpu.dma_semaphore, #tpu.memory_space<semaphore_mem>>) src(%dma_wait3A_86 : memref<128x128xf32, #tpu.memory_space<vmem>>) dst(%dma_wait3A_82 : memref<128x128xf32, #tpu.memory_space<vmem_shared>>)
        tpu.yield
      }) : () -> ()
      %add3A_19 = arith.constant 512 : i32
      %add3A_20 = arith.addi %mul3A_8, %add3A_19 : i32
      %run_scoped3A_21 = arith.constant 0 : i32
      "tpu.region"() ({
        %run_scoped3A_63 = tpu.sem_alloc : memref<!tpu.dma_semaphore, #tpu.memory_space<semaphore_mem>>
        %dma_start3A_64 = arith.constant 0 : i32
        %dma_start3A_65 = arith.constant 0 : i32
        %dma_start3A_66 = tpu.memref_slice %arg8[%run_scoped3A_21, %dma_start3A_64, %dma_start3A_65] : memref<2x128x128xf32, #tpu.memory_space<vmem>> -> memref<1x120x128xf32, #tpu.memory_space<vmem>>
        %dma_start3A_67 = tpu.memref_squeeze %dma_start3A_66 : memref<1x120x128xf32, #tpu.memory_space<vmem>> -> memref<120x128xf32, #tpu.memory_space<vmem>>
        %dma_start3A_68 = arith.constant 0 : i32
        %dma_start3A_69 = tpu.memref_slice %arg9[%add3A_20, %dma_start3A_68] : memref<10112x128xf32, #tpu.memory_space<vmem_shared>> -> memref<120x128xf32, #tpu.memory_space<vmem_shared>>
        %dma_start3A_70 = arith.constant 0 : i32
        %dma_start3A_71 = tpu.memref_slice %arg9[%add3A_20, %dma_start3A_70] : memref<10112x128xf32, #tpu.memory_space<vmem_shared>> -> memref<120x128xf32, #tpu.memory_space<vmem_shared>>
        %dma_start3A_72 = arith.constant 0 : i32
        %dma_start3A_73 = arith.constant 0 : i32
        %dma_start3A_74 = tpu.memref_slice %arg8[%run_scoped3A_21, %dma_start3A_72, %dma_start3A_73] : memref<2x128x128xf32, #tpu.memory_space<vmem>> -> memref<1x120x128xf32, #tpu.memory_space<vmem>>
        %dma_start3A_75 = tpu.memref_squeeze %dma_start3A_74 : memref<1x120x128xf32, #tpu.memory_space<vmem>> -> memref<120x128xf32, #tpu.memory_space<vmem>>
        tpu.enqueue_dma source(%dma_start3A_75 : memref<120x128xf32, #tpu.memory_space<vmem>>) target(%dma_start3A_71 : memref<120x128xf32, #tpu.memory_space<vmem_shared>>) target_semaphore(%run_scoped3A_63 : memref<!tpu.dma_semaphore, #tpu.memory_space<semaphore_mem>>)
        %dma_wait3A = arith.constant 0 : i32
        %dma_wait3A_76 = arith.constant 0 : i32
        %dma_wait3A_77 = tpu.memref_slice %arg8[%run_scoped3A_21, %dma_wait3A, %dma_wait3A_76] : memref<2x128x128xf32, #tpu.memory_space<vmem>> -> memref<1x120x128xf32, #tpu.memory_space<vmem>>
        %dma_wait3A_78 = tpu.memref_squeeze %dma_wait3A_77 : memref<1x120x128xf32, #tpu.memory_space<vmem>> -> memref<120x128xf32, #tpu.memory_space<vmem>>
        %dma_wait3A_79 = arith.constant 0 : i32
        %dma_wait3A_80 = tpu.memref_slice %arg9[%add3A_20, %dma_wait3A_79] : memref<10112x128xf32, #tpu.memory_space<vmem_shared>> -> memref<120x128xf32, #tpu.memory_space<vmem_shared>>
        %dma_wait3A_81 = arith.constant 0 : i32
        %dma_wait3A_82 = tpu.memref_slice %arg9[%add3A_20, %dma_wait3A_81] : memref<10112x128xf32, #tpu.memory_space<vmem_shared>> -> memref<120x128xf32, #tpu.memory_space<vmem_shared>>
        %dma_wait3A_83 = arith.constant 0 : i32
        %dma_wait3A_84 = arith.constant 0 : i32
        %dma_wait3A_85 = tpu.memref_slice %arg8[%run_scoped3A_21, %dma_wait3A_83, %dma_wait3A_84] : memref<2x128x128xf32, #tpu.memory_space<vmem>> -> memref<1x120x128xf32, #tpu.memory_space<vmem>>
        %dma_wait3A_86 = tpu.memref_squeeze %dma_wait3A_85 : memref<1x120x128xf32, #tpu.memory_space<vmem>> -> memref<120x128xf32, #tpu.memory_space<vmem>>
        tpu.wait_dma2 semaphore(%run_scoped3A_63 : memref<!tpu.dma_semaphore, #tpu.memory_space<semaphore_mem>>) src(%dma_wait3A_86 : memref<120x128xf32, #tpu.memory_space<vmem>>) dst(%dma_wait3A_82 : memref<120x128xf32, #tpu.memory_space<vmem_shared>>)
        tpu.yield
      }) : () -> ()
      %eq3A_22 = arith.constant 0 : i32
      %eq3A_23 = arith.cmpi eq, %arg0, %eq3A_22 : i32
      %mul3A_24 = arith.constant 120 : i32
      %mul3A_25 = arith.muli %arg1, %mul3A_24 : i32
      %mul3A_26 = arith.constant 40 : i32
      %mul3A_27 = arith.muli %arg1, %mul3A_26 : i32
      %add3A_28 = arith.constant 1920 : i32
      %add3A_29 = arith.addi %add3A_28, %mul3A_27 : i32
      %select_n3A = arith.select %eq3A_23, %mul3A_25, %add3A_29 : i32
      %eq3A_30 = arith.constant 0 : i32
      %eq3A_31 = arith.cmpi eq, %arg0, %eq3A_30 : i32
      %select_n3A_32 = arith.constant 40 : i32
      %select_n3A_33 = arith.constant 120 : i32
      %select_n3A_34 = arith.select %eq3A_31, %select_n3A_33, %select_n3A_32 : i32
      "tpu.region"() ({
        %run_scoped3A_63 = tpu.sem_alloc : memref<!tpu.dma_semaphore, #tpu.memory_space<semaphore_mem>>
        %dma_start3A_64 = arith.constant 0 : i32
        %dma_start3A_65 = tpu.memref_slice %arg3[%select_n3A, %dma_start3A_64] : memref<2560x128xi32, #tpu.memory_space<hbm>> -> memref<40x128xi32, #tpu.memory_space<hbm>>
        %dma_start3A_66 = arith.constant 0 : i32
        %dma_start3A_67 = tpu.memref_slice %arg3[%select_n3A, %dma_start3A_66] : memref<2560x128xi32, #tpu.memory_space<hbm>> -> memref<40x128xi32, #tpu.memory_space<hbm>>
        tpu.enqueue_dma source(%dma_start3A_67 : memref<40x128xi32, #tpu.memory_space<hbm>>) target(%arg6 : memref<40x128xi32, #tpu.memory_space<vmem>>) target_semaphore(%run_scoped3A_63 : memref<!tpu.dma_semaphore, #tpu.memory_space<semaphore_mem>>)
        %dma_wait3A = arith.constant 0 : i32
        %dma_wait3A_68 = tpu.memref_slice %arg3[%select_n3A, %dma_wait3A] : memref<2560x128xi32, #tpu.memory_space<hbm>> -> memref<40x128xi32, #tpu.memory_space<hbm>>
        %dma_wait3A_69 = arith.constant 0 : i32
        %dma_wait3A_70 = tpu.memref_slice %arg3[%select_n3A, %dma_wait3A_69] : memref<2560x128xi32, #tpu.memory_space<hbm>> -> memref<40x128xi32, #tpu.memory_space<hbm>>
        tpu.wait_dma2 semaphore(%run_scoped3A_63 : memref<!tpu.dma_semaphore, #tpu.memory_space<semaphore_mem>>) src(%dma_wait3A_70 : memref<40x128xi32, #tpu.memory_space<hbm>>) dst(%arg6 : memref<40x128xi32, #tpu.memory_space<vmem>>)
        tpu.yield
      }) : () -> ()
      "tpu.region"() ({
        %run_scoped3A_63 = tpu.sem_alloc : memref<!tpu.dma_semaphore, #tpu.memory_space<semaphore_mem>>
        %dma_start3A_64 = arith.constant 0 : i32
        %dma_start3A_65 = tpu.memref_slice %arg4[%select_n3A, %dma_start3A_64] : memref<2560x128xi32, #tpu.memory_space<hbm>> -> memref<40x128xi32, #tpu.memory_space<hbm>>
        %dma_start3A_66 = arith.constant 0 : i32
        %dma_start3A_67 = tpu.memref_slice %arg4[%select_n3A, %dma_start3A_66] : memref<2560x128xi32, #tpu.memory_space<hbm>> -> memref<40x128xi32, #tpu.memory_space<hbm>>
        tpu.enqueue_dma source(%dma_start3A_67 : memref<40x128xi32, #tpu.memory_space<hbm>>) target(%arg7 : memref<40x128xi32, #tpu.memory_space<vmem>>) target_semaphore(%run_scoped3A_63 : memref<!tpu.dma_semaphore, #tpu.memory_space<semaphore_mem>>)
        %dma_wait3A = arith.constant 0 : i32
        %dma_wait3A_68 = tpu.memref_slice %arg4[%select_n3A, %dma_wait3A] : memref<2560x128xi32, #tpu.memory_space<hbm>> -> memref<40x128xi32, #tpu.memory_space<hbm>>
        %dma_wait3A_69 = arith.constant 0 : i32
        %dma_wait3A_70 = tpu.memref_slice %arg4[%select_n3A, %dma_wait3A_69] : memref<2560x128xi32, #tpu.memory_space<hbm>> -> memref<40x128xi32, #tpu.memory_space<hbm>>
        tpu.wait_dma2 semaphore(%run_scoped3A_63 : memref<!tpu.dma_semaphore, #tpu.memory_space<semaphore_mem>>) src(%dma_wait3A_70 : memref<40x128xi32, #tpu.memory_space<hbm>>) dst(%arg7 : memref<40x128xi32, #tpu.memory_space<vmem>>)
        tpu.yield
      }) : () -> ()
      %barrier3A = arith.constant 0 : index
      tpu.barrier barrier_id(%barrier3A)
      %dma_start3A = arith.constant 0 : i32
      %dma_start3A_35 = arith.constant 0 : i32
      %dma_start3A_36 = arith.constant 0 : i32
      %dma_start3A_37 = arith.constant 0 : i32
      %dma_start3A_38 = arith.constant 0 : i32
      %dma_start3A_39 = tpu.memref_slice %arg8[%dma_start3A_35, %dma_start3A_37, %dma_start3A_38] : memref<2x128x128xf32, #tpu.memory_space<vmem>> -> memref<1x128x128xf32, #tpu.memory_space<vmem>>
      %dma_start3A_40 = tpu.memref_squeeze %dma_start3A_39 : memref<1x128x128xf32, #tpu.memory_space<vmem>> -> memref<128x128xf32, #tpu.memory_space<vmem>>
      %dma_start3A_41 = arith.constant 0 : i32
      %dma_start3A_42 = tpu.memref_slice %arg6[%dma_start3A, %dma_start3A_41] : memref<40x128xi32, #tpu.memory_space<vmem>> -> memref<1x128xi32, #tpu.memory_space<vmem>>
      %dma_start3A_43 = tpu.memref_squeeze %dma_start3A_42 : memref<1x128xi32, #tpu.memory_space<vmem>> -> memref<128xi32, #tpu.memory_space<vmem>>
      %dma_start3A_44 = arith.constant 0 : i32
      %dma_start3A_45 = arith.constant 0 : i32
      %dma_start3A_46 = tpu.memref_slice %arg2[%dma_start3A_44, %dma_start3A_45] : memref<10000x128xf32, #tpu.memory_space<hbm>> -> memref<10000x128xf32, #tpu.memory_space<hbm>>
      %dma_start3A_47 = tpu.memref_slice %arg10[%dma_start3A_36] : memref<2x!tpu.dma_semaphore, #tpu.memory_space<semaphore_mem>> -> memref<1x!tpu.dma_semaphore, #tpu.memory_space<semaphore_mem>>
      %dma_start3A_48 = tpu.memref_squeeze %dma_start3A_47 : memref<1x!tpu.dma_semaphore, #tpu.memory_space<semaphore_mem>> -> memref<!tpu.dma_semaphore, #tpu.memory_space<semaphore_mem>>
      tpu.enqueue_indirect_dma source(%dma_start3A_46 : memref<10000x128xf32, #tpu.memory_space<hbm>>) target(%dma_start3A_40 : memref<128x128xf32, #tpu.memory_space<vmem>>) offsets(%dma_start3A_43 : memref<128xi32, #tpu.memory_space<vmem>>) semaphore(%dma_start3A_48 : memref<!tpu.dma_semaphore, #tpu.memory_space<semaphore_mem>>)
      %while3A = arith.constant 0 : i32
      %while3A_49 = arith.constant 0 : i32
      %while3A_50 = arith.subi %select_n3A_34, %while3A_49 : i32
      %while3A_51 = arith.addi %while3A_49, %while3A_50 : i32
      %while3A_52 = arith.constant 1 : i32
      %while3A_53 = arith.divsi %while3A_50, %while3A_52 : i32
      %while3A_54 = arith.muli %while3A_53, %while3A_52 : i32
      %while3A_55 = arith.addi %while3A_49, %while3A_54 : i32
      %while3A_56 = arith.constant 1 : i32
      scf.for %while3A_63 = %while3A_49 to %while3A_55 step %while3A_56  : i32 {
        %rem3A = arith.constant 2 : i32
        %rem3A_64 = arith.remsi %while3A_63, %rem3A : i32
        %rem3A_65 = arith.constant 40 : i32
        %rem3A_66 = arith.remsi %while3A_63, %rem3A_65 : i32
        %dma_wait3A = arith.constant 0 : i32
        %dma_wait3A_67 = arith.constant 0 : i32
        %dma_wait3A_68 = tpu.memref_slice %arg8[%rem3A_64, %dma_wait3A, %dma_wait3A_67] : memref<2x128x128xf32, #tpu.memory_space<vmem>> -> memref<1x128x128xf32, #tpu.memory_space<vmem>>
        %dma_wait3A_69 = tpu.memref_squeeze %dma_wait3A_68 : memref<1x128x128xf32, #tpu.memory_space<vmem>> -> memref<128x128xf32, #tpu.memory_space<vmem>>
        %dma_wait3A_70 = arith.constant 0 : i32
        %dma_wait3A_71 = tpu.memref_slice %arg6[%rem3A_66, %dma_wait3A_70] : memref<40x128xi32, #tpu.memory_space<vmem>> -> memref<1x128xi32, #tpu.memory_space<vmem>>
        %dma_wait3A_72 = tpu.memref_squeeze %dma_wait3A_71 : memref<1x128xi32, #tpu.memory_space<vmem>> -> memref<128xi32, #tpu.memory_space<vmem>>
        %dma_wait3A_73 = arith.constant 0 : i32
        %dma_wait3A_74 = arith.constant 0 : i32
        %dma_wait3A_75 = tpu.memref_slice %arg2[%dma_wait3A_73, %dma_wait3A_74] : memref<10000x128xf32, #tpu.memory_space<hbm>> -> memref<10000x128xf32, #tpu.memory_space<hbm>>
        %dma_wait3A_76 = tpu.memref_slice %arg10[%rem3A_64] : memref<2x!tpu.dma_semaphore, #tpu.memory_space<semaphore_mem>> -> memref<1x!tpu.dma_semaphore, #tpu.memory_space<semaphore_mem>>
        %dma_wait3A_77 = tpu.memref_squeeze %dma_wait3A_76 : memref<1x!tpu.dma_semaphore, #tpu.memory_space<semaphore_mem>> -> memref<!tpu.dma_semaphore, #tpu.memory_space<semaphore_mem>>
        tpu.wait_indirect_dma semaphore(%dma_wait3A_77 : memref<!tpu.dma_semaphore, #tpu.memory_space<semaphore_mem>>) src(%dma_wait3A_75 : memref<10000x128xf32, #tpu.memory_space<hbm>>) dst(%dma_wait3A_69 : memref<128x128xf32, #tpu.memory_space<vmem>>)
        %eq3A_78 = arith.constant 39 : i32
        %eq3A_79 = arith.cmpi eq, %rem3A_66, %eq3A_78 : i32
        %add3A_80 = arith.constant 1 : i32
        %add3A_81 = arith.addi %while3A_63, %add3A_80 : i32
        %lt3A = arith.cmpi slt, %add3A_81, %select_n3A_34 : i32
        %and3A = arith.andi %eq3A_79, %lt3A : i1
        %convert_element_type3A_82 = arith.extui %and3A : i1 to i32
        %cond3A_83 = arith.constant 0 : i32
        %cond3A_84 = arith.cmpi ne, %convert_element_type3A_82, %cond3A_83 : i32
        scf.if %cond3A_84 {
          %add3A_99 = arith.addi %select_n3A, %while3A_63 : i32
          %add3A_100 = arith.constant 1 : i32
          %add3A_101 = arith.addi %add3A_99, %add3A_100 : i32
          %multiple_of3A = tpu.assume_multiple %add3A_101, 8 : i32
          "tpu.region"() ({
            %run_scoped3A_102 = tpu.sem_alloc : memref<!tpu.dma_semaphore, #tpu.memory_space<semaphore_mem>>
            %dma_start3A_103 = arith.constant 0 : i32
            %dma_start3A_104 = tpu.memref_slice %arg3[%multiple_of3A, %dma_start3A_103] : memref<2560x128xi32, #tpu.memory_space<hbm>> -> memref<40x128xi32, #tpu.memory_space<hbm>>
            %dma_start3A_105 = arith.constant 0 : i32
            %dma_start3A_106 = tpu.memref_slice %arg3[%multiple_of3A, %dma_start3A_105] : memref<2560x128xi32, #tpu.memory_space<hbm>> -> memref<40x128xi32, #tpu.memory_space<hbm>>
            tpu.enqueue_dma source(%dma_start3A_106 : memref<40x128xi32, #tpu.memory_space<hbm>>) target(%arg6 : memref<40x128xi32, #tpu.memory_space<vmem>>) target_semaphore(%run_scoped3A_102 : memref<!tpu.dma_semaphore, #tpu.memory_space<semaphore_mem>>)
            %dma_wait3A_107 = arith.constant 0 : i32
            %dma_wait3A_108 = tpu.memref_slice %arg3[%multiple_of3A, %dma_wait3A_107] : memref<2560x128xi32, #tpu.memory_space<hbm>> -> memref<40x128xi32, #tpu.memory_space<hbm>>
            %dma_wait3A_109 = arith.constant 0 : i32
            %dma_wait3A_110 = tpu.memref_slice %arg3[%multiple_of3A, %dma_wait3A_109] : memref<2560x128xi32, #tpu.memory_space<hbm>> -> memref<40x128xi32, #tpu.memory_space<hbm>>
            tpu.wait_dma2 semaphore(%run_scoped3A_102 : memref<!tpu.dma_semaphore, #tpu.memory_space<semaphore_mem>>) src(%dma_wait3A_110 : memref<40x128xi32, #tpu.memory_space<hbm>>) dst(%arg6 : memref<40x128xi32, #tpu.memory_space<vmem>>)
            tpu.yield
          }) : () -> ()
        } else {
        }
        %add3A_85 = arith.constant 2 : i32
        %add3A_86 = arith.addi %while3A_63, %add3A_85 : i32
        %sub3A = arith.constant 1 : i32
        %sub3A_87 = arith.subi %add3A_86, %sub3A : i32
        %lt3A_88 = arith.cmpi slt, %sub3A_87, %select_n3A_34 : i32
        %convert_element_type3A_89 = arith.extui %lt3A_88 : i1 to i32
        %cond3A_90 = arith.constant 0 : i32
        %cond3A_91 = arith.cmpi ne, %convert_element_type3A_89, %cond3A_90 : i32
        scf.if %cond3A_91 {
          %add3A_99 = arith.constant 2 : i32
          %add3A_100 = arith.addi %while3A_63, %add3A_99 : i32
          %sub3A_101 = arith.constant 1 : i32
          %sub3A_102 = arith.subi %add3A_100, %sub3A_101 : i32
          %rem3A_103 = arith.constant 2 : i32
          %rem3A_104 = arith.remsi %sub3A_102, %rem3A_103 : i32
          %add3A_105 = arith.constant 2 : i32
          %add3A_106 = arith.addi %while3A_63, %add3A_105 : i32
          %sub3A_107 = arith.constant 1 : i32
          %sub3A_108 = arith.subi %add3A_106, %sub3A_107 : i32
          %rem3A_109 = arith.constant 40 : i32
          %rem3A_110 = arith.remsi %sub3A_108, %rem3A_109 : i32
          %dma_start3A_111 = arith.constant 0 : i32
          %dma_start3A_112 = arith.constant 0 : i32
          %dma_start3A_113 = tpu.memref_slice %arg8[%rem3A_104, %dma_start3A_111, %dma_start3A_112] : memref<2x128x128xf32, #tpu.memory_space<vmem>> -> memref<1x128x128xf32, #tpu.memory_space<vmem>>
          %dma_start3A_114 = tpu.memref_squeeze %dma_start3A_113 : memref<1x128x128xf32, #tpu.memory_space<vmem>> -> memref<128x128xf32, #tpu.memory_space<vmem>>
          %dma_start3A_115 = arith.constant 0 : i32
          %dma_start3A_116 = tpu.memref_slice %arg6[%rem3A_110, %dma_start3A_115] : memref<40x128xi32, #tpu.memory_space<vmem>> -> memref<1x128xi32, #tpu.memory_space<vmem>>
          %dma_start3A_117 = tpu.memref_squeeze %dma_start3A_116 : memref<1x128xi32, #tpu.memory_space<vmem>> -> memref<128xi32, #tpu.memory_space<vmem>>
          %dma_start3A_118 = arith.constant 0 : i32
          %dma_start3A_119 = arith.constant 0 : i32
          %dma_start3A_120 = tpu.memref_slice %arg2[%dma_start3A_118, %dma_start3A_119] : memref<10000x128xf32, #tpu.memory_space<hbm>> -> memref<10000x128xf32, #tpu.memory_space<hbm>>
          %dma_start3A_121 = tpu.memref_slice %arg10[%rem3A_104] : memref<2x!tpu.dma_semaphore, #tpu.memory_space<semaphore_mem>> -> memref<1x!tpu.dma_semaphore, #tpu.memory_space<semaphore_mem>>
          %dma_start3A_122 = tpu.memref_squeeze %dma_start3A_121 : memref<1x!tpu.dma_semaphore, #tpu.memory_space<semaphore_mem>> -> memref<!tpu.dma_semaphore, #tpu.memory_space<semaphore_mem>>
          tpu.enqueue_indirect_dma source(%dma_start3A_120 : memref<10000x128xf32, #tpu.memory_space<hbm>>) target(%dma_start3A_114 : memref<128x128xf32, #tpu.memory_space<vmem>>) offsets(%dma_start3A_117 : memref<128xi32, #tpu.memory_space<vmem>>) semaphore(%dma_start3A_122 : memref<!tpu.dma_semaphore, #tpu.memory_space<semaphore_mem>>)
        } else {
        }
        %eq3A_92 = arith.constant 0 : i32
        %eq3A_93 = arith.cmpi eq, %rem3A_66, %eq3A_92 : i32
        %gt3A = arith.constant 0 : i32
        %gt3A_94 = arith.cmpi sgt, %while3A_63, %gt3A : i32
        %and3A_95 = arith.andi %eq3A_93, %gt3A_94 : i1
        %convert_element_type3A_96 = arith.extui %and3A_95 : i1 to i32
        %cond3A_97 = arith.constant 0 : i32
        %cond3A_98 = arith.cmpi ne, %convert_element_type3A_96, %cond3A_97 : i32
        scf.if %cond3A_98 {
          %add3A_99 = arith.addi %select_n3A, %while3A_63 : i32
          %multiple_of3A = tpu.assume_multiple %add3A_99, 8 : i32
          "tpu.region"() ({
            %run_scoped3A_100 = tpu.sem_alloc : memref<!tpu.dma_semaphore, #tpu.memory_space<semaphore_mem>>
            %dma_start3A_101 = arith.constant 0 : i32
            %dma_start3A_102 = tpu.memref_slice %arg4[%multiple_of3A, %dma_start3A_101] : memref<2560x128xi32, #tpu.memory_space<hbm>> -> memref<40x128xi32, #tpu.memory_space<hbm>>
            %dma_start3A_103 = arith.constant 0 : i32
            %dma_start3A_104 = tpu.memref_slice %arg4[%multiple_of3A, %dma_start3A_103] : memref<2560x128xi32, #tpu.memory_space<hbm>> -> memref<40x128xi32, #tpu.memory_space<hbm>>
            tpu.enqueue_dma source(%dma_start3A_104 : memref<40x128xi32, #tpu.memory_space<hbm>>) target(%arg7 : memref<40x128xi32, #tpu.memory_space<vmem>>) target_semaphore(%run_scoped3A_100 : memref<!tpu.dma_semaphore, #tpu.memory_space<semaphore_mem>>)
            %dma_wait3A_105 = arith.constant 0 : i32
            %dma_wait3A_106 = tpu.memref_slice %arg4[%multiple_of3A, %dma_wait3A_105] : memref<2560x128xi32, #tpu.memory_space<hbm>> -> memref<40x128xi32, #tpu.memory_space<hbm>>
            %dma_wait3A_107 = arith.constant 0 : i32
            %dma_wait3A_108 = tpu.memref_slice %arg4[%multiple_of3A, %dma_wait3A_107] : memref<2560x128xi32, #tpu.memory_space<hbm>> -> memref<40x128xi32, #tpu.memory_space<hbm>>
            tpu.wait_dma2 semaphore(%run_scoped3A_100 : memref<!tpu.dma_semaphore, #tpu.memory_space<semaphore_mem>>) src(%dma_wait3A_108 : memref<40x128xi32, #tpu.memory_space<hbm>>) dst(%arg7 : memref<40x128xi32, #tpu.memory_space<vmem>>)
            tpu.yield
          }) : () -> ()
        } else {
        }
        "tpu.region"() ({
          %run_scoped3A_99 = tpu.sem_alloc : memref<!tpu.dma_semaphore, #tpu.memory_space<semaphore_mem>>
          %dma_start3A_100 = arith.constant 0 : i32
          %dma_start3A_101 = arith.constant 0 : i32
          %dma_start3A_102 = tpu.memref_slice %arg8[%rem3A_64, %dma_start3A_100, %dma_start3A_101] : memref<2x128x128xf32, #tpu.memory_space<vmem>> -> memref<1x128x128xf32, #tpu.memory_space<vmem>>
          %dma_start3A_103 = tpu.memref_squeeze %dma_start3A_102 : memref<1x128x128xf32, #tpu.memory_space<vmem>> -> memref<128x128xf32, #tpu.memory_space<vmem>>
          %dma_start3A_104 = arith.constant 0 : i32
          %dma_start3A_105 = tpu.memref_slice %arg7[%rem3A_66, %dma_start3A_104] : memref<40x128xi32, #tpu.memory_space<vmem>> -> memref<1x128xi32, #tpu.memory_space<vmem>>
          %dma_start3A_106 = tpu.memref_squeeze %dma_start3A_105 : memref<1x128xi32, #tpu.memory_space<vmem>> -> memref<128xi32, #tpu.memory_space<vmem>>
          %dma_start3A_107 = arith.constant 0 : i32
          %dma_start3A_108 = arith.constant 0 : i32
          %dma_start3A_109 = tpu.memref_slice %arg9[%dma_start3A_107, %dma_start3A_108] : memref<10112x128xf32, #tpu.memory_space<vmem_shared>> -> memref<10112x128xf32, #tpu.memory_space<vmem_shared>>
          tpu.enqueue_indirect_dma source(%dma_start3A_103 : memref<128x128xf32, #tpu.memory_space<vmem>>) target(%dma_start3A_109 : memref<10112x128xf32, #tpu.memory_space<vmem_shared>>) offsets(%dma_start3A_106 : memref<128xi32, #tpu.memory_space<vmem>>) semaphore(%run_scoped3A_99 : memref<!tpu.dma_semaphore, #tpu.memory_space<semaphore_mem>>) {add = true}
          %dma_wait3A_110 = arith.constant 0 : i32
          %dma_wait3A_111 = arith.constant 0 : i32
          %dma_wait3A_112 = tpu.memref_slice %arg8[%rem3A_64, %dma_wait3A_110, %dma_wait3A_111] : memref<2x128x128xf32, #tpu.memory_space<vmem>> -> memref<1x128x128xf32, #tpu.memory_space<vmem>>
          %dma_wait3A_113 = tpu.memref_squeeze %dma_wait3A_112 : memref<1x128x128xf32, #tpu.memory_space<vmem>> -> memref<128x128xf32, #tpu.memory_space<vmem>>
          %dma_wait3A_114 = arith.constant 0 : i32
          %dma_wait3A_115 = tpu.memref_slice %arg7[%rem3A_66, %dma_wait3A_114] : memref<40x128xi32, #tpu.memory_space<vmem>> -> memref<1x128xi32, #tpu.memory_space<vmem>>
          %dma_wait3A_116 = tpu.memref_squeeze %dma_wait3A_115 : memref<1x128xi32, #tpu.memory_space<vmem>> -> memref<128xi32, #tpu.memory_space<vmem>>
          %dma_wait3A_117 = arith.constant 0 : i32
          %dma_wait3A_118 = arith.constant 0 : i32
          %dma_wait3A_119 = tpu.memref_slice %arg9[%dma_wait3A_117, %dma_wait3A_118] : memref<10112x128xf32, #tpu.memory_space<vmem_shared>> -> memref<10112x128xf32, #tpu.memory_space<vmem_shared>>
          tpu.wait_indirect_dma semaphore(%run_scoped3A_99 : memref<!tpu.dma_semaphore, #tpu.memory_space<semaphore_mem>>) src(%dma_wait3A_113 : memref<128x128xf32, #tpu.memory_space<vmem>>) dst(%dma_wait3A_119 : memref<10112x128xf32, #tpu.memory_space<vmem_shared>>)
          tpu.yield
        }) : () -> ()
      }
      %while3A_57 = arith.constant 1 : i32
      scf.for %while3A_63 = %while3A_55 to %while3A_51 step %while3A_57  : i32 {
        %rem3A = arith.constant 2 : i32
        %rem3A_64 = arith.remsi %while3A_63, %rem3A : i32
        %rem3A_65 = arith.constant 40 : i32
        %rem3A_66 = arith.remsi %while3A_63, %rem3A_65 : i32
        %dma_wait3A = arith.constant 0 : i32
        %dma_wait3A_67 = arith.constant 0 : i32
        %dma_wait3A_68 = tpu.memref_slice %arg8[%rem3A_64, %dma_wait3A, %dma_wait3A_67] : memref<2x128x128xf32, #tpu.memory_space<vmem>> -> memref<1x128x128xf32, #tpu.memory_space<vmem>>
        %dma_wait3A_69 = tpu.memref_squeeze %dma_wait3A_68 : memref<1x128x128xf32, #tpu.memory_space<vmem>> -> memref<128x128xf32, #tpu.memory_space<vmem>>
        %dma_wait3A_70 = arith.constant 0 : i32
        %dma_wait3A_71 = tpu.memref_slice %arg6[%rem3A_66, %dma_wait3A_70] : memref<40x128xi32, #tpu.memory_space<vmem>> -> memref<1x128xi32, #tpu.memory_space<vmem>>
        %dma_wait3A_72 = tpu.memref_squeeze %dma_wait3A_71 : memref<1x128xi32, #tpu.memory_space<vmem>> -> memref<128xi32, #tpu.memory_space<vmem>>
        %dma_wait3A_73 = arith.constant 0 : i32
        %dma_wait3A_74 = arith.constant 0 : i32
        %dma_wait3A_75 = tpu.memref_slice %arg2[%dma_wait3A_73, %dma_wait3A_74] : memref<10000x128xf32, #tpu.memory_space<hbm>> -> memref<10000x128xf32, #tpu.memory_space<hbm>>
        %dma_wait3A_76 = tpu.memref_slice %arg10[%rem3A_64] : memref<2x!tpu.dma_semaphore, #tpu.memory_space<semaphore_mem>> -> memref<1x!tpu.dma_semaphore, #tpu.memory_space<semaphore_mem>>
        %dma_wait3A_77 = tpu.memref_squeeze %dma_wait3A_76 : memref<1x!tpu.dma_semaphore, #tpu.memory_space<semaphore_mem>> -> memref<!tpu.dma_semaphore, #tpu.memory_space<semaphore_mem>>
        tpu.wait_indirect_dma semaphore(%dma_wait3A_77 : memref<!tpu.dma_semaphore, #tpu.memory_space<semaphore_mem>>) src(%dma_wait3A_75 : memref<10000x128xf32, #tpu.memory_space<hbm>>) dst(%dma_wait3A_69 : memref<128x128xf32, #tpu.memory_space<vmem>>)
        %eq3A_78 = arith.constant 39 : i32
        %eq3A_79 = arith.cmpi eq, %rem3A_66, %eq3A_78 : i32
        %add3A_80 = arith.constant 1 : i32
        %add3A_81 = arith.addi %while3A_63, %add3A_80 : i32
        %lt3A = arith.cmpi slt, %add3A_81, %select_n3A_34 : i32
        %and3A = arith.andi %eq3A_79, %lt3A : i1
        %convert_element_type3A_82 = arith.extui %and3A : i1 to i32
        %cond3A_83 = arith.constant 0 : i32
        %cond3A_84 = arith.cmpi ne, %convert_element_type3A_82, %cond3A_83 : i32
        scf.if %cond3A_84 {
          %add3A_99 = arith.addi %select_n3A, %while3A_63 : i32
          %add3A_100 = arith.constant 1 : i32
          %add3A_101 = arith.addi %add3A_99, %add3A_100 : i32
          %multiple_of3A = tpu.assume_multiple %add3A_101, 8 : i32
          "tpu.region"() ({
            %run_scoped3A_102 = tpu.sem_alloc : memref<!tpu.dma_semaphore, #tpu.memory_space<semaphore_mem>>
            %dma_start3A_103 = arith.constant 0 : i32
            %dma_start3A_104 = tpu.memref_slice %arg3[%multiple_of3A, %dma_start3A_103] : memref<2560x128xi32, #tpu.memory_space<hbm>> -> memref<40x128xi32, #tpu.memory_space<hbm>>
            %dma_start3A_105 = arith.constant 0 : i32
            %dma_start3A_106 = tpu.memref_slice %arg3[%multiple_of3A, %dma_start3A_105] : memref<2560x128xi32, #tpu.memory_space<hbm>> -> memref<40x128xi32, #tpu.memory_space<hbm>>
            tpu.enqueue_dma source(%dma_start3A_106 : memref<40x128xi32, #tpu.memory_space<hbm>>) target(%arg6 : memref<40x128xi32, #tpu.memory_space<vmem>>) target_semaphore(%run_scoped3A_102 : memref<!tpu.dma_semaphore, #tpu.memory_space<semaphore_mem>>)
            %dma_wait3A_107 = arith.constant 0 : i32
            %dma_wait3A_108 = tpu.memref_slice %arg3[%multiple_of3A, %dma_wait3A_107] : memref<2560x128xi32, #tpu.memory_space<hbm>> -> memref<40x128xi32, #tpu.memory_space<hbm>>
            %dma_wait3A_109 = arith.constant 0 : i32
            %dma_wait3A_110 = tpu.memref_slice %arg3[%multiple_of3A, %dma_wait3A_109] : memref<2560x128xi32, #tpu.memory_space<hbm>> -> memref<40x128xi32, #tpu.memory_space<hbm>>
            tpu.wait_dma2 semaphore(%run_scoped3A_102 : memref<!tpu.dma_semaphore, #tpu.memory_space<semaphore_mem>>) src(%dma_wait3A_110 : memref<40x128xi32, #tpu.memory_space<hbm>>) dst(%arg6 : memref<40x128xi32, #tpu.memory_space<vmem>>)
            tpu.yield
          }) : () -> ()
        } else {
        }
        %add3A_85 = arith.constant 2 : i32
        %add3A_86 = arith.addi %while3A_63, %add3A_85 : i32
        %sub3A = arith.constant 1 : i32
        %sub3A_87 = arith.subi %add3A_86, %sub3A : i32
        %lt3A_88 = arith.cmpi slt, %sub3A_87, %select_n3A_34 : i32
        %convert_element_type3A_89 = arith.extui %lt3A_88 : i1 to i32
        %cond3A_90 = arith.constant 0 : i32
        %cond3A_91 = arith.cmpi ne, %convert_element_type3A_89, %cond3A_90 : i32
        scf.if %cond3A_91 {
          %add3A_99 = arith.constant 2 : i32
          %add3A_100 = arith.addi %while3A_63, %add3A_99 : i32
          %sub3A_101 = arith.constant 1 : i32
          %sub3A_102 = arith.subi %add3A_100, %sub3A_101 : i32
          %rem3A_103 = arith.constant 2 : i32
          %rem3A_104 = arith.remsi %sub3A_102, %rem3A_103 : i32
          %add3A_105 = arith.constant 2 : i32
          %add3A_106 = arith.addi %while3A_63, %add3A_105 : i32
          %sub3A_107 = arith.constant 1 : i32
          %sub3A_108 = arith.subi %add3A_106, %sub3A_107 : i32
          %rem3A_109 = arith.constant 40 : i32
          %rem3A_110 = arith.remsi %sub3A_108, %rem3A_109 : i32
          %dma_start3A_111 = arith.constant 0 : i32
          %dma_start3A_112 = arith.constant 0 : i32
          %dma_start3A_113 = tpu.memref_slice %arg8[%rem3A_104, %dma_start3A_111, %dma_start3A_112] : memref<2x128x128xf32, #tpu.memory_space<vmem>> -> memref<1x128x128xf32, #tpu.memory_space<vmem>>
          %dma_start3A_114 = tpu.memref_squeeze %dma_start3A_113 : memref<1x128x128xf32, #tpu.memory_space<vmem>> -> memref<128x128xf32, #tpu.memory_space<vmem>>
          %dma_start3A_115 = arith.constant 0 : i32
          %dma_start3A_116 = tpu.memref_slice %arg6[%rem3A_110, %dma_start3A_115] : memref<40x128xi32, #tpu.memory_space<vmem>> -> memref<1x128xi32, #tpu.memory_space<vmem>>
          %dma_start3A_117 = tpu.memref_squeeze %dma_start3A_116 : memref<1x128xi32, #tpu.memory_space<vmem>> -> memref<128xi32, #tpu.memory_space<vmem>>
          %dma_start3A_118 = arith.constant 0 : i32
          %dma_start3A_119 = arith.constant 0 : i32
          %dma_start3A_120 = tpu.memref_slice %arg2[%dma_start3A_118, %dma_start3A_119] : memref<10000x128xf32, #tpu.memory_space<hbm>> -> memref<10000x128xf32, #tpu.memory_space<hbm>>
          %dma_start3A_121 = tpu.memref_slice %arg10[%rem3A_104] : memref<2x!tpu.dma_semaphore, #tpu.memory_space<semaphore_mem>> -> memref<1x!tpu.dma_semaphore, #tpu.memory_space<semaphore_mem>>
          %dma_start3A_122 = tpu.memref_squeeze %dma_start3A_121 : memref<1x!tpu.dma_semaphore, #tpu.memory_space<semaphore_mem>> -> memref<!tpu.dma_semaphore, #tpu.memory_space<semaphore_mem>>
          tpu.enqueue_indirect_dma source(%dma_start3A_120 : memref<10000x128xf32, #tpu.memory_space<hbm>>) target(%dma_start3A_114 : memref<128x128xf32, #tpu.memory_space<vmem>>) offsets(%dma_start3A_117 : memref<128xi32, #tpu.memory_space<vmem>>) semaphore(%dma_start3A_122 : memref<!tpu.dma_semaphore, #tpu.memory_space<semaphore_mem>>)
        } else {
        }
        %eq3A_92 = arith.constant 0 : i32
        %eq3A_93 = arith.cmpi eq, %rem3A_66, %eq3A_92 : i32
        %gt3A = arith.constant 0 : i32
        %gt3A_94 = arith.cmpi sgt, %while3A_63, %gt3A : i32
        %and3A_95 = arith.andi %eq3A_93, %gt3A_94 : i1
        %convert_element_type3A_96 = arith.extui %and3A_95 : i1 to i32
        %cond3A_97 = arith.constant 0 : i32
        %cond3A_98 = arith.cmpi ne, %convert_element_type3A_96, %cond3A_97 : i32
        scf.if %cond3A_98 {
          %add3A_99 = arith.addi %select_n3A, %while3A_63 : i32
          %multiple_of3A = tpu.assume_multiple %add3A_99, 8 : i32
          "tpu.region"() ({
            %run_scoped3A_100 = tpu.sem_alloc : memref<!tpu.dma_semaphore, #tpu.memory_space<semaphore_mem>>
            %dma_start3A_101 = arith.constant 0 : i32
            %dma_start3A_102 = tpu.memref_slice %arg4[%multiple_of3A, %dma_start3A_101] : memref<2560x128xi32, #tpu.memory_space<hbm>> -> memref<40x128xi32, #tpu.memory_space<hbm>>
            %dma_start3A_103 = arith.constant 0 : i32
            %dma_start3A_104 = tpu.memref_slice %arg4[%multiple_of3A, %dma_start3A_103] : memref<2560x128xi32, #tpu.memory_space<hbm>> -> memref<40x128xi32, #tpu.memory_space<hbm>>
            tpu.enqueue_dma source(%dma_start3A_104 : memref<40x128xi32, #tpu.memory_space<hbm>>) target(%arg7 : memref<40x128xi32, #tpu.memory_space<vmem>>) target_semaphore(%run_scoped3A_100 : memref<!tpu.dma_semaphore, #tpu.memory_space<semaphore_mem>>)
            %dma_wait3A_105 = arith.constant 0 : i32
            %dma_wait3A_106 = tpu.memref_slice %arg4[%multiple_of3A, %dma_wait3A_105] : memref<2560x128xi32, #tpu.memory_space<hbm>> -> memref<40x128xi32, #tpu.memory_space<hbm>>
            %dma_wait3A_107 = arith.constant 0 : i32
            %dma_wait3A_108 = tpu.memref_slice %arg4[%multiple_of3A, %dma_wait3A_107] : memref<2560x128xi32, #tpu.memory_space<hbm>> -> memref<40x128xi32, #tpu.memory_space<hbm>>
            tpu.wait_dma2 semaphore(%run_scoped3A_100 : memref<!tpu.dma_semaphore, #tpu.memory_space<semaphore_mem>>) src(%dma_wait3A_108 : memref<40x128xi32, #tpu.memory_space<hbm>>) dst(%arg7 : memref<40x128xi32, #tpu.memory_space<vmem>>)
            tpu.yield
          }) : () -> ()
        } else {
        }
        "tpu.region"() ({
          %run_scoped3A_99 = tpu.sem_alloc : memref<!tpu.dma_semaphore, #tpu.memory_space<semaphore_mem>>
          %dma_start3A_100 = arith.constant 0 : i32
          %dma_start3A_101 = arith.constant 0 : i32
          %dma_start3A_102 = tpu.memref_slice %arg8[%rem3A_64, %dma_start3A_100, %dma_start3A_101] : memref<2x128x128xf32, #tpu.memory_space<vmem>> -> memref<1x128x128xf32, #tpu.memory_space<vmem>>
          %dma_start3A_103 = tpu.memref_squeeze %dma_start3A_102 : memref<1x128x128xf32, #tpu.memory_space<vmem>> -> memref<128x128xf32, #tpu.memory_space<vmem>>
          %dma_start3A_104 = arith.constant 0 : i32
          %dma_start3A_105 = tpu.memref_slice %arg7[%rem3A_66, %dma_start3A_104] : memref<40x128xi32, #tpu.memory_space<vmem>> -> memref<1x128xi32, #tpu.memory_space<vmem>>
          %dma_start3A_106 = tpu.memref_squeeze %dma_start3A_105 : memref<1x128xi32, #tpu.memory_space<vmem>> -> memref<128xi32, #tpu.memory_space<vmem>>
          %dma_start3A_107 = arith.constant 0 : i32
          %dma_start3A_108 = arith.constant 0 : i32
          %dma_start3A_109 = tpu.memref_slice %arg9[%dma_start3A_107, %dma_start3A_108] : memref<10112x128xf32, #tpu.memory_space<vmem_shared>> -> memref<10112x128xf32, #tpu.memory_space<vmem_shared>>
          tpu.enqueue_indirect_dma source(%dma_start3A_103 : memref<128x128xf32, #tpu.memory_space<vmem>>) target(%dma_start3A_109 : memref<10112x128xf32, #tpu.memory_space<vmem_shared>>) offsets(%dma_start3A_106 : memref<128xi32, #tpu.memory_space<vmem>>) semaphore(%run_scoped3A_99 : memref<!tpu.dma_semaphore, #tpu.memory_space<semaphore_mem>>) {add = true}
          %dma_wait3A_110 = arith.constant 0 : i32
          %dma_wait3A_111 = arith.constant 0 : i32
          %dma_wait3A_112 = tpu.memref_slice %arg8[%rem3A_64, %dma_wait3A_110, %dma_wait3A_111] : memref<2x128x128xf32, #tpu.memory_space<vmem>> -> memref<1x128x128xf32, #tpu.memory_space<vmem>>
          %dma_wait3A_113 = tpu.memref_squeeze %dma_wait3A_112 : memref<1x128x128xf32, #tpu.memory_space<vmem>> -> memref<128x128xf32, #tpu.memory_space<vmem>>
          %dma_wait3A_114 = arith.constant 0 : i32
          %dma_wait3A_115 = tpu.memref_slice %arg7[%rem3A_66, %dma_wait3A_114] : memref<40x128xi32, #tpu.memory_space<vmem>> -> memref<1x128xi32, #tpu.memory_space<vmem>>
          %dma_wait3A_116 = tpu.memref_squeeze %dma_wait3A_115 : memref<1x128xi32, #tpu.memory_space<vmem>> -> memref<128xi32, #tpu.memory_space<vmem>>
          %dma_wait3A_117 = arith.constant 0 : i32
          %dma_wait3A_118 = arith.constant 0 : i32
          %dma_wait3A_119 = tpu.memref_slice %arg9[%dma_wait3A_117, %dma_wait3A_118] : memref<10112x128xf32, #tpu.memory_space<vmem_shared>> -> memref<10112x128xf32, #tpu.memory_space<vmem_shared>>
          tpu.wait_indirect_dma semaphore(%run_scoped3A_99 : memref<!tpu.dma_semaphore, #tpu.memory_space<semaphore_mem>>) src(%dma_wait3A_113 : memref<128x128xf32, #tpu.memory_space<vmem>>) dst(%dma_wait3A_119 : memref<10112x128xf32, #tpu.memory_space<vmem_shared>>)
          tpu.yield
        }) : () -> ()
      }
      %barrier3A_58 = arith.constant 0 : index
      tpu.barrier barrier_id(%barrier3A_58)
      %mul3A_59 = arith.constant 632 : i32
      %mul3A_60 = arith.muli %arg1, %mul3A_59 : i32
      %mul3A_61 = arith.constant 632 : i32
      %mul3A_62 = arith.muli %arg1, %mul3A_61 : i32
      "tpu.region"() ({
        %run_scoped3A_63 = tpu.sem_alloc : memref<!tpu.dma_semaphore, #tpu.memory_space<semaphore_mem>>
        %dma_start3A_64 = arith.constant 0 : i32
        %dma_start3A_65 = tpu.memref_slice %arg5[%arg0, %mul3A_62, %dma_start3A_64] : memref<2x10112x128xf32, #tpu.memory_space<hbm>> -> memref<1x632x128xf32, #tpu.memory_space<hbm>>
        %dma_start3A_66 = tpu.memref_squeeze %dma_start3A_65 : memref<1x632x128xf32, #tpu.memory_space<hbm>> -> memref<632x128xf32, #tpu.memory_space<hbm>>
        %dma_start3A_67 = arith.constant 0 : i32
        %dma_start3A_68 = tpu.memref_slice %arg9[%mul3A_60, %dma_start3A_67] : memref<10112x128xf32, #tpu.memory_space<vmem_shared>> -> memref<632x128xf32, #tpu.memory_space<vmem_shared>>
        tpu.enqueue_dma source(%dma_start3A_68 : memref<632x128xf32, #tpu.memory_space<vmem_shared>>) target(%dma_start3A_66 : memref<632x128xf32, #tpu.memory_space<hbm>>) target_semaphore(%run_scoped3A_63 : memref<!tpu.dma_semaphore, #tpu.memory_space<semaphore_mem>>)
        %dma_wait3A = arith.constant 0 : i32
        %dma_wait3A_69 = tpu.memref_slice %arg5[%arg0, %mul3A_62, %dma_wait3A] : memref<2x10112x128xf32, #tpu.memory_space<hbm>> -> memref<1x632x128xf32, #tpu.memory_space<hbm>>
        %dma_wait3A_70 = tpu.memref_squeeze %dma_wait3A_69 : memref<1x632x128xf32, #tpu.memory_space<hbm>> -> memref<632x128xf32, #tpu.memory_space<hbm>>
        %dma_wait3A_71 = arith.constant 0 : i32
        %dma_wait3A_72 = tpu.memref_slice %arg9[%mul3A_60, %dma_wait3A_71] : memref<10112x128xf32, #tpu.memory_space<vmem_shared>> -> memref<632x128xf32, #tpu.memory_space<vmem_shared>>
        tpu.wait_dma2 semaphore(%run_scoped3A_63 : memref<!tpu.dma_semaphore, #tpu.memory_space<semaphore_mem>>) src(%dma_wait3A_72 : memref<632x128xf32, #tpu.memory_space<vmem_shared>>) dst(%dma_wait3A_70 : memref<632x128xf32, #tpu.memory_space<hbm>>)
        tpu.yield
      }) : () -> ()
    } else {
    }
    return
  }
}

#map = affine_map<(d0, d1) -> (0, 0)>
#map1 = affine_map<(d0, d1) -> (0, 0, 0)>
module attributes {stable_mosaic.version = 14 : i64} {
  func.func @_sc_edge_aggregate(%arg0: i32, %arg1: i32, %arg2: memref<10000x128xf32, #tpu.memory_space<hbm>>, %arg3: memref<2560x128xi32, #tpu.memory_space<hbm>>, %arg4: memref<2560x128xi32, #tpu.memory_space<hbm>>, %arg5: memref<2x10112x128xf32, #tpu.memory_space<hbm>>, %arg6: memref<40x128xi32, #tpu.memory_space<vmem>>, %arg7: memref<40x128xi32, #tpu.memory_space<vmem>>, %arg8: memref<2x128x128xf32, #tpu.memory_space<vmem>>, %arg9: memref<10112x128xf32, #tpu.memory_space<vmem_shared>>, %arg10: memref<2x!tpu.dma_semaphore, #tpu.memory_space<semaphore_mem>>) attributes {dimension_semantics = [#tpu.dimension_semantics<core_parallel>, #tpu.dimension_semantics<subcore_parallel>], iteration_bounds = array<i64: 2, 16>, scalar_prefetch = 0 : i64, scratch_operands = 5 : i64, tpu.core_type = #tpu.core_type<sc_vector_subcore>, window_params = [{transform_indices = #map}, {transform_indices = #map}, {transform_indices = #map}, {transform_indices = #map1}]} {
    %eq3A = arith.constant 0 : i32
    %eq3A_0 = arith.cmpi eq, %arg0, %eq3A : i32
    %convert_element_type3A = arith.extui %eq3A_0 : i1 to i32
    %cond3A = arith.constant 0 : i32
    %cond3A_1 = arith.cmpi ne, %convert_element_type3A, %cond3A : i32
    scf.if %cond3A_1 {
      %broadcast_in_dim3A = arith.constant 0.000000e+00 : f32
      %broadcast_in_dim3A_2 = vector.broadcast %broadcast_in_dim3A : f32 to vector<16xf32>
      %scan3A = arith.constant 0 : i32
      %scan3A_3 = arith.constant 0 : i32
      %scan3A_4 = arith.constant 128 : i32
      %scan3A_5 = arith.addi %scan3A_3, %scan3A_4 : i32
      %scan3A_6 = arith.constant 1 : i32
      scf.for %scan3A_63 = %scan3A_3 to %scan3A_5 step %scan3A_6  : i32 {
        %swap3A = arith.constant 0 : i32
        %swap3A_64 = arith.index_cast %swap3A : i32 to index
        %swap3A_65 = arith.index_cast %scan3A_63 : i32 to index
        %swap3A_66 = arith.constant 0 : index
        %swap3A_67 = tpu.vector_load %arg8[%swap3A_64, %swap3A_65, %swap3A_66] {strides = array<i32>} : memref<2x128x128xf32, #tpu.memory_space<vmem>>, vector<1x1x16xf32>,
        %swap3A_68 = vector.shape_cast %swap3A_67 : vector<1x1x16xf32> to vector<16xf32>
        %swap3A_69 = vector.shape_cast %broadcast_in_dim3A_2 : vector<16xf32> to vector<1x1x16xf32>
        tpu.vector_store %arg8[%swap3A_64, %swap3A_65, %swap3A_66], %swap3A_69 {strides = array<i32>} : memref<2x128x128xf32, #tpu.memory_space<vmem>>, vector<1x1x16xf32>,
        %swap3A_70 = arith.constant 0 : i32
        %swap3A_71 = arith.index_cast %swap3A_70 : i32 to index
        %swap3A_72 = arith.index_cast %scan3A_63 : i32 to index
        %swap3A_73 = arith.constant 16 : index
        %swap3A_74 = tpu.vector_load %arg8[%swap3A_71, %swap3A_72, %swap3A_73] {strides = array<i32>} : memref<2x128x128xf32, #tpu.memory_space<vmem>>, vector<1x1x16xf32>,
        %swap3A_75 = vector.shape_cast %swap3A_74 : vector<1x1x16xf32> to vector<16xf32>
        %swap3A_76 = vector.shape_cast %broadcast_in_dim3A_2 : vector<16xf32> to vector<1x1x16xf32>
        tpu.vector_store %arg8[%swap3A_71, %swap3A_72, %swap3A_73], %swap3A_76 {strides = array<i32>} : memref<2x128x128xf32, #tpu.memory_space<vmem>>, vector<1x1x16xf32>,
        %swap3A_77 = arith.constant 0 : i32
        %swap3A_78 = arith.index_cast %swap3A_77 : i32 to index
        %swap3A_79 = arith.index_cast %scan3A_63 : i32 to index
        %swap3A_80 = arith.constant 32 : index
        %swap3A_81 = tpu.vector_load %arg8[%swap3A_78, %swap3A_79, %swap3A_80] {strides = array<i32>} : memref<2x128x128xf32, #tpu.memory_space<vmem>>, vector<1x1x16xf32>,
        %swap3A_82 = vector.shape_cast %swap3A_81 : vector<1x1x16xf32> to vector<16xf32>
        %swap3A_83 = vector.shape_cast %broadcast_in_dim3A_2 : vector<16xf32> to vector<1x1x16xf32>
        tpu.vector_store %arg8[%swap3A_78, %swap3A_79, %swap3A_80], %swap3A_83 {strides = array<i32>} : memref<2x128x128xf32, #tpu.memory_space<vmem>>, vector<1x1x16xf32>,
        %swap3A_84 = arith.constant 0 : i32
        %swap3A_85 = arith.index_cast %swap3A_84 : i32 to index
        %swap3A_86 = arith.index_cast %scan3A_63 : i32 to index
        %swap3A_87 = arith.constant 48 : index
        %swap3A_88 = tpu.vector_load %arg8[%swap3A_85, %swap3A_86, %swap3A_87] {strides = array<i32>} : memref<2x128x128xf32, #tpu.memory_space<vmem>>, vector<1x1x16xf32>,
        %swap3A_89 = vector.shape_cast %swap3A_88 : vector<1x1x16xf32> to vector<16xf32>
        %swap3A_90 = vector.shape_cast %broadcast_in_dim3A_2 : vector<16xf32> to vector<1x1x16xf32>
        tpu.vector_store %arg8[%swap3A_85, %swap3A_86, %swap3A_87], %swap3A_90 {strides = array<i32>} : memref<2x128x128xf32, #tpu.memory_space<vmem>>, vector<1x1x16xf32>,
        %swap3A_91 = arith.constant 0 : i32
        %swap3A_92 = arith.index_cast %swap3A_91 : i32 to index
        %swap3A_93 = arith.index_cast %scan3A_63 : i32 to index
        %swap3A_94 = arith.constant 64 : index
        %swap3A_95 = tpu.vector_load %arg8[%swap3A_92, %swap3A_93, %swap3A_94] {strides = array<i32>} : memref<2x128x128xf32, #tpu.memory_space<vmem>>, vector<1x1x16xf32>,
        %swap3A_96 = vector.shape_cast %swap3A_95 : vector<1x1x16xf32> to vector<16xf32>
        %swap3A_97 = vector.shape_cast %broadcast_in_dim3A_2 : vector<16xf32> to vector<1x1x16xf32>
        tpu.vector_store %arg8[%swap3A_92, %swap3A_93, %swap3A_94], %swap3A_97 {strides = array<i32>} : memref<2x128x128xf32, #tpu.memory_space<vmem>>, vector<1x1x16xf32>,
        %swap3A_98 = arith.constant 0 : i32
        %swap3A_99 = arith.index_cast %swap3A_98 : i32 to index
        %swap3A_100 = arith.index_cast %scan3A_63 : i32 to index
        %swap3A_101 = arith.constant 80 : index
        %swap3A_102 = tpu.vector_load %arg8[%swap3A_99, %swap3A_100, %swap3A_101] {strides = array<i32>} : memref<2x128x128xf32, #tpu.memory_space<vmem>>, vector<1x1x16xf32>,
        %swap3A_103 = vector.shape_cast %swap3A_102 : vector<1x1x16xf32> to vector<16xf32>
        %swap3A_104 = vector.shape_cast %broadcast_in_dim3A_2 : vector<16xf32> to vector<1x1x16xf32>
        tpu.vector_store %arg8[%swap3A_99, %swap3A_100, %swap3A_101], %swap3A_104 {strides = array<i32>} : memref<2x128x128xf32, #tpu.memory_space<vmem>>, vector<1x1x16xf32>,
        %swap3A_105 = arith.constant 0 : i32
        %swap3A_106 = arith.index_cast %swap3A_105 : i32 to index
        %swap3A_107 = arith.index_cast %scan3A_63 : i32 to index
        %swap3A_108 = arith.constant 96 : index
        %swap3A_109 = tpu.vector_load %arg8[%swap3A_106, %swap3A_107, %swap3A_108] {strides = array<i32>} : memref<2x128x128xf32, #tpu.memory_space<vmem>>, vector<1x1x16xf32>,
        %swap3A_110 = vector.shape_cast %swap3A_109 : vector<1x1x16xf32> to vector<16xf32>
        %swap3A_111 = vector.shape_cast %broadcast_in_dim3A_2 : vector<16xf32> to vector<1x1x16xf32>
        tpu.vector_store %arg8[%swap3A_106, %swap3A_107, %swap3A_108], %swap3A_111 {strides = array<i32>} : memref<2x128x128xf32, #tpu.memory_space<vmem>>, vector<1x1x16xf32>,
        %swap3A_112 = arith.constant 0 : i32
        %swap3A_113 = arith.index_cast %swap3A_112 : i32 to index
        %swap3A_114 = arith.index_cast %scan3A_63 : i32 to index
        %swap3A_115 = arith.constant 112 : index
        %swap3A_116 = tpu.vector_load %arg8[%swap3A_113, %swap3A_114, %swap3A_115] {strides = array<i32>} : memref<2x128x128xf32, #tpu.memory_space<vmem>>, vector<1x1x16xf32>,
        %swap3A_117 = vector.shape_cast %swap3A_116 : vector<1x1x16xf32> to vector<16xf32>
        %swap3A_118 = vector.shape_cast %broadcast_in_dim3A_2 : vector<16xf32> to vector<1x1x16xf32>
        tpu.vector_store %arg8[%swap3A_113, %swap3A_114, %swap3A_115], %swap3A_118 {strides = array<i32>} : memref<2x128x128xf32, #tpu.memory_space<vmem>>, vector<1x1x16xf32>,
      }
      %scan3A_7 = arith.constant 128 : i32
      %mul3A = arith.constant 632 : i32
      %mul3A_8 = arith.muli %arg1, %mul3A : i32
      %add3A = arith.constant 0 : i32
      %add3A_9 = arith.addi %mul3A_8, %add3A : i32
      %run_scoped3A = arith.constant 0 : i32
      "tpu.region"() ({
        %run_scoped3A_63 = tpu.sem_alloc : memref<!tpu.dma_semaphore, #tpu.memory_space<semaphore_mem>>
        %dma_start3A_64 = arith.constant 0 : i32
        %dma_start3A_65 = arith.constant 0 : i32
        %dma_start3A_66 = tpu.memref_slice %arg8[%run_scoped3A, %dma_start3A_64, %dma_start3A_65] : memref<2x128x128xf32, #tpu.memory_space<vmem>> -> memref<1x128x128xf32, #tpu.memory_space<vmem>>
        %dma_start3A_67 = tpu.memref_squeeze %dma_start3A_66 : memref<1x128x128xf32, #tpu.memory_space<vmem>> -> memref<128x128xf32, #tpu.memory_space<vmem>>
        %dma_start3A_68 = arith.constant 0 : i32
        %dma_start3A_69 = tpu.memref_slice %arg9[%add3A_9, %dma_start3A_68] : memref<10112x128xf32, #tpu.memory_space<vmem_shared>> -> memref<128x128xf32, #tpu.memory_space<vmem_shared>>
        %dma_start3A_70 = arith.constant 0 : i32
        %dma_start3A_71 = tpu.memref_slice %arg9[%add3A_9, %dma_start3A_70] : memref<10112x128xf32, #tpu.memory_space<vmem_shared>> -> memref<128x128xf32, #tpu.memory_space<vmem_shared>>
        %dma_start3A_72 = arith.constant 0 : i32
        %dma_start3A_73 = arith.constant 0 : i32
        %dma_start3A_74 = tpu.memref_slice %arg8[%run_scoped3A, %dma_start3A_72, %dma_start3A_73] : memref<2x128x128xf32, #tpu.memory_space<vmem>> -> memref<1x128x128xf32, #tpu.memory_space<vmem>>
        %dma_start3A_75 = tpu.memref_squeeze %dma_start3A_74 : memref<1x128x128xf32, #tpu.memory_space<vmem>> -> memref<128x128xf32, #tpu.memory_space<vmem>>
        tpu.enqueue_dma source(%dma_start3A_75 : memref<128x128xf32, #tpu.memory_space<vmem>>) target(%dma_start3A_71 : memref<128x128xf32, #tpu.memory_space<vmem_shared>>) target_semaphore(%run_scoped3A_63 : memref<!tpu.dma_semaphore, #tpu.memory_space<semaphore_mem>>)
        %dma_wait3A = arith.constant 0 : i32
        %dma_wait3A_76 = arith.constant 0 : i32
        %dma_wait3A_77 = tpu.memref_slice %arg8[%run_scoped3A, %dma_wait3A, %dma_wait3A_76] : memref<2x128x128xf32, #tpu.memory_space<vmem>> -> memref<1x128x128xf32, #tpu.memory_space<vmem>>
        %dma_wait3A_78 = tpu.memref_squeeze %dma_wait3A_77 : memref<1x128x128xf32, #tpu.memory_space<vmem>> -> memref<128x128xf32, #tpu.memory_space<vmem>>
        %dma_wait3A_79 = arith.constant 0 : i32
        %dma_wait3A_80 = tpu.memref_slice %arg9[%add3A_9, %dma_wait3A_79] : memref<10112x128xf32, #tpu.memory_space<vmem_shared>> -> memref<128x128xf32, #tpu.memory_space<vmem_shared>>
        %dma_wait3A_81 = arith.constant 0 : i32
        %dma_wait3A_82 = tpu.memref_slice %arg9[%add3A_9, %dma_wait3A_81] : memref<10112x128xf32, #tpu.memory_space<vmem_shared>> -> memref<128x128xf32, #tpu.memory_space<vmem_shared>>
        %dma_wait3A_83 = arith.constant 0 : i32
        %dma_wait3A_84 = arith.constant 0 : i32
        %dma_wait3A_85 = tpu.memref_slice %arg8[%run_scoped3A, %dma_wait3A_83, %dma_wait3A_84] : memref<2x128x128xf32, #tpu.memory_space<vmem>> -> memref<1x128x128xf32, #tpu.memory_space<vmem>>
        %dma_wait3A_86 = tpu.memref_squeeze %dma_wait3A_85 : memref<1x128x128xf32, #tpu.memory_space<vmem>> -> memref<128x128xf32, #tpu.memory_space<vmem>>
        tpu.wait_dma2 semaphore(%run_scoped3A_63 : memref<!tpu.dma_semaphore, #tpu.memory_space<semaphore_mem>>) src(%dma_wait3A_86 : memref<128x128xf32, #tpu.memory_space<vmem>>) dst(%dma_wait3A_82 : memref<128x128xf32, #tpu.memory_space<vmem_shared>>)
        tpu.yield
      }) : () -> ()
      %add3A_10 = arith.constant 128 : i32
      %add3A_11 = arith.addi %mul3A_8, %add3A_10 : i32
      %run_scoped3A_12 = arith.constant 0 : i32
      "tpu.region"() ({
        %run_scoped3A_63 = tpu.sem_alloc : memref<!tpu.dma_semaphore, #tpu.memory_space<semaphore_mem>>
        %dma_start3A_64 = arith.constant 0 : i32
        %dma_start3A_65 = arith.constant 0 : i32
        %dma_start3A_66 = tpu.memref_slice %arg8[%run_scoped3A_12, %dma_start3A_64, %dma_start3A_65] : memref<2x128x128xf32, #tpu.memory_space<vmem>> -> memref<1x128x128xf32, #tpu.memory_space<vmem>>
        %dma_start3A_67 = tpu.memref_squeeze %dma_start3A_66 : memref<1x128x128xf32, #tpu.memory_space<vmem>> -> memref<128x128xf32, #tpu.memory_space<vmem>>
        %dma_start3A_68 = arith.constant 0 : i32
        %dma_start3A_69 = tpu.memref_slice %arg9[%add3A_11, %dma_start3A_68] : memref<10112x128xf32, #tpu.memory_space<vmem_shared>> -> memref<128x128xf32, #tpu.memory_space<vmem_shared>>
        %dma_start3A_70 = arith.constant 0 : i32
        %dma_start3A_71 = tpu.memref_slice %arg9[%add3A_11, %dma_start3A_70] : memref<10112x128xf32, #tpu.memory_space<vmem_shared>> -> memref<128x128xf32, #tpu.memory_space<vmem_shared>>
        %dma_start3A_72 = arith.constant 0 : i32
        %dma_start3A_73 = arith.constant 0 : i32
        %dma_start3A_74 = tpu.memref_slice %arg8[%run_scoped3A_12, %dma_start3A_72, %dma_start3A_73] : memref<2x128x128xf32, #tpu.memory_space<vmem>> -> memref<1x128x128xf32, #tpu.memory_space<vmem>>
        %dma_start3A_75 = tpu.memref_squeeze %dma_start3A_74 : memref<1x128x128xf32, #tpu.memory_space<vmem>> -> memref<128x128xf32, #tpu.memory_space<vmem>>
        tpu.enqueue_dma source(%dma_start3A_75 : memref<128x128xf32, #tpu.memory_space<vmem>>) target(%dma_start3A_71 : memref<128x128xf32, #tpu.memory_space<vmem_shared>>) target_semaphore(%run_scoped3A_63 : memref<!tpu.dma_semaphore, #tpu.memory_space<semaphore_mem>>)
        %dma_wait3A = arith.constant 0 : i32
        %dma_wait3A_76 = arith.constant 0 : i32
        %dma_wait3A_77 = tpu.memref_slice %arg8[%run_scoped3A_12, %dma_wait3A, %dma_wait3A_76] : memref<2x128x128xf32, #tpu.memory_space<vmem>> -> memref<1x128x128xf32, #tpu.memory_space<vmem>>
        %dma_wait3A_78 = tpu.memref_squeeze %dma_wait3A_77 : memref<1x128x128xf32, #tpu.memory_space<vmem>> -> memref<128x128xf32, #tpu.memory_space<vmem>>
        %dma_wait3A_79 = arith.constant 0 : i32
        %dma_wait3A_80 = tpu.memref_slice %arg9[%add3A_11, %dma_wait3A_79] : memref<10112x128xf32, #tpu.memory_space<vmem_shared>> -> memref<128x128xf32, #tpu.memory_space<vmem_shared>>
        %dma_wait3A_81 = arith.constant 0 : i32
        %dma_wait3A_82 = tpu.memref_slice %arg9[%add3A_11, %dma_wait3A_81] : memref<10112x128xf32, #tpu.memory_space<vmem_shared>> -> memref<128x128xf32, #tpu.memory_space<vmem_shared>>
        %dma_wait3A_83 = arith.constant 0 : i32
        %dma_wait3A_84 = arith.constant 0 : i32
        %dma_wait3A_85 = tpu.memref_slice %arg8[%run_scoped3A_12, %dma_wait3A_83, %dma_wait3A_84] : memref<2x128x128xf32, #tpu.memory_space<vmem>> -> memref<1x128x128xf32, #tpu.memory_space<vmem>>
        %dma_wait3A_86 = tpu.memref_squeeze %dma_wait3A_85 : memref<1x128x128xf32, #tpu.memory_space<vmem>> -> memref<128x128xf32, #tpu.memory_space<vmem>>
        tpu.wait_dma2 semaphore(%run_scoped3A_63 : memref<!tpu.dma_semaphore, #tpu.memory_space<semaphore_mem>>) src(%dma_wait3A_86 : memref<128x128xf32, #tpu.memory_space<vmem>>) dst(%dma_wait3A_82 : memref<128x128xf32, #tpu.memory_space<vmem_shared>>)
        tpu.yield
      }) : () -> ()
      %add3A_13 = arith.constant 256 : i32
      %add3A_14 = arith.addi %mul3A_8, %add3A_13 : i32
      %run_scoped3A_15 = arith.constant 0 : i32
      "tpu.region"() ({
        %run_scoped3A_63 = tpu.sem_alloc : memref<!tpu.dma_semaphore, #tpu.memory_space<semaphore_mem>>
        %dma_start3A_64 = arith.constant 0 : i32
        %dma_start3A_65 = arith.constant 0 : i32
        %dma_start3A_66 = tpu.memref_slice %arg8[%run_scoped3A_15, %dma_start3A_64, %dma_start3A_65] : memref<2x128x128xf32, #tpu.memory_space<vmem>> -> memref<1x128x128xf32, #tpu.memory_space<vmem>>
        %dma_start3A_67 = tpu.memref_squeeze %dma_start3A_66 : memref<1x128x128xf32, #tpu.memory_space<vmem>> -> memref<128x128xf32, #tpu.memory_space<vmem>>
        %dma_start3A_68 = arith.constant 0 : i32
        %dma_start3A_69 = tpu.memref_slice %arg9[%add3A_14, %dma_start3A_68] : memref<10112x128xf32, #tpu.memory_space<vmem_shared>> -> memref<128x128xf32, #tpu.memory_space<vmem_shared>>
        %dma_start3A_70 = arith.constant 0 : i32
        %dma_start3A_71 = tpu.memref_slice %arg9[%add3A_14, %dma_start3A_70] : memref<10112x128xf32, #tpu.memory_space<vmem_shared>> -> memref<128x128xf32, #tpu.memory_space<vmem_shared>>
        %dma_start3A_72 = arith.constant 0 : i32
        %dma_start3A_73 = arith.constant 0 : i32
        %dma_start3A_74 = tpu.memref_slice %arg8[%run_scoped3A_15, %dma_start3A_72, %dma_start3A_73] : memref<2x128x128xf32, #tpu.memory_space<vmem>> -> memref<1x128x128xf32, #tpu.memory_space<vmem>>
        %dma_start3A_75 = tpu.memref_squeeze %dma_start3A_74 : memref<1x128x128xf32, #tpu.memory_space<vmem>> -> memref<128x128xf32, #tpu.memory_space<vmem>>
        tpu.enqueue_dma source(%dma_start3A_75 : memref<128x128xf32, #tpu.memory_space<vmem>>) target(%dma_start3A_71 : memref<128x128xf32, #tpu.memory_space<vmem_shared>>) target_semaphore(%run_scoped3A_63 : memref<!tpu.dma_semaphore, #tpu.memory_space<semaphore_mem>>)
        %dma_wait3A = arith.constant 0 : i32
        %dma_wait3A_76 = arith.constant 0 : i32
        %dma_wait3A_77 = tpu.memref_slice %arg8[%run_scoped3A_15, %dma_wait3A, %dma_wait3A_76] : memref<2x128x128xf32, #tpu.memory_space<vmem>> -> memref<1x128x128xf32, #tpu.memory_space<vmem>>
        %dma_wait3A_78 = tpu.memref_squeeze %dma_wait3A_77 : memref<1x128x128xf32, #tpu.memory_space<vmem>> -> memref<128x128xf32, #tpu.memory_space<vmem>>
        %dma_wait3A_79 = arith.constant 0 : i32
        %dma_wait3A_80 = tpu.memref_slice %arg9[%add3A_14, %dma_wait3A_79] : memref<10112x128xf32, #tpu.memory_space<vmem_shared>> -> memref<128x128xf32, #tpu.memory_space<vmem_shared>>
        %dma_wait3A_81 = arith.constant 0 : i32
        %dma_wait3A_82 = tpu.memref_slice %arg9[%add3A_14, %dma_wait3A_81] : memref<10112x128xf32, #tpu.memory_space<vmem_shared>> -> memref<128x128xf32, #tpu.memory_space<vmem_shared>>
        %dma_wait3A_83 = arith.constant 0 : i32
        %dma_wait3A_84 = arith.constant 0 : i32
        %dma_wait3A_85 = tpu.memref_slice %arg8[%run_scoped3A_15, %dma_wait3A_83, %dma_wait3A_84] : memref<2x128x128xf32, #tpu.memory_space<vmem>> -> memref<1x128x128xf32, #tpu.memory_space<vmem>>
        %dma_wait3A_86 = tpu.memref_squeeze %dma_wait3A_85 : memref<1x128x128xf32, #tpu.memory_space<vmem>> -> memref<128x128xf32, #tpu.memory_space<vmem>>
        tpu.wait_dma2 semaphore(%run_scoped3A_63 : memref<!tpu.dma_semaphore, #tpu.memory_space<semaphore_mem>>) src(%dma_wait3A_86 : memref<128x128xf32, #tpu.memory_space<vmem>>) dst(%dma_wait3A_82 : memref<128x128xf32, #tpu.memory_space<vmem_shared>>)
        tpu.yield
      }) : () -> ()
      %add3A_16 = arith.constant 384 : i32
      %add3A_17 = arith.addi %mul3A_8, %add3A_16 : i32
      %run_scoped3A_18 = arith.constant 0 : i32
      "tpu.region"() ({
        %run_scoped3A_63 = tpu.sem_alloc : memref<!tpu.dma_semaphore, #tpu.memory_space<semaphore_mem>>
        %dma_start3A_64 = arith.constant 0 : i32
        %dma_start3A_65 = arith.constant 0 : i32
        %dma_start3A_66 = tpu.memref_slice %arg8[%run_scoped3A_18, %dma_start3A_64, %dma_start3A_65] : memref<2x128x128xf32, #tpu.memory_space<vmem>> -> memref<1x128x128xf32, #tpu.memory_space<vmem>>
        %dma_start3A_67 = tpu.memref_squeeze %dma_start3A_66 : memref<1x128x128xf32, #tpu.memory_space<vmem>> -> memref<128x128xf32, #tpu.memory_space<vmem>>
        %dma_start3A_68 = arith.constant 0 : i32
        %dma_start3A_69 = tpu.memref_slice %arg9[%add3A_17, %dma_start3A_68] : memref<10112x128xf32, #tpu.memory_space<vmem_shared>> -> memref<128x128xf32, #tpu.memory_space<vmem_shared>>
        %dma_start3A_70 = arith.constant 0 : i32
        %dma_start3A_71 = tpu.memref_slice %arg9[%add3A_17, %dma_start3A_70] : memref<10112x128xf32, #tpu.memory_space<vmem_shared>> -> memref<128x128xf32, #tpu.memory_space<vmem_shared>>
        %dma_start3A_72 = arith.constant 0 : i32
        %dma_start3A_73 = arith.constant 0 : i32
        %dma_start3A_74 = tpu.memref_slice %arg8[%run_scoped3A_18, %dma_start3A_72, %dma_start3A_73] : memref<2x128x128xf32, #tpu.memory_space<vmem>> -> memref<1x128x128xf32, #tpu.memory_space<vmem>>
        %dma_start3A_75 = tpu.memref_squeeze %dma_start3A_74 : memref<1x128x128xf32, #tpu.memory_space<vmem>> -> memref<128x128xf32, #tpu.memory_space<vmem>>
        tpu.enqueue_dma source(%dma_start3A_75 : memref<128x128xf32, #tpu.memory_space<vmem>>) target(%dma_start3A_71 : memref<128x128xf32, #tpu.memory_space<vmem_shared>>) target_semaphore(%run_scoped3A_63 : memref<!tpu.dma_semaphore, #tpu.memory_space<semaphore_mem>>)
        %dma_wait3A = arith.constant 0 : i32
        %dma_wait3A_76 = arith.constant 0 : i32
        %dma_wait3A_77 = tpu.memref_slice %arg8[%run_scoped3A_18, %dma_wait3A, %dma_wait3A_76] : memref<2x128x128xf32, #tpu.memory_space<vmem>> -> memref<1x128x128xf32, #tpu.memory_space<vmem>>
        %dma_wait3A_78 = tpu.memref_squeeze %dma_wait3A_77 : memref<1x128x128xf32, #tpu.memory_space<vmem>> -> memref<128x128xf32, #tpu.memory_space<vmem>>
        %dma_wait3A_79 = arith.constant 0 : i32
        %dma_wait3A_80 = tpu.memref_slice %arg9[%add3A_17, %dma_wait3A_79] : memref<10112x128xf32, #tpu.memory_space<vmem_shared>> -> memref<128x128xf32, #tpu.memory_space<vmem_shared>>
        %dma_wait3A_81 = arith.constant 0 : i32
        %dma_wait3A_82 = tpu.memref_slice %arg9[%add3A_17, %dma_wait3A_81] : memref<10112x128xf32, #tpu.memory_space<vmem_shared>> -> memref<128x128xf32, #tpu.memory_space<vmem_shared>>
        %dma_wait3A_83 = arith.constant 0 : i32
        %dma_wait3A_84 = arith.constant 0 : i32
        %dma_wait3A_85 = tpu.memref_slice %arg8[%run_scoped3A_18, %dma_wait3A_83, %dma_wait3A_84] : memref<2x128x128xf32, #tpu.memory_space<vmem>> -> memref<1x128x128xf32, #tpu.memory_space<vmem>>
        %dma_wait3A_86 = tpu.memref_squeeze %dma_wait3A_85 : memref<1x128x128xf32, #tpu.memory_space<vmem>> -> memref<128x128xf32, #tpu.memory_space<vmem>>
        tpu.wait_dma2 semaphore(%run_scoped3A_63 : memref<!tpu.dma_semaphore, #tpu.memory_space<semaphore_mem>>) src(%dma_wait3A_86 : memref<128x128xf32, #tpu.memory_space<vmem>>) dst(%dma_wait3A_82 : memref<128x128xf32, #tpu.memory_space<vmem_shared>>)
        tpu.yield
      }) : () -> ()
      %add3A_19 = arith.constant 512 : i32
      %add3A_20 = arith.addi %mul3A_8, %add3A_19 : i32
      %run_scoped3A_21 = arith.constant 0 : i32
      "tpu.region"() ({
        %run_scoped3A_63 = tpu.sem_alloc : memref<!tpu.dma_semaphore, #tpu.memory_space<semaphore_mem>>
        %dma_start3A_64 = arith.constant 0 : i32
        %dma_start3A_65 = arith.constant 0 : i32
        %dma_start3A_66 = tpu.memref_slice %arg8[%run_scoped3A_21, %dma_start3A_64, %dma_start3A_65] : memref<2x128x128xf32, #tpu.memory_space<vmem>> -> memref<1x120x128xf32, #tpu.memory_space<vmem>>
        %dma_start3A_67 = tpu.memref_squeeze %dma_start3A_66 : memref<1x120x128xf32, #tpu.memory_space<vmem>> -> memref<120x128xf32, #tpu.memory_space<vmem>>
        %dma_start3A_68 = arith.constant 0 : i32
        %dma_start3A_69 = tpu.memref_slice %arg9[%add3A_20, %dma_start3A_68] : memref<10112x128xf32, #tpu.memory_space<vmem_shared>> -> memref<120x128xf32, #tpu.memory_space<vmem_shared>>
        %dma_start3A_70 = arith.constant 0 : i32
        %dma_start3A_71 = tpu.memref_slice %arg9[%add3A_20, %dma_start3A_70] : memref<10112x128xf32, #tpu.memory_space<vmem_shared>> -> memref<120x128xf32, #tpu.memory_space<vmem_shared>>
        %dma_start3A_72 = arith.constant 0 : i32
        %dma_start3A_73 = arith.constant 0 : i32
        %dma_start3A_74 = tpu.memref_slice %arg8[%run_scoped3A_21, %dma_start3A_72, %dma_start3A_73] : memref<2x128x128xf32, #tpu.memory_space<vmem>> -> memref<1x120x128xf32, #tpu.memory_space<vmem>>
        %dma_start3A_75 = tpu.memref_squeeze %dma_start3A_74 : memref<1x120x128xf32, #tpu.memory_space<vmem>> -> memref<120x128xf32, #tpu.memory_space<vmem>>
        tpu.enqueue_dma source(%dma_start3A_75 : memref<120x128xf32, #tpu.memory_space<vmem>>) target(%dma_start3A_71 : memref<120x128xf32, #tpu.memory_space<vmem_shared>>) target_semaphore(%run_scoped3A_63 : memref<!tpu.dma_semaphore, #tpu.memory_space<semaphore_mem>>)
        %dma_wait3A = arith.constant 0 : i32
        %dma_wait3A_76 = arith.constant 0 : i32
        %dma_wait3A_77 = tpu.memref_slice %arg8[%run_scoped3A_21, %dma_wait3A, %dma_wait3A_76] : memref<2x128x128xf32, #tpu.memory_space<vmem>> -> memref<1x120x128xf32, #tpu.memory_space<vmem>>
        %dma_wait3A_78 = tpu.memref_squeeze %dma_wait3A_77 : memref<1x120x128xf32, #tpu.memory_space<vmem>> -> memref<120x128xf32, #tpu.memory_space<vmem>>
        %dma_wait3A_79 = arith.constant 0 : i32
        %dma_wait3A_80 = tpu.memref_slice %arg9[%add3A_20, %dma_wait3A_79] : memref<10112x128xf32, #tpu.memory_space<vmem_shared>> -> memref<120x128xf32, #tpu.memory_space<vmem_shared>>
        %dma_wait3A_81 = arith.constant 0 : i32
        %dma_wait3A_82 = tpu.memref_slice %arg9[%add3A_20, %dma_wait3A_81] : memref<10112x128xf32, #tpu.memory_space<vmem_shared>> -> memref<120x128xf32, #tpu.memory_space<vmem_shared>>
        %dma_wait3A_83 = arith.constant 0 : i32
        %dma_wait3A_84 = arith.constant 0 : i32
        %dma_wait3A_85 = tpu.memref_slice %arg8[%run_scoped3A_21, %dma_wait3A_83, %dma_wait3A_84] : memref<2x128x128xf32, #tpu.memory_space<vmem>> -> memref<1x120x128xf32, #tpu.memory_space<vmem>>
        %dma_wait3A_86 = tpu.memref_squeeze %dma_wait3A_85 : memref<1x120x128xf32, #tpu.memory_space<vmem>> -> memref<120x128xf32, #tpu.memory_space<vmem>>
        tpu.wait_dma2 semaphore(%run_scoped3A_63 : memref<!tpu.dma_semaphore, #tpu.memory_space<semaphore_mem>>) src(%dma_wait3A_86 : memref<120x128xf32, #tpu.memory_space<vmem>>) dst(%dma_wait3A_82 : memref<120x128xf32, #tpu.memory_space<vmem_shared>>)
        tpu.yield
      }) : () -> ()
      %eq3A_22 = arith.constant 0 : i32
      %eq3A_23 = arith.cmpi eq, %arg0, %eq3A_22 : i32
      %mul3A_24 = arith.constant 120 : i32
      %mul3A_25 = arith.muli %arg1, %mul3A_24 : i32
      %mul3A_26 = arith.constant 40 : i32
      %mul3A_27 = arith.muli %arg1, %mul3A_26 : i32
      %add3A_28 = arith.constant 1920 : i32
      %add3A_29 = arith.addi %add3A_28, %mul3A_27 : i32
      %select_n3A = arith.select %eq3A_23, %mul3A_25, %add3A_29 : i32
      %eq3A_30 = arith.constant 0 : i32
      %eq3A_31 = arith.cmpi eq, %arg0, %eq3A_30 : i32
      %select_n3A_32 = arith.constant 40 : i32
      %select_n3A_33 = arith.constant 120 : i32
      %select_n3A_34 = arith.select %eq3A_31, %select_n3A_33, %select_n3A_32 : i32
      "tpu.region"() ({
        %run_scoped3A_63 = tpu.sem_alloc : memref<!tpu.dma_semaphore, #tpu.memory_space<semaphore_mem>>
        %dma_start3A_64 = arith.constant 0 : i32
        %dma_start3A_65 = tpu.memref_slice %arg3[%select_n3A, %dma_start3A_64] : memref<2560x128xi32, #tpu.memory_space<hbm>> -> memref<40x128xi32, #tpu.memory_space<hbm>>
        %dma_start3A_66 = arith.constant 0 : i32
        %dma_start3A_67 = tpu.memref_slice %arg3[%select_n3A, %dma_start3A_66] : memref<2560x128xi32, #tpu.memory_space<hbm>> -> memref<40x128xi32, #tpu.memory_space<hbm>>
        tpu.enqueue_dma source(%dma_start3A_67 : memref<40x128xi32, #tpu.memory_space<hbm>>) target(%arg6 : memref<40x128xi32, #tpu.memory_space<vmem>>) target_semaphore(%run_scoped3A_63 : memref<!tpu.dma_semaphore, #tpu.memory_space<semaphore_mem>>)
        %dma_wait3A = arith.constant 0 : i32
        %dma_wait3A_68 = tpu.memref_slice %arg3[%select_n3A, %dma_wait3A] : memref<2560x128xi32, #tpu.memory_space<hbm>> -> memref<40x128xi32, #tpu.memory_space<hbm>>
        %dma_wait3A_69 = arith.constant 0 : i32
        %dma_wait3A_70 = tpu.memref_slice %arg3[%select_n3A, %dma_wait3A_69] : memref<2560x128xi32, #tpu.memory_space<hbm>> -> memref<40x128xi32, #tpu.memory_space<hbm>>
        tpu.wait_dma2 semaphore(%run_scoped3A_63 : memref<!tpu.dma_semaphore, #tpu.memory_space<semaphore_mem>>) src(%dma_wait3A_70 : memref<40x128xi32, #tpu.memory_space<hbm>>) dst(%arg6 : memref<40x128xi32, #tpu.memory_space<vmem>>)
        tpu.yield
      }) : () -> ()
      "tpu.region"() ({
        %run_scoped3A_63 = tpu.sem_alloc : memref<!tpu.dma_semaphore, #tpu.memory_space<semaphore_mem>>
        %dma_start3A_64 = arith.constant 0 : i32
        %dma_start3A_65 = tpu.memref_slice %arg4[%select_n3A, %dma_start3A_64] : memref<2560x128xi32, #tpu.memory_space<hbm>> -> memref<40x128xi32, #tpu.memory_space<hbm>>
        %dma_start3A_66 = arith.constant 0 : i32
        %dma_start3A_67 = tpu.memref_slice %arg4[%select_n3A, %dma_start3A_66] : memref<2560x128xi32, #tpu.memory_space<hbm>> -> memref<40x128xi32, #tpu.memory_space<hbm>>
        tpu.enqueue_dma source(%dma_start3A_67 : memref<40x128xi32, #tpu.memory_space<hbm>>) target(%arg7 : memref<40x128xi32, #tpu.memory_space<vmem>>) target_semaphore(%run_scoped3A_63 : memref<!tpu.dma_semaphore, #tpu.memory_space<semaphore_mem>>)
        %dma_wait3A = arith.constant 0 : i32
        %dma_wait3A_68 = tpu.memref_slice %arg4[%select_n3A, %dma_wait3A] : memref<2560x128xi32, #tpu.memory_space<hbm>> -> memref<40x128xi32, #tpu.memory_space<hbm>>
        %dma_wait3A_69 = arith.constant 0 : i32
        %dma_wait3A_70 = tpu.memref_slice %arg4[%select_n3A, %dma_wait3A_69] : memref<2560x128xi32, #tpu.memory_space<hbm>> -> memref<40x128xi32, #tpu.memory_space<hbm>>
        tpu.wait_dma2 semaphore(%run_scoped3A_63 : memref<!tpu.dma_semaphore, #tpu.memory_space<semaphore_mem>>) src(%dma_wait3A_70 : memref<40x128xi32, #tpu.memory_space<hbm>>) dst(%arg7 : memref<40x128xi32, #tpu.memory_space<vmem>>)
        tpu.yield
      }) : () -> ()
      %barrier3A = arith.constant 0 : index
      tpu.barrier barrier_id(%barrier3A)
      %dma_start3A = arith.constant 0 : i32
      %dma_start3A_35 = arith.constant 0 : i32
      %dma_start3A_36 = arith.constant 0 : i32
      %dma_start3A_37 = arith.constant 0 : i32
      %dma_start3A_38 = arith.constant 0 : i32
      %dma_start3A_39 = tpu.memref_slice %arg8[%dma_start3A_35, %dma_start3A_37, %dma_start3A_38] : memref<2x128x128xf32, #tpu.memory_space<vmem>> -> memref<1x128x128xf32, #tpu.memory_space<vmem>>
      %dma_start3A_40 = tpu.memref_squeeze %dma_start3A_39 : memref<1x128x128xf32, #tpu.memory_space<vmem>> -> memref<128x128xf32, #tpu.memory_space<vmem>>
      %dma_start3A_41 = arith.constant 0 : i32
      %dma_start3A_42 = tpu.memref_slice %arg6[%dma_start3A, %dma_start3A_41] : memref<40x128xi32, #tpu.memory_space<vmem>> -> memref<1x128xi32, #tpu.memory_space<vmem>>
      %dma_start3A_43 = tpu.memref_squeeze %dma_start3A_42 : memref<1x128xi32, #tpu.memory_space<vmem>> -> memref<128xi32, #tpu.memory_space<vmem>>
      %dma_start3A_44 = arith.constant 0 : i32
      %dma_start3A_45 = arith.constant 0 : i32
      %dma_start3A_46 = tpu.memref_slice %arg2[%dma_start3A_44, %dma_start3A_45] : memref<10000x128xf32, #tpu.memory_space<hbm>> -> memref<10000x128xf32, #tpu.memory_space<hbm>>
      %dma_start3A_47 = tpu.memref_slice %arg10[%dma_start3A_36] : memref<2x!tpu.dma_semaphore, #tpu.memory_space<semaphore_mem>> -> memref<1x!tpu.dma_semaphore, #tpu.memory_space<semaphore_mem>>
      %dma_start3A_48 = tpu.memref_squeeze %dma_start3A_47 : memref<1x!tpu.dma_semaphore, #tpu.memory_space<semaphore_mem>> -> memref<!tpu.dma_semaphore, #tpu.memory_space<semaphore_mem>>
      tpu.enqueue_indirect_dma source(%dma_start3A_46 : memref<10000x128xf32, #tpu.memory_space<hbm>>) target(%dma_start3A_40 : memref<128x128xf32, #tpu.memory_space<vmem>>) offsets(%dma_start3A_43 : memref<128xi32, #tpu.memory_space<vmem>>) semaphore(%dma_start3A_48 : memref<!tpu.dma_semaphore, #tpu.memory_space<semaphore_mem>>)
      %while3A = arith.constant 0 : i32
      %while3A_49 = arith.constant 0 : i32
      %while3A_50 = arith.subi %select_n3A_34, %while3A_49 : i32
      %while3A_51 = arith.addi %while3A_49, %while3A_50 : i32
      %while3A_52 = arith.constant 1 : i32
      %while3A_53 = arith.divsi %while3A_50, %while3A_52 : i32
      %while3A_54 = arith.muli %while3A_53, %while3A_52 : i32
      %while3A_55 = arith.addi %while3A_49, %while3A_54 : i32
      %while3A_56 = arith.constant 1 : i32
      scf.for %while3A_63 = %while3A_49 to %while3A_55 step %while3A_56  : i32 {
        %rem3A = arith.constant 2 : i32
        %rem3A_64 = arith.remsi %while3A_63, %rem3A : i32
        %rem3A_65 = arith.constant 40 : i32
        %rem3A_66 = arith.remsi %while3A_63, %rem3A_65 : i32
        %dma_wait3A = arith.constant 0 : i32
        %dma_wait3A_67 = arith.constant 0 : i32
        %dma_wait3A_68 = tpu.memref_slice %arg8[%rem3A_64, %dma_wait3A, %dma_wait3A_67] : memref<2x128x128xf32, #tpu.memory_space<vmem>> -> memref<1x128x128xf32, #tpu.memory_space<vmem>>
        %dma_wait3A_69 = tpu.memref_squeeze %dma_wait3A_68 : memref<1x128x128xf32, #tpu.memory_space<vmem>> -> memref<128x128xf32, #tpu.memory_space<vmem>>
        %dma_wait3A_70 = arith.constant 0 : i32
        %dma_wait3A_71 = tpu.memref_slice %arg6[%rem3A_66, %dma_wait3A_70] : memref<40x128xi32, #tpu.memory_space<vmem>> -> memref<1x128xi32, #tpu.memory_space<vmem>>
        %dma_wait3A_72 = tpu.memref_squeeze %dma_wait3A_71 : memref<1x128xi32, #tpu.memory_space<vmem>> -> memref<128xi32, #tpu.memory_space<vmem>>
        %dma_wait3A_73 = arith.constant 0 : i32
        %dma_wait3A_74 = arith.constant 0 : i32
        %dma_wait3A_75 = tpu.memref_slice %arg2[%dma_wait3A_73, %dma_wait3A_74] : memref<10000x128xf32, #tpu.memory_space<hbm>> -> memref<10000x128xf32, #tpu.memory_space<hbm>>
        %dma_wait3A_76 = tpu.memref_slice %arg10[%rem3A_64] : memref<2x!tpu.dma_semaphore, #tpu.memory_space<semaphore_mem>> -> memref<1x!tpu.dma_semaphore, #tpu.memory_space<semaphore_mem>>
        %dma_wait3A_77 = tpu.memref_squeeze %dma_wait3A_76 : memref<1x!tpu.dma_semaphore, #tpu.memory_space<semaphore_mem>> -> memref<!tpu.dma_semaphore, #tpu.memory_space<semaphore_mem>>
        tpu.wait_indirect_dma semaphore(%dma_wait3A_77 : memref<!tpu.dma_semaphore, #tpu.memory_space<semaphore_mem>>) src(%dma_wait3A_75 : memref<10000x128xf32, #tpu.memory_space<hbm>>) dst(%dma_wait3A_69 : memref<128x128xf32, #tpu.memory_space<vmem>>)
        %eq3A_78 = arith.constant 39 : i32
        %eq3A_79 = arith.cmpi eq, %rem3A_66, %eq3A_78 : i32
        %add3A_80 = arith.constant 1 : i32
        %add3A_81 = arith.addi %while3A_63, %add3A_80 : i32
        %lt3A = arith.cmpi slt, %add3A_81, %select_n3A_34 : i32
        %and3A = arith.andi %eq3A_79, %lt3A : i1
        %convert_element_type3A_82 = arith.extui %and3A : i1 to i32
        %cond3A_83 = arith.constant 0 : i32
        %cond3A_84 = arith.cmpi ne, %convert_element_type3A_82, %cond3A_83 : i32
        scf.if %cond3A_84 {
          %add3A_99 = arith.addi %select_n3A, %while3A_63 : i32
          %add3A_100 = arith.constant 1 : i32
          %add3A_101 = arith.addi %add3A_99, %add3A_100 : i32
          %multiple_of3A = tpu.assume_multiple %add3A_101, 8 : i32
          "tpu.region"() ({
            %run_scoped3A_102 = tpu.sem_alloc : memref<!tpu.dma_semaphore, #tpu.memory_space<semaphore_mem>>
            %dma_start3A_103 = arith.constant 0 : i32
            %dma_start3A_104 = tpu.memref_slice %arg3[%multiple_of3A, %dma_start3A_103] : memref<2560x128xi32, #tpu.memory_space<hbm>> -> memref<40x128xi32, #tpu.memory_space<hbm>>
            %dma_start3A_105 = arith.constant 0 : i32
            %dma_start3A_106 = tpu.memref_slice %arg3[%multiple_of3A, %dma_start3A_105] : memref<2560x128xi32, #tpu.memory_space<hbm>> -> memref<40x128xi32, #tpu.memory_space<hbm>>
            tpu.enqueue_dma source(%dma_start3A_106 : memref<40x128xi32, #tpu.memory_space<hbm>>) target(%arg6 : memref<40x128xi32, #tpu.memory_space<vmem>>) target_semaphore(%run_scoped3A_102 : memref<!tpu.dma_semaphore, #tpu.memory_space<semaphore_mem>>)
            %dma_wait3A_107 = arith.constant 0 : i32
            %dma_wait3A_108 = tpu.memref_slice %arg3[%multiple_of3A, %dma_wait3A_107] : memref<2560x128xi32, #tpu.memory_space<hbm>> -> memref<40x128xi32, #tpu.memory_space<hbm>>
            %dma_wait3A_109 = arith.constant 0 : i32
            %dma_wait3A_110 = tpu.memref_slice %arg3[%multiple_of3A, %dma_wait3A_109] : memref<2560x128xi32, #tpu.memory_space<hbm>> -> memref<40x128xi32, #tpu.memory_space<hbm>>
            tpu.wait_dma2 semaphore(%run_scoped3A_102 : memref<!tpu.dma_semaphore, #tpu.memory_space<semaphore_mem>>) src(%dma_wait3A_110 : memref<40x128xi32, #tpu.memory_space<hbm>>) dst(%arg6 : memref<40x128xi32, #tpu.memory_space<vmem>>)
            tpu.yield
          }) : () -> ()
        } else {
        }
        %add3A_85 = arith.constant 2 : i32
        %add3A_86 = arith.addi %while3A_63, %add3A_85 : i32
        %sub3A = arith.constant 1 : i32
        %sub3A_87 = arith.subi %add3A_86, %sub3A : i32
        %lt3A_88 = arith.cmpi slt, %sub3A_87, %select_n3A_34 : i32
        %convert_element_type3A_89 = arith.extui %lt3A_88 : i1 to i32
        %cond3A_90 = arith.constant 0 : i32
        %cond3A_91 = arith.cmpi ne, %convert_element_type3A_89, %cond3A_90 : i32
        scf.if %cond3A_91 {
          %add3A_99 = arith.constant 2 : i32
          %add3A_100 = arith.addi %while3A_63, %add3A_99 : i32
          %sub3A_101 = arith.constant 1 : i32
          %sub3A_102 = arith.subi %add3A_100, %sub3A_101 : i32
          %rem3A_103 = arith.constant 2 : i32
          %rem3A_104 = arith.remsi %sub3A_102, %rem3A_103 : i32
          %add3A_105 = arith.constant 2 : i32
          %add3A_106 = arith.addi %while3A_63, %add3A_105 : i32
          %sub3A_107 = arith.constant 1 : i32
          %sub3A_108 = arith.subi %add3A_106, %sub3A_107 : i32
          %rem3A_109 = arith.constant 40 : i32
          %rem3A_110 = arith.remsi %sub3A_108, %rem3A_109 : i32
          %dma_start3A_111 = arith.constant 0 : i32
          %dma_start3A_112 = arith.constant 0 : i32
          %dma_start3A_113 = tpu.memref_slice %arg8[%rem3A_104, %dma_start3A_111, %dma_start3A_112] : memref<2x128x128xf32, #tpu.memory_space<vmem>> -> memref<1x128x128xf32, #tpu.memory_space<vmem>>
          %dma_start3A_114 = tpu.memref_squeeze %dma_start3A_113 : memref<1x128x128xf32, #tpu.memory_space<vmem>> -> memref<128x128xf32, #tpu.memory_space<vmem>>
          %dma_start3A_115 = arith.constant 0 : i32
          %dma_start3A_116 = tpu.memref_slice %arg6[%rem3A_110, %dma_start3A_115] : memref<40x128xi32, #tpu.memory_space<vmem>> -> memref<1x128xi32, #tpu.memory_space<vmem>>
          %dma_start3A_117 = tpu.memref_squeeze %dma_start3A_116 : memref<1x128xi32, #tpu.memory_space<vmem>> -> memref<128xi32, #tpu.memory_space<vmem>>
          %dma_start3A_118 = arith.constant 0 : i32
          %dma_start3A_119 = arith.constant 0 : i32
          %dma_start3A_120 = tpu.memref_slice %arg2[%dma_start3A_118, %dma_start3A_119] : memref<10000x128xf32, #tpu.memory_space<hbm>> -> memref<10000x128xf32, #tpu.memory_space<hbm>>
          %dma_start3A_121 = tpu.memref_slice %arg10[%rem3A_104] : memref<2x!tpu.dma_semaphore, #tpu.memory_space<semaphore_mem>> -> memref<1x!tpu.dma_semaphore, #tpu.memory_space<semaphore_mem>>
          %dma_start3A_122 = tpu.memref_squeeze %dma_start3A_121 : memref<1x!tpu.dma_semaphore, #tpu.memory_space<semaphore_mem>> -> memref<!tpu.dma_semaphore, #tpu.memory_space<semaphore_mem>>
          tpu.enqueue_indirect_dma source(%dma_start3A_120 : memref<10000x128xf32, #tpu.memory_space<hbm>>) target(%dma_start3A_114 : memref<128x128xf32, #tpu.memory_space<vmem>>) offsets(%dma_start3A_117 : memref<128xi32, #tpu.memory_space<vmem>>) semaphore(%dma_start3A_122 : memref<!tpu.dma_semaphore, #tpu.memory_space<semaphore_mem>>)
        } else {
        }
        %eq3A_92 = arith.constant 0 : i32
        %eq3A_93 = arith.cmpi eq, %rem3A_66, %eq3A_92 : i32
        %gt3A = arith.constant 0 : i32
        %gt3A_94 = arith.cmpi sgt, %while3A_63, %gt3A : i32
        %and3A_95 = arith.andi %eq3A_93, %gt3A_94 : i1
        %convert_element_type3A_96 = arith.extui %and3A_95 : i1 to i32
        %cond3A_97 = arith.constant 0 : i32
        %cond3A_98 = arith.cmpi ne, %convert_element_type3A_96, %cond3A_97 : i32
        scf.if %cond3A_98 {
          %add3A_99 = arith.addi %select_n3A, %while3A_63 : i32
          %multiple_of3A = tpu.assume_multiple %add3A_99, 8 : i32
          "tpu.region"() ({
            %run_scoped3A_100 = tpu.sem_alloc : memref<!tpu.dma_semaphore, #tpu.memory_space<semaphore_mem>>
            %dma_start3A_101 = arith.constant 0 : i32
            %dma_start3A_102 = tpu.memref_slice %arg4[%multiple_of3A, %dma_start3A_101] : memref<2560x128xi32, #tpu.memory_space<hbm>> -> memref<40x128xi32, #tpu.memory_space<hbm>>
            %dma_start3A_103 = arith.constant 0 : i32
            %dma_start3A_104 = tpu.memref_slice %arg4[%multiple_of3A, %dma_start3A_103] : memref<2560x128xi32, #tpu.memory_space<hbm>> -> memref<40x128xi32, #tpu.memory_space<hbm>>
            tpu.enqueue_dma source(%dma_start3A_104 : memref<40x128xi32, #tpu.memory_space<hbm>>) target(%arg7 : memref<40x128xi32, #tpu.memory_space<vmem>>) target_semaphore(%run_scoped3A_100 : memref<!tpu.dma_semaphore, #tpu.memory_space<semaphore_mem>>)
            %dma_wait3A_105 = arith.constant 0 : i32
            %dma_wait3A_106 = tpu.memref_slice %arg4[%multiple_of3A, %dma_wait3A_105] : memref<2560x128xi32, #tpu.memory_space<hbm>> -> memref<40x128xi32, #tpu.memory_space<hbm>>
            %dma_wait3A_107 = arith.constant 0 : i32
            %dma_wait3A_108 = tpu.memref_slice %arg4[%multiple_of3A, %dma_wait3A_107] : memref<2560x128xi32, #tpu.memory_space<hbm>> -> memref<40x128xi32, #tpu.memory_space<hbm>>
            tpu.wait_dma2 semaphore(%run_scoped3A_100 : memref<!tpu.dma_semaphore, #tpu.memory_space<semaphore_mem>>) src(%dma_wait3A_108 : memref<40x128xi32, #tpu.memory_space<hbm>>) dst(%arg7 : memref<40x128xi32, #tpu.memory_space<vmem>>)
            tpu.yield
          }) : () -> ()
        } else {
        }
        "tpu.region"() ({
          %run_scoped3A_99 = tpu.sem_alloc : memref<!tpu.dma_semaphore, #tpu.memory_space<semaphore_mem>>
          %dma_start3A_100 = arith.constant 0 : i32
          %dma_start3A_101 = arith.constant 0 : i32
          %dma_start3A_102 = tpu.memref_slice %arg8[%rem3A_64, %dma_start3A_100, %dma_start3A_101] : memref<2x128x128xf32, #tpu.memory_space<vmem>> -> memref<1x128x128xf32, #tpu.memory_space<vmem>>
          %dma_start3A_103 = tpu.memref_squeeze %dma_start3A_102 : memref<1x128x128xf32, #tpu.memory_space<vmem>> -> memref<128x128xf32, #tpu.memory_space<vmem>>
          %dma_start3A_104 = arith.constant 0 : i32
          %dma_start3A_105 = tpu.memref_slice %arg7[%rem3A_66, %dma_start3A_104] : memref<40x128xi32, #tpu.memory_space<vmem>> -> memref<1x128xi32, #tpu.memory_space<vmem>>
          %dma_start3A_106 = tpu.memref_squeeze %dma_start3A_105 : memref<1x128xi32, #tpu.memory_space<vmem>> -> memref<128xi32, #tpu.memory_space<vmem>>
          %dma_start3A_107 = arith.constant 0 : i32
          %dma_start3A_108 = arith.constant 0 : i32
          %dma_start3A_109 = tpu.memref_slice %arg9[%dma_start3A_107, %dma_start3A_108] : memref<10112x128xf32, #tpu.memory_space<vmem_shared>> -> memref<10112x128xf32, #tpu.memory_space<vmem_shared>>
          tpu.enqueue_indirect_dma source(%dma_start3A_103 : memref<128x128xf32, #tpu.memory_space<vmem>>) target(%dma_start3A_109 : memref<10112x128xf32, #tpu.memory_space<vmem_shared>>) offsets(%dma_start3A_106 : memref<128xi32, #tpu.memory_space<vmem>>) semaphore(%run_scoped3A_99 : memref<!tpu.dma_semaphore, #tpu.memory_space<semaphore_mem>>) {add = true}
          %dma_wait3A_110 = arith.constant 0 : i32
          %dma_wait3A_111 = arith.constant 0 : i32
          %dma_wait3A_112 = tpu.memref_slice %arg8[%rem3A_64, %dma_wait3A_110, %dma_wait3A_111] : memref<2x128x128xf32, #tpu.memory_space<vmem>> -> memref<1x128x128xf32, #tpu.memory_space<vmem>>
          %dma_wait3A_113 = tpu.memref_squeeze %dma_wait3A_112 : memref<1x128x128xf32, #tpu.memory_space<vmem>> -> memref<128x128xf32, #tpu.memory_space<vmem>>
          %dma_wait3A_114 = arith.constant 0 : i32
          %dma_wait3A_115 = tpu.memref_slice %arg7[%rem3A_66, %dma_wait3A_114] : memref<40x128xi32, #tpu.memory_space<vmem>> -> memref<1x128xi32, #tpu.memory_space<vmem>>
          %dma_wait3A_116 = tpu.memref_squeeze %dma_wait3A_115 : memref<1x128xi32, #tpu.memory_space<vmem>> -> memref<128xi32, #tpu.memory_space<vmem>>
          %dma_wait3A_117 = arith.constant 0 : i32
          %dma_wait3A_118 = arith.constant 0 : i32
          %dma_wait3A_119 = tpu.memref_slice %arg9[%dma_wait3A_117, %dma_wait3A_118] : memref<10112x128xf32, #tpu.memory_space<vmem_shared>> -> memref<10112x128xf32, #tpu.memory_space<vmem_shared>>
          tpu.wait_indirect_dma semaphore(%run_scoped3A_99 : memref<!tpu.dma_semaphore, #tpu.memory_space<semaphore_mem>>) src(%dma_wait3A_113 : memref<128x128xf32, #tpu.memory_space<vmem>>) dst(%dma_wait3A_119 : memref<10112x128xf32, #tpu.memory_space<vmem_shared>>)
          tpu.yield
        }) : () -> ()
      }
      %while3A_57 = arith.constant 1 : i32
      scf.for %while3A_63 = %while3A_55 to %while3A_51 step %while3A_57  : i32 {
        %rem3A = arith.constant 2 : i32
        %rem3A_64 = arith.remsi %while3A_63, %rem3A : i32
        %rem3A_65 = arith.constant 40 : i32
        %rem3A_66 = arith.remsi %while3A_63, %rem3A_65 : i32
        %dma_wait3A = arith.constant 0 : i32
        %dma_wait3A_67 = arith.constant 0 : i32
        %dma_wait3A_68 = tpu.memref_slice %arg8[%rem3A_64, %dma_wait3A, %dma_wait3A_67] : memref<2x128x128xf32, #tpu.memory_space<vmem>> -> memref<1x128x128xf32, #tpu.memory_space<vmem>>
        %dma_wait3A_69 = tpu.memref_squeeze %dma_wait3A_68 : memref<1x128x128xf32, #tpu.memory_space<vmem>> -> memref<128x128xf32, #tpu.memory_space<vmem>>
        %dma_wait3A_70 = arith.constant 0 : i32
        %dma_wait3A_71 = tpu.memref_slice %arg6[%rem3A_66, %dma_wait3A_70] : memref<40x128xi32, #tpu.memory_space<vmem>> -> memref<1x128xi32, #tpu.memory_space<vmem>>
        %dma_wait3A_72 = tpu.memref_squeeze %dma_wait3A_71 : memref<1x128xi32, #tpu.memory_space<vmem>> -> memref<128xi32, #tpu.memory_space<vmem>>
        %dma_wait3A_73 = arith.constant 0 : i32
        %dma_wait3A_74 = arith.constant 0 : i32
        %dma_wait3A_75 = tpu.memref_slice %arg2[%dma_wait3A_73, %dma_wait3A_74] : memref<10000x128xf32, #tpu.memory_space<hbm>> -> memref<10000x128xf32, #tpu.memory_space<hbm>>
        %dma_wait3A_76 = tpu.memref_slice %arg10[%rem3A_64] : memref<2x!tpu.dma_semaphore, #tpu.memory_space<semaphore_mem>> -> memref<1x!tpu.dma_semaphore, #tpu.memory_space<semaphore_mem>>
        %dma_wait3A_77 = tpu.memref_squeeze %dma_wait3A_76 : memref<1x!tpu.dma_semaphore, #tpu.memory_space<semaphore_mem>> -> memref<!tpu.dma_semaphore, #tpu.memory_space<semaphore_mem>>
        tpu.wait_indirect_dma semaphore(%dma_wait3A_77 : memref<!tpu.dma_semaphore, #tpu.memory_space<semaphore_mem>>) src(%dma_wait3A_75 : memref<10000x128xf32, #tpu.memory_space<hbm>>) dst(%dma_wait3A_69 : memref<128x128xf32, #tpu.memory_space<vmem>>)
        %eq3A_78 = arith.constant 39 : i32
        %eq3A_79 = arith.cmpi eq, %rem3A_66, %eq3A_78 : i32
        %add3A_80 = arith.constant 1 : i32
        %add3A_81 = arith.addi %while3A_63, %add3A_80 : i32
        %lt3A = arith.cmpi slt, %add3A_81, %select_n3A_34 : i32
        %and3A = arith.andi %eq3A_79, %lt3A : i1
        %convert_element_type3A_82 = arith.extui %and3A : i1 to i32
        %cond3A_83 = arith.constant 0 : i32
        %cond3A_84 = arith.cmpi ne, %convert_element_type3A_82, %cond3A_83 : i32
        scf.if %cond3A_84 {
          %add3A_99 = arith.addi %select_n3A, %while3A_63 : i32
          %add3A_100 = arith.constant 1 : i32
          %add3A_101 = arith.addi %add3A_99, %add3A_100 : i32
          %multiple_of3A = tpu.assume_multiple %add3A_101, 8 : i32
          "tpu.region"() ({
            %run_scoped3A_102 = tpu.sem_alloc : memref<!tpu.dma_semaphore, #tpu.memory_space<semaphore_mem>>
            %dma_start3A_103 = arith.constant 0 : i32
            %dma_start3A_104 = tpu.memref_slice %arg3[%multiple_of3A, %dma_start3A_103] : memref<2560x128xi32, #tpu.memory_space<hbm>> -> memref<40x128xi32, #tpu.memory_space<hbm>>
            %dma_start3A_105 = arith.constant 0 : i32
            %dma_start3A_106 = tpu.memref_slice %arg3[%multiple_of3A, %dma_start3A_105] : memref<2560x128xi32, #tpu.memory_space<hbm>> -> memref<40x128xi32, #tpu.memory_space<hbm>>
            tpu.enqueue_dma source(%dma_start3A_106 : memref<40x128xi32, #tpu.memory_space<hbm>>) target(%arg6 : memref<40x128xi32, #tpu.memory_space<vmem>>) target_semaphore(%run_scoped3A_102 : memref<!tpu.dma_semaphore, #tpu.memory_space<semaphore_mem>>)
            %dma_wait3A_107 = arith.constant 0 : i32
            %dma_wait3A_108 = tpu.memref_slice %arg3[%multiple_of3A, %dma_wait3A_107] : memref<2560x128xi32, #tpu.memory_space<hbm>> -> memref<40x128xi32, #tpu.memory_space<hbm>>
            %dma_wait3A_109 = arith.constant 0 : i32
            %dma_wait3A_110 = tpu.memref_slice %arg3[%multiple_of3A, %dma_wait3A_109] : memref<2560x128xi32, #tpu.memory_space<hbm>> -> memref<40x128xi32, #tpu.memory_space<hbm>>
            tpu.wait_dma2 semaphore(%run_scoped3A_102 : memref<!tpu.dma_semaphore, #tpu.memory_space<semaphore_mem>>) src(%dma_wait3A_110 : memref<40x128xi32, #tpu.memory_space<hbm>>) dst(%arg6 : memref<40x128xi32, #tpu.memory_space<vmem>>)
            tpu.yield
          }) : () -> ()
        } else {
        }
        %add3A_85 = arith.constant 2 : i32
        %add3A_86 = arith.addi %while3A_63, %add3A_85 : i32
        %sub3A = arith.constant 1 : i32
        %sub3A_87 = arith.subi %add3A_86, %sub3A : i32
        %lt3A_88 = arith.cmpi slt, %sub3A_87, %select_n3A_34 : i32
        %convert_element_type3A_89 = arith.extui %lt3A_88 : i1 to i32
        %cond3A_90 = arith.constant 0 : i32
        %cond3A_91 = arith.cmpi ne, %convert_element_type3A_89, %cond3A_90 : i32
        scf.if %cond3A_91 {
          %add3A_99 = arith.constant 2 : i32
          %add3A_100 = arith.addi %while3A_63, %add3A_99 : i32
          %sub3A_101 = arith.constant 1 : i32
          %sub3A_102 = arith.subi %add3A_100, %sub3A_101 : i32
          %rem3A_103 = arith.constant 2 : i32
          %rem3A_104 = arith.remsi %sub3A_102, %rem3A_103 : i32
          %add3A_105 = arith.constant 2 : i32
          %add3A_106 = arith.addi %while3A_63, %add3A_105 : i32
          %sub3A_107 = arith.constant 1 : i32
          %sub3A_108 = arith.subi %add3A_106, %sub3A_107 : i32
          %rem3A_109 = arith.constant 40 : i32
          %rem3A_110 = arith.remsi %sub3A_108, %rem3A_109 : i32
          %dma_start3A_111 = arith.constant 0 : i32
          %dma_start3A_112 = arith.constant 0 : i32
          %dma_start3A_113 = tpu.memref_slice %arg8[%rem3A_104, %dma_start3A_111, %dma_start3A_112] : memref<2x128x128xf32, #tpu.memory_space<vmem>> -> memref<1x128x128xf32, #tpu.memory_space<vmem>>
          %dma_start3A_114 = tpu.memref_squeeze %dma_start3A_113 : memref<1x128x128xf32, #tpu.memory_space<vmem>> -> memref<128x128xf32, #tpu.memory_space<vmem>>
          %dma_start3A_115 = arith.constant 0 : i32
          %dma_start3A_116 = tpu.memref_slice %arg6[%rem3A_110, %dma_start3A_115] : memref<40x128xi32, #tpu.memory_space<vmem>> -> memref<1x128xi32, #tpu.memory_space<vmem>>
          %dma_start3A_117 = tpu.memref_squeeze %dma_start3A_116 : memref<1x128xi32, #tpu.memory_space<vmem>> -> memref<128xi32, #tpu.memory_space<vmem>>
          %dma_start3A_118 = arith.constant 0 : i32
          %dma_start3A_119 = arith.constant 0 : i32
          %dma_start3A_120 = tpu.memref_slice %arg2[%dma_start3A_118, %dma_start3A_119] : memref<10000x128xf32, #tpu.memory_space<hbm>> -> memref<10000x128xf32, #tpu.memory_space<hbm>>
          %dma_start3A_121 = tpu.memref_slice %arg10[%rem3A_104] : memref<2x!tpu.dma_semaphore, #tpu.memory_space<semaphore_mem>> -> memref<1x!tpu.dma_semaphore, #tpu.memory_space<semaphore_mem>>
          %dma_start3A_122 = tpu.memref_squeeze %dma_start3A_121 : memref<1x!tpu.dma_semaphore, #tpu.memory_space<semaphore_mem>> -> memref<!tpu.dma_semaphore, #tpu.memory_space<semaphore_mem>>
          tpu.enqueue_indirect_dma source(%dma_start3A_120 : memref<10000x128xf32, #tpu.memory_space<hbm>>) target(%dma_start3A_114 : memref<128x128xf32, #tpu.memory_space<vmem>>) offsets(%dma_start3A_117 : memref<128xi32, #tpu.memory_space<vmem>>) semaphore(%dma_start3A_122 : memref<!tpu.dma_semaphore, #tpu.memory_space<semaphore_mem>>)
        } else {
        }
        %eq3A_92 = arith.constant 0 : i32
        %eq3A_93 = arith.cmpi eq, %rem3A_66, %eq3A_92 : i32
        %gt3A = arith.constant 0 : i32
        %gt3A_94 = arith.cmpi sgt, %while3A_63, %gt3A : i32
        %and3A_95 = arith.andi %eq3A_93, %gt3A_94 : i1
        %convert_element_type3A_96 = arith.extui %and3A_95 : i1 to i32
        %cond3A_97 = arith.constant 0 : i32
        %cond3A_98 = arith.cmpi ne, %convert_element_type3A_96, %cond3A_97 : i32
        scf.if %cond3A_98 {
          %add3A_99 = arith.addi %select_n3A, %while3A_63 : i32
          %multiple_of3A = tpu.assume_multiple %add3A_99, 8 : i32
          "tpu.region"() ({
            %run_scoped3A_100 = tpu.sem_alloc : memref<!tpu.dma_semaphore, #tpu.memory_space<semaphore_mem>>
            %dma_start3A_101 = arith.constant 0 : i32
            %dma_start3A_102 = tpu.memref_slice %arg4[%multiple_of3A, %dma_start3A_101] : memref<2560x128xi32, #tpu.memory_space<hbm>> -> memref<40x128xi32, #tpu.memory_space<hbm>>
            %dma_start3A_103 = arith.constant 0 : i32
            %dma_start3A_104 = tpu.memref_slice %arg4[%multiple_of3A, %dma_start3A_103] : memref<2560x128xi32, #tpu.memory_space<hbm>> -> memref<40x128xi32, #tpu.memory_space<hbm>>
            tpu.enqueue_dma source(%dma_start3A_104 : memref<40x128xi32, #tpu.memory_space<hbm>>) target(%arg7 : memref<40x128xi32, #tpu.memory_space<vmem>>) target_semaphore(%run_scoped3A_100 : memref<!tpu.dma_semaphore, #tpu.memory_space<semaphore_mem>>)
            %dma_wait3A_105 = arith.constant 0 : i32
            %dma_wait3A_106 = tpu.memref_slice %arg4[%multiple_of3A, %dma_wait3A_105] : memref<2560x128xi32, #tpu.memory_space<hbm>> -> memref<40x128xi32, #tpu.memory_space<hbm>>
            %dma_wait3A_107 = arith.constant 0 : i32
            %dma_wait3A_108 = tpu.memref_slice %arg4[%multiple_of3A, %dma_wait3A_107] : memref<2560x128xi32, #tpu.memory_space<hbm>> -> memref<40x128xi32, #tpu.memory_space<hbm>>
            tpu.wait_dma2 semaphore(%run_scoped3A_100 : memref<!tpu.dma_semaphore, #tpu.memory_space<semaphore_mem>>) src(%dma_wait3A_108 : memref<40x128xi32, #tpu.memory_space<hbm>>) dst(%arg7 : memref<40x128xi32, #tpu.memory_space<vmem>>)
            tpu.yield
          }) : () -> ()
        } else {
        }
        "tpu.region"() ({
          %run_scoped3A_99 = tpu.sem_alloc : memref<!tpu.dma_semaphore, #tpu.memory_space<semaphore_mem>>
          %dma_start3A_100 = arith.constant 0 : i32
          %dma_start3A_101 = arith.constant 0 : i32
          %dma_start3A_102 = tpu.memref_slice %arg8[%rem3A_64, %dma_start3A_100, %dma_start3A_101] : memref<2x128x128xf32, #tpu.memory_space<vmem>> -> memref<1x128x128xf32, #tpu.memory_space<vmem>>
          %dma_start3A_103 = tpu.memref_squeeze %dma_start3A_102 : memref<1x128x128xf32, #tpu.memory_space<vmem>> -> memref<128x128xf32, #tpu.memory_space<vmem>>
          %dma_start3A_104 = arith.constant 0 : i32
          %dma_start3A_105 = tpu.memref_slice %arg7[%rem3A_66, %dma_start3A_104] : memref<40x128xi32, #tpu.memory_space<vmem>> -> memref<1x128xi32, #tpu.memory_space<vmem>>
          %dma_start3A_106 = tpu.memref_squeeze %dma_start3A_105 : memref<1x128xi32, #tpu.memory_space<vmem>> -> memref<128xi32, #tpu.memory_space<vmem>>
          %dma_start3A_107 = arith.constant 0 : i32
          %dma_start3A_108 = arith.constant 0 : i32
          %dma_start3A_109 = tpu.memref_slice %arg9[%dma_start3A_107, %dma_start3A_108] : memref<10112x128xf32, #tpu.memory_space<vmem_shared>> -> memref<10112x128xf32, #tpu.memory_space<vmem_shared>>
          tpu.enqueue_indirect_dma source(%dma_start3A_103 : memref<128x128xf32, #tpu.memory_space<vmem>>) target(%dma_start3A_109 : memref<10112x128xf32, #tpu.memory_space<vmem_shared>>) offsets(%dma_start3A_106 : memref<128xi32, #tpu.memory_space<vmem>>) semaphore(%run_scoped3A_99 : memref<!tpu.dma_semaphore, #tpu.memory_space<semaphore_mem>>) {add = true}
          %dma_wait3A_110 = arith.constant 0 : i32
          %dma_wait3A_111 = arith.constant 0 : i32
          %dma_wait3A_112 = tpu.memref_slice %arg8[%rem3A_64, %dma_wait3A_110, %dma_wait3A_111] : memref<2x128x128xf32, #tpu.memory_space<vmem>> -> memref<1x128x128xf32, #tpu.memory_space<vmem>>
          %dma_wait3A_113 = tpu.memref_squeeze %dma_wait3A_112 : memref<1x128x128xf32, #tpu.memory_space<vmem>> -> memref<128x128xf32, #tpu.memory_space<vmem>>
          %dma_wait3A_114 = arith.constant 0 : i32
          %dma_wait3A_115 = tpu.memref_slice %arg7[%rem3A_66, %dma_wait3A_114] : memref<40x128xi32, #tpu.memory_space<vmem>> -> memref<1x128xi32, #tpu.memory_space<vmem>>
          %dma_wait3A_116 = tpu.memref_squeeze %dma_wait3A_115 : memref<1x128xi32, #tpu.memory_space<vmem>> -> memref<128xi32, #tpu.memory_space<vmem>>
          %dma_wait3A_117 = arith.constant 0 : i32
          %dma_wait3A_118 = arith.constant 0 : i32
          %dma_wait3A_119 = tpu.memref_slice %arg9[%dma_wait3A_117, %dma_wait3A_118] : memref<10112x128xf32, #tpu.memory_space<vmem_shared>> -> memref<10112x128xf32, #tpu.memory_space<vmem_shared>>
          tpu.wait_indirect_dma semaphore(%run_scoped3A_99 : memref<!tpu.dma_semaphore, #tpu.memory_space<semaphore_mem>>) src(%dma_wait3A_113 : memref<128x128xf32, #tpu.memory_space<vmem>>) dst(%dma_wait3A_119 : memref<10112x128xf32, #tpu.memory_space<vmem_shared>>)
          tpu.yield
        }) : () -> ()
      }
      %barrier3A_58 = arith.constant 0 : index
      tpu.barrier barrier_id(%barrier3A_58)
      %mul3A_59 = arith.constant 632 : i32
      %mul3A_60 = arith.muli %arg1, %mul3A_59 : i32
      %mul3A_61 = arith.constant 632 : i32
      %mul3A_62 = arith.muli %arg1, %mul3A_61 : i32
      "tpu.region"() ({
        %run_scoped3A_63 = tpu.sem_alloc : memref<!tpu.dma_semaphore, #tpu.memory_space<semaphore_mem>>
        %dma_start3A_64 = arith.constant 0 : i32
        %dma_start3A_65 = tpu.memref_slice %arg5[%arg0, %mul3A_62, %dma_start3A_64] : memref<2x10112x128xf32, #tpu.memory_space<hbm>> -> memref<1x632x128xf32, #tpu.memory_space<hbm>>
        %dma_start3A_66 = tpu.memref_squeeze %dma_start3A_65 : memref<1x632x128xf32, #tpu.memory_space<hbm>> -> memref<632x128xf32, #tpu.memory_space<hbm>>
        %dma_start3A_67 = arith.constant 0 : i32
        %dma_start3A_68 = tpu.memref_slice %arg9[%mul3A_60, %dma_start3A_67] : memref<10112x128xf32, #tpu.memory_space<vmem_shared>> -> memref<632x128xf32, #tpu.memory_space<vmem_shared>>
        tpu.enqueue_dma source(%dma_start3A_68 : memref<632x128xf32, #tpu.memory_space<vmem_shared>>) target(%dma_start3A_66 : memref<632x128xf32, #tpu.memory_space<hbm>>) target_semaphore(%run_scoped3A_63 : memref<!tpu.dma_semaphore, #tpu.memory_space<semaphore_mem>>)
        %dma_wait3A = arith.constant 0 : i32
        %dma_wait3A_69 = tpu.memref_slice %arg5[%arg0, %mul3A_62, %dma_wait3A] : memref<2x10112x128xf32, #tpu.memory_space<hbm>> -> memref<1x632x128xf32, #tpu.memory_space<hbm>>
        %dma_wait3A_70 = tpu.memref_squeeze %dma_wait3A_69 : memref<1x632x128xf32, #tpu.memory_space<hbm>> -> memref<632x128xf32, #tpu.memory_space<hbm>>
        %dma_wait3A_71 = arith.constant 0 : i32
        %dma_wait3A_72 = tpu.memref_slice %arg9[%mul3A_60, %dma_wait3A_71] : memref<10112x128xf32, #tpu.memory_space<vmem_shared>> -> memref<632x128xf32, #tpu.memory_space<vmem_shared>>
        tpu.wait_dma2 semaphore(%run_scoped3A_63 : memref<!tpu.dma_semaphore, #tpu.memory_space<semaphore_mem>>) src(%dma_wait3A_72 : memref<632x128xf32, #tpu.memory_space<vmem_shared>>) dst(%dma_wait3A_70 : memref<632x128xf32, #tpu.memory_space<hbm>>)
        tpu.yield
      }) : () -> ()
    } else {
    }
    return
  }
}

module attributes {stable_mosaic.version = 14 : i64} {
  func.func @_mm_body(%arg0: i32, %arg1: memref<1000x128xf32, #tpu.memory_space<vmem>>, %arg2: memref<128x128xf32, #tpu.memory_space<vmem>>, %arg3: memref<1000x128xf32, #tpu.memory_space<vmem>>) attributes {dimension_semantics = [#tpu.dimension_semantics<arbitrary>], iteration_bounds = array<i64: 10>, scalar_prefetch = 0 : i64, scratch_operands = 0 : i64, tpu.core_type = #tpu.core_type<tc>, window_params = [{transform_indices = @transform_0, window_bounds = array<i64: 1000, 128>}, {pipeline_mode = #tpu.pipeline_mode<synchronous>, transform_indices = @transform_1, window_bounds = array<i64: 128, 128>}, {transform_indices = @transform_2, window_bounds = array<i64: 1000, 128>}]} {
    %get3A = arith.constant 0 : index
    %get3A_0 = arith.constant 0 : index
    %get3A_1 = vector.load %arg1[%get3A, %get3A_0] : memref<1000x128xf32, #tpu.memory_space<vmem>>, vector<1000x128xf32>
    %get3A_2 = arith.constant 0 : index
    %get3A_3 = arith.constant 0 : index
    %get3A_4 = vector.load %arg2[%get3A_2, %get3A_3] : memref<128x128xf32, #tpu.memory_space<vmem>>, vector<128x128xf32>
    %dot_general3A = arith.constant dense<0.000000e+00> : vector<1000x128xf32>
    %dot_general3A_5 = tpu.matmul %get3A_1, %get3A_4, %dot_general3A {dimension_numbers = #tpu.dot_dimension_numbers<[1], [0], [0], [1], [0, 0, 1, 1], [], []>, transpose_lhs_hint = false} : vector<1000x128xf32>, vector<128x128xf32>, vector<1000x128xf32> -> vector<1000x128xf32>
    %swap3A = arith.constant 0 : index
    %swap3A_6 = arith.constant 0 : index
    %swap3A_7 = vector.load %arg3[%swap3A, %swap3A_6] : memref<1000x128xf32, #tpu.memory_space<vmem>>, vector<1000x128xf32>
    tpu.vector_store %arg3[%swap3A, %swap3A_6], %dot_general3A_5 {strides = array<i32>} : memref<1000x128xf32, #tpu.memory_space<vmem>>, vector<1000x128xf32>,
    return
  }
  func.func @transform_0(%arg0: i32) -> (i32, i32) {
    %c0_i32 = arith.constant 0 : i32
    %c0_i32_0 = arith.constant 0 : i32
    return %arg0, %c0_i32 : i32, i32
  }
  func.func @transform_1(%arg0: i32) -> (i32, i32) {
    %c0_i32 = arith.constant 0 : i32
    %c0_i32_0 = arith.constant 0 : i32
    %c0_i32_1 = arith.constant 0 : i32
    return %c0_i32, %c0_i32_0 : i32, i32
  }
  func.func @transform_2(%arg0: i32) -> (i32, i32) {
    %c0_i32 = arith.constant 0 : i32
    %c0_i32_0 = arith.constant 0 : i32
    return %arg0, %c0_i32 : i32, i32
  }
}

module attributes {stable_mosaic.version = 14 : i64} {
  func.func @_gru_body(%arg0: i32, %arg1: memref<1000x128xf32, #tpu.memory_space<vmem>>, %arg2: memref<1000x128xf32, #tpu.memory_space<vmem>>, %arg3: memref<1000x128xf32, #tpu.memory_space<vmem>>, %arg4: memref<128x384xf32, #tpu.memory_space<vmem>>, %arg5: memref<128x384xf32, #tpu.memory_space<vmem>>, %arg6: memref<1x384xf32, #tpu.memory_space<vmem>>, %arg7: memref<1x384xf32, #tpu.memory_space<vmem>>, %arg8: memref<128x128xf32, #tpu.memory_space<vmem>>, %arg9: memref<1000x128xf32, #tpu.memory_space<vmem>>, %arg10: memref<1000x128xf32, #tpu.memory_space<vmem>>) attributes {dimension_semantics = [#tpu.dimension_semantics<arbitrary>], iteration_bounds = array<i64: 10>, scalar_prefetch = 0 : i64, scratch_operands = 0 : i64, tpu.core_type = #tpu.core_type<tc>, window_params = [{transform_indices = @transform_0, window_bounds = array<i64: 1000, 128>}, {transform_indices = @transform_1, window_bounds = array<i64: 1000, 128>}, {transform_indices = @transform_2, window_bounds = array<i64: 1000, 128>}, {pipeline_mode = #tpu.pipeline_mode<synchronous>, transform_indices = @transform_3, window_bounds = array<i64: 128, 384>}, {pipeline_mode = #tpu.pipeline_mode<synchronous>, transform_indices = @transform_4, window_bounds = array<i64: 128, 384>}, {pipeline_mode = #tpu.pipeline_mode<synchronous>, transform_indices = @transform_5, window_bounds = array<i64: 1, 384>}, {pipeline_mode = #tpu.pipeline_mode<synchronous>, transform_indices = @transform_6, window_bounds = array<i64: 1, 384>}, {pipeline_mode = #tpu.pipeline_mode<synchronous>, transform_indices = @transform_7, window_bounds = array<i64: 128, 128>}, {transform_indices = @transform_8, window_bounds = array<i64: 1000, 128>}, {transform_indices = @transform_9, window_bounds = array<i64: 1000, 128>}]} {
    %get3A = arith.constant 0 : index
    %get3A_0 = arith.constant 0 : index
    %get3A_1 = vector.load %arg1[%get3A, %get3A_0] : memref<1000x128xf32, #tpu.memory_space<vmem>>, vector<1000x128xf32>
    %get3A_2 = arith.constant 0 : index
    %get3A_3 = arith.constant 0 : index
    %get3A_4 = vector.load %arg2[%get3A_2, %get3A_3] : memref<1000x128xf32, #tpu.memory_space<vmem>>, vector<1000x128xf32>
    %add3A = arith.addf %get3A_1, %get3A_4 : vector<1000x128xf32>
    %get3A_5 = arith.constant 0 : index
    %get3A_6 = arith.constant 0 : index
    %get3A_7 = vector.load %arg4[%get3A_5, %get3A_6] : memref<128x384xf32, #tpu.memory_space<vmem>>, vector<128x384xf32>
    %dot_general3A = arith.constant dense<0.000000e+00> : vector<1000x384xf32>
    %dot_general3A_8 = tpu.matmul %add3A, %get3A_7, %dot_general3A {dimension_numbers = #tpu.dot_dimension_numbers<[1], [0], [0], [1], [0, 0, 1, 1], [], []>, transpose_lhs_hint = false} : vector<1000x128xf32>, vector<128x384xf32>, vector<1000x384xf32> -> vector<1000x384xf32>
    %get3A_9 = arith.constant 0 : index
    %get3A_10 = arith.constant 0 : index
    %get3A_11 = vector.load %arg6[%get3A_9, %get3A_10] : memref<1x384xf32, #tpu.memory_space<vmem>>, vector<1x384xf32>
    %add3A_12 = vector.broadcast %get3A_11 : vector<1x384xf32> to vector<1000x384xf32>
    %add3A_13 = arith.addf %dot_general3A_8, %add3A_12 : vector<1000x384xf32>
    %get3A_14 = arith.constant 0 : index
    %get3A_15 = arith.constant 0 : index
    %get3A_16 = vector.load %arg3[%get3A_14, %get3A_15] : memref<1000x128xf32, #tpu.memory_space<vmem>>, vector<1000x128xf32>
    %get3A_17 = arith.constant 0 : index
    %get3A_18 = arith.constant 0 : index
    %get3A_19 = vector.load %arg5[%get3A_17, %get3A_18] : memref<128x384xf32, #tpu.memory_space<vmem>>, vector<128x384xf32>
    %dot_general3A_20 = arith.constant dense<0.000000e+00> : vector<1000x384xf32>
    %dot_general3A_21 = tpu.matmul %get3A_16, %get3A_19, %dot_general3A_20 {dimension_numbers = #tpu.dot_dimension_numbers<[1], [0], [0], [1], [0, 0, 1, 1], [], []>, transpose_lhs_hint = false} : vector<1000x128xf32>, vector<128x384xf32>, vector<1000x384xf32> -> vector<1000x384xf32>
    %get3A_22 = arith.constant 0 : index
    %get3A_23 = arith.constant 0 : index
    %get3A_24 = vector.load %arg7[%get3A_22, %get3A_23] : memref<1x384xf32, #tpu.memory_space<vmem>>, vector<1x384xf32>
    %add3A_25 = vector.broadcast %get3A_24 : vector<1x384xf32> to vector<1000x384xf32>
    %add3A_26 = arith.addf %dot_general3A_21, %add3A_25 : vector<1000x384xf32>
    %get3A_27 = arith.constant 0 : index
    %get3A_28 = arith.constant 0 : index
    %get3A_29 = vector.load %arg3[%get3A_27, %get3A_28] : memref<1000x128xf32, #tpu.memory_space<vmem>>, vector<1000x128xf32>
    %slice3A = vector.extract_strided_slice %add3A_13 {offsets = [0, 0], sizes = [1000, 128], strides = [1, 1]} : vector<1000x384xf32> to vector<1000x128xf32>
    %slice3A_30 = vector.extract_strided_slice %add3A_26 {offsets = [0, 0], sizes = [1000, 128], strides = [1, 1]} : vector<1000x384xf32> to vector<1000x128xf32>
    %add3A_31 = arith.addf %slice3A, %slice3A_30 : vector<1000x128xf32>
    %neg3A = arith.constant 0.000000e+00 : f32
    %neg3A_32 = vector.broadcast %neg3A : f32 to vector<1000x128xf32>
    %neg3A_33 = arith.subf %neg3A_32, %add3A_31 : vector<1000x128xf32>
    %exp3A = math.exp %neg3A_33 : vector<1000x128xf32>
    %add3A_34 = arith.constant 1.000000e+00 : f32
    %add3A_35 = vector.broadcast %add3A_34 : f32 to vector<1000x128xf32>
    %add3A_36 = arith.addf %add3A_35, %exp3A : vector<1000x128xf32>
    %div3A = arith.constant 1.000000e+00 : f32
    %div3A_37 = vector.broadcast %div3A : f32 to vector<1000x128xf32>
    %div3A_38 = arith.divf %div3A_37, %add3A_36 : vector<1000x128xf32>
    %slice3A_39 = vector.extract_strided_slice %add3A_13 {offsets = [0, 128], sizes = [1000, 128], strides = [1, 1]} : vector<1000x384xf32> to vector<1000x128xf32>
    %slice3A_40 = vector.extract_strided_slice %add3A_26 {offsets = [0, 128], sizes = [1000, 128], strides = [1, 1]} : vector<1000x384xf32> to vector<1000x128xf32>
    %add3A_41 = arith.addf %slice3A_39, %slice3A_40 : vector<1000x128xf32>
    %neg3A_42 = arith.constant 0.000000e+00 : f32
    %neg3A_43 = vector.broadcast %neg3A_42 : f32 to vector<1000x128xf32>
    %neg3A_44 = arith.subf %neg3A_43, %add3A_41 : vector<1000x128xf32>
    %exp3A_45 = math.exp %neg3A_44 : vector<1000x128xf32>
    %add3A_46 = arith.constant 1.000000e+00 : f32
    %add3A_47 = vector.broadcast %add3A_46 : f32 to vector<1000x128xf32>
    %add3A_48 = arith.addf %add3A_47, %exp3A_45 : vector<1000x128xf32>
    %div3A_49 = arith.constant 1.000000e+00 : f32
    %div3A_50 = vector.broadcast %div3A_49 : f32 to vector<1000x128xf32>
    %div3A_51 = arith.divf %div3A_50, %add3A_48 : vector<1000x128xf32>
    %slice3A_52 = vector.extract_strided_slice %add3A_13 {offsets = [0, 256], sizes = [1000, 128], strides = [1, 1]} : vector<1000x384xf32> to vector<1000x128xf32>
    %slice3A_53 = vector.extract_strided_slice %add3A_26 {offsets = [0, 256], sizes = [1000, 128], strides = [1, 1]} : vector<1000x384xf32> to vector<1000x128xf32>
    %mul3A = arith.mulf %div3A_38, %slice3A_53 : vector<1000x128xf32>
    %add3A_54 = arith.addf %slice3A_52, %mul3A : vector<1000x128xf32>
    %tanh3A = math.tanh %add3A_54 : vector<1000x128xf32>
    %sub3A = arith.constant 1.000000e+00 : f32
    %sub3A_55 = vector.broadcast %sub3A : f32 to vector<1000x128xf32>
    %sub3A_56 = arith.subf %sub3A_55, %div3A_51 : vector<1000x128xf32>
    %mul3A_57 = arith.mulf %sub3A_56, %tanh3A : vector<1000x128xf32>
    %mul3A_58 = arith.mulf %div3A_51, %get3A_29 : vector<1000x128xf32>
    %add3A_59 = arith.addf %mul3A_57, %mul3A_58 : vector<1000x128xf32>
    %swap3A = arith.constant 0 : index
    %swap3A_60 = arith.constant 0 : index
    %swap3A_61 = vector.load %arg9[%swap3A, %swap3A_60] : memref<1000x128xf32, #tpu.memory_space<vmem>>, vector<1000x128xf32>
    tpu.vector_store %arg9[%swap3A, %swap3A_60], %add3A_59 {strides = array<i32>} : memref<1000x128xf32, #tpu.memory_space<vmem>>, vector<1000x128xf32>,
    %get3A_62 = arith.constant 0 : index
    %get3A_63 = arith.constant 0 : index
    %get3A_64 = vector.load %arg8[%get3A_62, %get3A_63] : memref<128x128xf32, #tpu.memory_space<vmem>>, vector<128x128xf32>
    %dot_general3A_65 = arith.constant dense<0.000000e+00> : vector<1000x128xf32>
    %dot_general3A_66 = tpu.matmul %add3A_59, %get3A_64, %dot_general3A_65 {dimension_numbers = #tpu.dot_dimension_numbers<[1], [0], [0], [1], [0, 0, 1, 1], [], []>, transpose_lhs_hint = false} : vector<1000x128xf32>, vector<128x128xf32>, vector<1000x128xf32> -> vector<1000x128xf32>
    %swap3A_67 = arith.constant 0 : index
    %swap3A_68 = arith.constant 0 : index
    %swap3A_69 = vector.load %arg10[%swap3A_67, %swap3A_68] : memref<1000x128xf32, #tpu.memory_space<vmem>>, vector<1000x128xf32>
    tpu.vector_store %arg10[%swap3A_67, %swap3A_68], %dot_general3A_66 {strides = array<i32>} : memref<1000x128xf32, #tpu.memory_space<vmem>>, vector<1000x128xf32>,
    return
  }
  func.func @transform_0(%arg0: i32) -> (i32, i32) {
    %c0_i32 = arith.constant 0 : i32
    %c0_i32_0 = arith.constant 0 : i32
    return %arg0, %c0_i32 : i32, i32
  }
  func.func @transform_1(%arg0: i32) -> (i32, i32) {
    %c0_i32 = arith.constant 0 : i32
    %c0_i32_0 = arith.constant 0 : i32
    return %arg0, %c0_i32 : i32, i32
  }
  func.func @transform_2(%arg0: i32) -> (i32, i32) {
    %c0_i32 = arith.constant 0 : i32
    %c0_i32_0 = arith.constant 0 : i32
    return %arg0, %c0_i32 : i32, i32
  }
  func.func @transform_3(%arg0: i32) -> (i32, i32) {
    %c0_i32 = arith.constant 0 : i32
    %c0_i32_0 = arith.constant 0 : i32
    %c0_i32_1 = arith.constant 0 : i32
    return %c0_i32, %c0_i32_0 : i32, i32
  }
  func.func @transform_4(%arg0: i32) -> (i32, i32) {
    %c0_i32 = arith.constant 0 : i32
    %c0_i32_0 = arith.constant 0 : i32
    %c0_i32_1 = arith.constant 0 : i32
    return %c0_i32, %c0_i32_0 : i32, i32
  }
  func.func @transform_5(%arg0: i32) -> (i32, i32) {
    %c0_i32 = arith.constant 0 : i32
    %c0_i32_0 = arith.constant 0 : i32
    %c0_i32_1 = arith.constant 0 : i32
    return %c0_i32, %c0_i32_0 : i32, i32
  }
  func.func @transform_6(%arg0: i32) -> (i32, i32) {
    %c0_i32 = arith.constant 0 : i32
    %c0_i32_0 = arith.constant 0 : i32
    %c0_i32_1 = arith.constant 0 : i32
    return %c0_i32, %c0_i32_0 : i32, i32
  }
  func.func @transform_7(%arg0: i32) -> (i32, i32) {
    %c0_i32 = arith.constant 0 : i32
    %c0_i32_0 = arith.constant 0 : i32
    %c0_i32_1 = arith.constant 0 : i32
    return %c0_i32, %c0_i32_0 : i32, i32
  }
  func.func @transform_8(%arg0: i32) -> (i32, i32) {
    %c0_i32 = arith.constant 0 : i32
    %c0_i32_0 = arith.constant 0 : i32
    return %arg0, %c0_i32 : i32, i32
  }
  func.func @transform_9(%arg0: i32) -> (i32, i32) {
    %c0_i32 = arith.constant 0 : i32
    %c0_i32_0 = arith.constant 0 : i32
    return %arg0, %c0_i32 : i32, i32
  }
}

module attributes {stable_mosaic.version = 14 : i64} {
  func.func @_final_body(%arg0: i32, %arg1: memref<1000x128xf32, #tpu.memory_space<vmem>>, %arg2: memref<1000x128xf32, #tpu.memory_space<vmem>>, %arg3: memref<1000x128xf32, #tpu.memory_space<vmem>>, %arg4: memref<1000x128xf32, #tpu.memory_space<vmem>>, %arg5: memref<128x384xf32, #tpu.memory_space<vmem>>, %arg6: memref<128x384xf32, #tpu.memory_space<vmem>>, %arg7: memref<1x384xf32, #tpu.memory_space<vmem>>, %arg8: memref<1x384xf32, #tpu.memory_space<vmem>>, %arg9: memref<256x1xf32, #tpu.memory_space<vmem>>, %arg10: memref<1x1xf32, #tpu.memory_space<vmem>>, %arg11: memref<1x1x1000xi32, #tpu.memory_space<vmem>>, %arg12: memref<64x1xf32, #tpu.memory_space<vmem>>) attributes {dimension_semantics = [#tpu.dimension_semantics<arbitrary>], iteration_bounds = array<i64: 10>, scalar_prefetch = 0 : i64, scratch_operands = 0 : i64, tpu.core_type = #tpu.core_type<tc>, window_params = [{transform_indices = @transform_0, window_bounds = array<i64: 1000, 128>}, {transform_indices = @transform_1, window_bounds = array<i64: 1000, 128>}, {transform_indices = @transform_2, window_bounds = array<i64: 1000, 128>}, {transform_indices = @transform_3, window_bounds = array<i64: 1000, 128>}, {pipeline_mode = #tpu.pipeline_mode<synchronous>, transform_indices = @transform_4, window_bounds = array<i64: 128, 384>}, {pipeline_mode = #tpu.pipeline_mode<synchronous>, transform_indices = @transform_5, window_bounds = array<i64: 128, 384>}, {pipeline_mode = #tpu.pipeline_mode<synchronous>, transform_indices = @transform_6, window_bounds = array<i64: 1, 384>}, {pipeline_mode = #tpu.pipeline_mode<synchronous>, transform_indices = @transform_7, window_bounds = array<i64: 1, 384>}, {pipeline_mode = #tpu.pipeline_mode<synchronous>, transform_indices = @transform_8, window_bounds = array<i64: 256, 1>}, {pipeline_mode = #tpu.pipeline_mode<synchronous>, transform_indices = @transform_9, window_bounds = array<i64: 1, 1>}, {transform_indices = @transform_10, window_bounds = array<i64: 1, 1, 1000>}, {pipeline_mode = #tpu.pipeline_mode<synchronous>, transform_indices = @transform_11, window_bounds = array<i64: 64, 1>}]} {
    %get3A = arith.constant 0 : index
    %get3A_0 = arith.constant 0 : index
    %get3A_1 = vector.load %arg1[%get3A, %get3A_0] : memref<1000x128xf32, #tpu.memory_space<vmem>>, vector<1000x128xf32>
    %get3A_2 = arith.constant 0 : index
    %get3A_3 = arith.constant 0 : index
    %get3A_4 = vector.load %arg2[%get3A_2, %get3A_3] : memref<1000x128xf32, #tpu.memory_space<vmem>>, vector<1000x128xf32>
    %add3A = arith.addf %get3A_1, %get3A_4 : vector<1000x128xf32>
    %get3A_5 = arith.constant 0 : index
    %get3A_6 = arith.constant 0 : index
    %get3A_7 = vector.load %arg5[%get3A_5, %get3A_6] : memref<128x384xf32, #tpu.memory_space<vmem>>, vector<128x384xf32>
    %dot_general3A = arith.constant dense<0.000000e+00> : vector<1000x384xf32>
    %dot_general3A_8 = tpu.matmul %add3A, %get3A_7, %dot_general3A {dimension_numbers = #tpu.dot_dimension_numbers<[1], [0], [0], [1], [0, 0, 1, 1], [], []>, transpose_lhs_hint = false} : vector<1000x128xf32>, vector<128x384xf32>, vector<1000x384xf32> -> vector<1000x384xf32>
    %get3A_9 = arith.constant 0 : index
    %get3A_10 = arith.constant 0 : index
    %get3A_11 = vector.load %arg7[%get3A_9, %get3A_10] : memref<1x384xf32, #tpu.memory_space<vmem>>, vector<1x384xf32>
    %add3A_12 = vector.broadcast %get3A_11 : vector<1x384xf32> to vector<1000x384xf32>
    %add3A_13 = arith.addf %dot_general3A_8, %add3A_12 : vector<1000x384xf32>
    %get3A_14 = arith.constant 0 : index
    %get3A_15 = arith.constant 0 : index
    %get3A_16 = vector.load %arg3[%get3A_14, %get3A_15] : memref<1000x128xf32, #tpu.memory_space<vmem>>, vector<1000x128xf32>
    %get3A_17 = arith.constant 0 : index
    %get3A_18 = arith.constant 0 : index
    %get3A_19 = vector.load %arg6[%get3A_17, %get3A_18] : memref<128x384xf32, #tpu.memory_space<vmem>>, vector<128x384xf32>
    %dot_general3A_20 = arith.constant dense<0.000000e+00> : vector<1000x384xf32>
    %dot_general3A_21 = tpu.matmul %get3A_16, %get3A_19, %dot_general3A_20 {dimension_numbers = #tpu.dot_dimension_numbers<[1], [0], [0], [1], [0, 0, 1, 1], [], []>, transpose_lhs_hint = false} : vector<1000x128xf32>, vector<128x384xf32>, vector<1000x384xf32> -> vector<1000x384xf32>
    %get3A_22 = arith.constant 0 : index
    %get3A_23 = arith.constant 0 : index
    %get3A_24 = vector.load %arg8[%get3A_22, %get3A_23] : memref<1x384xf32, #tpu.memory_space<vmem>>, vector<1x384xf32>
    %add3A_25 = vector.broadcast %get3A_24 : vector<1x384xf32> to vector<1000x384xf32>
    %add3A_26 = arith.addf %dot_general3A_21, %add3A_25 : vector<1000x384xf32>
    %get3A_27 = arith.constant 0 : index
    %get3A_28 = arith.constant 0 : index
    %get3A_29 = vector.load %arg3[%get3A_27, %get3A_28] : memref<1000x128xf32, #tpu.memory_space<vmem>>, vector<1000x128xf32>
    %slice3A = vector.extract_strided_slice %add3A_13 {offsets = [0, 0], sizes = [1000, 128], strides = [1, 1]} : vector<1000x384xf32> to vector<1000x128xf32>
    %slice3A_30 = vector.extract_strided_slice %add3A_26 {offsets = [0, 0], sizes = [1000, 128], strides = [1, 1]} : vector<1000x384xf32> to vector<1000x128xf32>
    %add3A_31 = arith.addf %slice3A, %slice3A_30 : vector<1000x128xf32>
    %neg3A = arith.constant 0.000000e+00 : f32
    %neg3A_32 = vector.broadcast %neg3A : f32 to vector<1000x128xf32>
    %neg3A_33 = arith.subf %neg3A_32, %add3A_31 : vector<1000x128xf32>
    %exp3A = math.exp %neg3A_33 : vector<1000x128xf32>
    %add3A_34 = arith.constant 1.000000e+00 : f32
    %add3A_35 = vector.broadcast %add3A_34 : f32 to vector<1000x128xf32>
    %add3A_36 = arith.addf %add3A_35, %exp3A : vector<1000x128xf32>
    %div3A = arith.constant 1.000000e+00 : f32
    %div3A_37 = vector.broadcast %div3A : f32 to vector<1000x128xf32>
    %div3A_38 = arith.divf %div3A_37, %add3A_36 : vector<1000x128xf32>
    %slice3A_39 = vector.extract_strided_slice %add3A_13 {offsets = [0, 128], sizes = [1000, 128], strides = [1, 1]} : vector<1000x384xf32> to vector<1000x128xf32>
    %slice3A_40 = vector.extract_strided_slice %add3A_26 {offsets = [0, 128], sizes = [1000, 128], strides = [1, 1]} : vector<1000x384xf32> to vector<1000x128xf32>
    %add3A_41 = arith.addf %slice3A_39, %slice3A_40 : vector<1000x128xf32>
    %neg3A_42 = arith.constant 0.000000e+00 : f32
    %neg3A_43 = vector.broadcast %neg3A_42 : f32 to vector<1000x128xf32>
    %neg3A_44 = arith.subf %neg3A_43, %add3A_41 : vector<1000x128xf32>
    %exp3A_45 = math.exp %neg3A_44 : vector<1000x128xf32>
    %add3A_46 = arith.constant 1.000000e+00 : f32
    %add3A_47 = vector.broadcast %add3A_46 : f32 to vector<1000x128xf32>
    %add3A_48 = arith.addf %add3A_47, %exp3A_45 : vector<1000x128xf32>
    %div3A_49 = arith.constant 1.000000e+00 : f32
    %div3A_50 = vector.broadcast %div3A_49 : f32 to vector<1000x128xf32>
    %div3A_51 = arith.divf %div3A_50, %add3A_48 : vector<1000x128xf32>
    %slice3A_52 = vector.extract_strided_slice %add3A_13 {offsets = [0, 256], sizes = [1000, 128], strides = [1, 1]} : vector<1000x384xf32> to vector<1000x128xf32>
    %slice3A_53 = vector.extract_strided_slice %add3A_26 {offsets = [0, 256], sizes = [1000, 128], strides = [1, 1]} : vector<1000x384xf32> to vector<1000x128xf32>
    %mul3A = arith.mulf %div3A_38, %slice3A_53 : vector<1000x128xf32>
    %add3A_54 = arith.addf %slice3A_52, %mul3A : vector<1000x128xf32>
    %tanh3A = math.tanh %add3A_54 : vector<1000x128xf32>
    %sub3A = arith.constant 1.000000e+00 : f32
    %sub3A_55 = vector.broadcast %sub3A : f32 to vector<1000x128xf32>
    %sub3A_56 = arith.subf %sub3A_55, %div3A_51 : vector<1000x128xf32>
    %mul3A_57 = arith.mulf %sub3A_56, %tanh3A : vector<1000x128xf32>
    %mul3A_58 = arith.mulf %div3A_51, %get3A_29 : vector<1000x128xf32>
    %add3A_59 = arith.addf %mul3A_57, %mul3A_58 : vector<1000x128xf32>
    %get3A_60 = arith.constant 0 : index
    %get3A_61 = arith.constant 0 : index
    %get3A_62 = vector.load %arg4[%get3A_60, %get3A_61] : memref<1000x128xf32, #tpu.memory_space<vmem>>, vector<1000x128xf32>
    %concatenate3A = tpu.concatenate %get3A_62, %add3A_59 in 1 : vector<1000x128xf32>, vector<1000x128xf32> -> vector<1000x256xf32>
    %get3A_63 = arith.constant 0 : index
    %get3A_64 = arith.constant 0 : index
    %get3A_65 = vector.load %arg9[%get3A_63, %get3A_64] : memref<256x1xf32, #tpu.memory_space<vmem>>, vector<256x1xf32>
    %dot_general3A_66 = arith.constant dense<0.000000e+00> : vector<1000x1xf32>
    %dot_general3A_67 = tpu.matmul %concatenate3A, %get3A_65, %dot_general3A_66 {dimension_numbers = #tpu.dot_dimension_numbers<[1], [0], [0], [1], [0, 0, 1, 1], [], []>, transpose_lhs_hint = false} : vector<1000x256xf32>, vector<256x1xf32>, vector<1000x1xf32> -> vector<1000x1xf32>
    %get3A_68 = arith.constant 0 : index
    %get3A_69 = arith.constant 0 : index
    %get3A_70 = vector.load %arg10[%get3A_68, %get3A_69] : memref<1x1xf32, #tpu.memory_space<vmem>>, vector<1x1xf32>
    %add3A_71 = vector.broadcast %get3A_70 : vector<1x1xf32> to vector<1000x1xf32>
    %add3A_72 = arith.addf %dot_general3A_67, %add3A_71 : vector<1000x1xf32>
    %get3A_73 = arith.constant 0 : index
    %get3A_74 = arith.constant 0 : index
    %get3A_75 = arith.constant 0 : index
    %get3A_76 = vector.load %arg11[%get3A_73, %get3A_74, %get3A_75] : memref<1x1x1000xi32, #tpu.memory_space<vmem>>, vector<1x1x1000xi32>
    %get3A_77 = vector.shape_cast %get3A_76 : vector<1x1x1000xi32> to vector<1x1000xi32>
    %iota3A = tpu.iota {dimensions = array<i32: 0>} : vector<64x1000xi32>
    %eq3A = vector.broadcast %get3A_77 : vector<1x1000xi32> to vector<64x1000xi32>
    %eq3A_78 = arith.cmpi eq, %iota3A, %eq3A : vector<64x1000xi32>
    %convert_element_type3A = arith.extui %eq3A_78 : vector<64x1000xi1> to vector<64x1000xi32>
    %convert_element_type3A_79 = arith.sitofp %convert_element_type3A : vector<64x1000xi32> to vector<64x1000xf32>
    %dot_general3A_80 = arith.constant dense<0.000000e+00> : vector<64x1xf32>
    %dot_general3A_81 = tpu.matmul %convert_element_type3A_79, %add3A_72, %dot_general3A_80 {dimension_numbers = #tpu.dot_dimension_numbers<[1], [0], [0], [1], [0, 0, 1, 1], [], []>, precision = #tpu.contract_precision<fp32>, transpose_lhs_hint = false} : vector<64x1000xf32>, vector<1000x1xf32>, vector<64x1xf32> -> vector<64x1xf32>
    %eq3A_82 = arith.constant 0 : i32
    %eq3A_83 = arith.cmpi eq, %arg0, %eq3A_82 : i32
    %convert_element_type3A_84 = arith.extui %eq3A_83 : i1 to i32
    %cond3A = arith.constant 0 : i32
    %cond3A_85 = arith.cmpi ne, %convert_element_type3A_84, %cond3A : i32
    scf.if %cond3A_85 {
      %broadcast_in_dim3A = arith.constant 0.000000e+00 : f32
      %broadcast_in_dim3A_97 = vector.broadcast %broadcast_in_dim3A : f32 to vector<64x1xf32>
      %swap3A_98 = arith.constant 0 : index
      %swap3A_99 = arith.constant 0 : index
      %swap3A_100 = vector.load %arg12[%swap3A_98, %swap3A_99] : memref<64x1xf32, #tpu.memory_space<vmem>>, vector<64x1xf32>
      tpu.vector_store %arg12[%swap3A_98, %swap3A_99], %broadcast_in_dim3A_97 {strides = array<i32>} : memref<64x1xf32, #tpu.memory_space<vmem>>, vector<64x1xf32>,
    } else {
    }
    %get3A_86 = arith.constant 0 : index
    %get3A_87 = arith.constant 0 : index
    %get3A_88 = vector.load %arg12[%get3A_86, %get3A_87] : memref<64x1xf32, #tpu.memory_space<vmem>>, vector<64x1xf32>
    %add3A_89 = arith.addf %get3A_88, %dot_general3A_81 : vector<64x1xf32>
    %swap3A = arith.constant 0 : index
    %swap3A_90 = arith.constant 0 : index
    %swap3A_91 = vector.load %arg12[%swap3A, %swap3A_90] : memref<64x1xf32, #tpu.memory_space<vmem>>, vector<64x1xf32>
    tpu.vector_store %arg12[%swap3A, %swap3A_90], %add3A_89 {strides = array<i32>} : memref<64x1xf32, #tpu.memory_space<vmem>>, vector<64x1xf32>,
    %eq3A_92 = arith.constant 9 : i32
    %eq3A_93 = arith.cmpi eq, %arg0, %eq3A_92 : i32
    %convert_element_type3A_94 = arith.extui %eq3A_93 : i1 to i32
    %cond3A_95 = arith.constant 0 : i32
    %cond3A_96 = arith.cmpi ne, %convert_element_type3A_94, %cond3A_95 : i32
    scf.if %cond3A_96 {
      %get3A_97 = arith.constant 0 : index
      %get3A_98 = arith.constant 0 : index
      %get3A_99 = vector.load %arg12[%get3A_97, %get3A_98] : memref<64x1xf32, #tpu.memory_space<vmem>>, vector<64x1xf32>
      %neg3A_100 = arith.constant 0.000000e+00 : f32
      %neg3A_101 = vector.broadcast %neg3A_100 : f32 to vector<64x1xf32>
      %neg3A_102 = arith.subf %neg3A_101, %get3A_99 : vector<64x1xf32>
      %exp3A_103 = math.exp %neg3A_102 : vector<64x1xf32>
      %add3A_104 = arith.constant 1.000000e+00 : f32
      %add3A_105 = vector.broadcast %add3A_104 : f32 to vector<64x1xf32>
      %add3A_106 = arith.addf %add3A_105, %exp3A_103 : vector<64x1xf32>
      %div3A_107 = arith.constant 1.000000e+00 : f32
      %div3A_108 = vector.broadcast %div3A_107 : f32 to vector<64x1xf32>
      %div3A_109 = arith.divf %div3A_108, %add3A_106 : vector<64x1xf32>
      %swap3A_110 = arith.constant 0 : index
      %swap3A_111 = arith.constant 0 : index
      %swap3A_112 = vector.load %arg12[%swap3A_110, %swap3A_111] : memref<64x1xf32, #tpu.memory_space<vmem>>, vector<64x1xf32>
      tpu.vector_store %arg12[%swap3A_110, %swap3A_111], %div3A_109 {strides = array<i32>} : memref<64x1xf32, #tpu.memory_space<vmem>>, vector<64x1xf32>,
    } else {
    }
    return
  }
  func.func @transform_0(%arg0: i32) -> (i32, i32) {
    %c0_i32 = arith.constant 0 : i32
    %c0_i32_0 = arith.constant 0 : i32
    return %arg0, %c0_i32 : i32, i32
  }
  func.func @transform_1(%arg0: i32) -> (i32, i32) {
    %c0_i32 = arith.constant 0 : i32
    %c0_i32_0 = arith.constant 0 : i32
    return %arg0, %c0_i32 : i32, i32
  }
  func.func @transform_2(%arg0: i32) -> (i32, i32) {
    %c0_i32 = arith.constant 0 : i32
    %c0_i32_0 = arith.constant 0 : i32
    return %arg0, %c0_i32 : i32, i32
  }
  func.func @transform_3(%arg0: i32) -> (i32, i32) {
    %c0_i32 = arith.constant 0 : i32
    %c0_i32_0 = arith.constant 0 : i32
    return %arg0, %c0_i32 : i32, i32
  }
  func.func @transform_4(%arg0: i32) -> (i32, i32) {
    %c0_i32 = arith.constant 0 : i32
    %c0_i32_0 = arith.constant 0 : i32
    %c0_i32_1 = arith.constant 0 : i32
    return %c0_i32, %c0_i32_0 : i32, i32
  }
  func.func @transform_5(%arg0: i32) -> (i32, i32) {
    %c0_i32 = arith.constant 0 : i32
    %c0_i32_0 = arith.constant 0 : i32
    %c0_i32_1 = arith.constant 0 : i32
    return %c0_i32, %c0_i32_0 : i32, i32
  }
  func.func @transform_6(%arg0: i32) -> (i32, i32) {
    %c0_i32 = arith.constant 0 : i32
    %c0_i32_0 = arith.constant 0 : i32
    %c0_i32_1 = arith.constant 0 : i32
    return %c0_i32, %c0_i32_0 : i32, i32
  }
  func.func @transform_7(%arg0: i32) -> (i32, i32) {
    %c0_i32 = arith.constant 0 : i32
    %c0_i32_0 = arith.constant 0 : i32
    %c0_i32_1 = arith.constant 0 : i32
    return %c0_i32, %c0_i32_0 : i32, i32
  }
  func.func @transform_8(%arg0: i32) -> (i32, i32) {
    %c0_i32 = arith.constant 0 : i32
    %c0_i32_0 = arith.constant 0 : i32
    %c0_i32_1 = arith.constant 0 : i32
    return %c0_i32, %c0_i32_0 : i32, i32
  }
  func.func @transform_9(%arg0: i32) -> (i32, i32) {
    %c0_i32 = arith.constant 0 : i32
    %c0_i32_0 = arith.constant 0 : i32
    %c0_i32_1 = arith.constant 0 : i32
    return %c0_i32, %c0_i32_0 : i32, i32
  }
  func.func @transform_10(%arg0: i32) -> (i32, i32, i32) {
    %c0_i32 = arith.constant 0 : i32
    %c0_i32_0 = arith.constant 0 : i32
    %c0_i32_1 = arith.constant 0 : i32
    return %arg0, %c0_i32, %c0_i32_0 : i32, i32, i32
  }
  func.func @transform_11(%arg0: i32) -> (i32, i32) {
    %c0_i32 = arith.constant 0 : i32
    %c0_i32_0 = arith.constant 0 : i32
    %c0_i32_1 = arith.constant 0 : i32
    return %c0_i32, %c0_i32_0 : i32, i32
  }
}

</mosaic_0001>

<sc_bundles>
// kernel: kernel.12.cloned.1.call-start
scs
__scs_entry_jumppad:
0x0: {  	(pc) =	sbr.rel $0x88, $3  }
0x1: {  	(tag) =	ssettag $0x0;
	lr =	simm.s32 $0x1  }
0x2: {  	[smem:$0x3F97] =	sst lr;
	_ =	strace $0xD0000000  }
0x3: {  	_ = 	snop  }
0x4: {  	_ = 	snop  }
0x5: {  	_ = 	snop  }
0x6: {  	_ = 	snop  }
0x7: {  	_ = 	snop  }
__scs_overlays_trampoline_lowered:
0x8: {  	[smem:$0x3FA6] =	sst s0  }
0x9: {  	[smem:$0x3FA7] =	sst s1  }
0xa: {  	[smem:$0x3FA8] =	sst s2  }
0xb: {  	[smem:$0x3FA9] =	sst s3  }
0xc: {  	[smem:$0x3FAA] =	sst s4  }
0xd: {  	[smem:$0x3FAB] =	sst s5  }
0xe: {  	[smem:$0x3FAC] =	sst s6  }
0xf: {  	[smem:$0x3FAD] =	sst s7  }
0x10: {  	[smem:$0x3FAE] =	sst s8  }
0x11: {  	[smem:$0x3FAF] =	sst s9;
	s0 =	simm.s32 @!p0 $0x0  }
0x12: {  	s1 =	sld [smem:$0x3F95];
	s0 =	simm.s32 @p0 $0x1  }
0x13: {  	[smem:$0x3FB0] =	sst s0;
	s0 =	simm.s32 @!p1 $0x0  }
0x14: {  	s2 =	sld [smem:$0x3F94];
	s0 =	simm.s32 @p1 $0x1  }
0x15: {  	[smem:$0x3FB1] =	sst s0;
	s0 =	simm.s32 @!p2 $0x0  }
0x16: {  	s3 =	sld [smem:$0x3FDB];
	s0 =	simm.s32 @p2 $0x1  }
0x17: {  	s4 =	simm.s32 $0x1BF5;
	[smem:$0x3FB3] =	sst s0  }
0x18: {  	s0 =	sld [smem:$0x3F96];
	_ =	swait.ge [sflag:s4], $0x0  }
0x19: {  	s7 =	sld [smem:$0x3F97]  }
0x1a: {  	s8 =	sadd.s32 $0xFFFFE003, lr  }
0x1b: {  	s9 =	sadd.s32 $0xFFFFFEF7, lr;
	s5 =	simm.s32 $0xFFFFFFFF;
	p2 =	slt.u32 s8, $0xFFFFF086  }
0x1c: {  	p1 =	slt.u32 s9, $0xF7A;
	s5 =	simm.s32 @!p2 $0x0  }
0x1d: {  	s5 =	simm.s32 @p1 $0x1;
	p0 =	seq.s32 s7, s2  }
0x1e: {  	s7 =	smul.u32 @!p0 $0xF7A, s2;
	p2 =	seq.s32 @!p0 s5, $0x0  }
0x1f: {  	s9 =	smul.u32 $0xF7A, s1;
	s8 =	simm.s32 @!p0 $0x1BF5;
	p2 =	por !p2, p0  }
0x20: {  	[sflag:s8] =	ssyncset.s32 @!p0 $0xFFFFF086;
	s6 =	sadd.s32 @!p0 s3, s7;
	s7 =	simm.s32 @!p0 $0x108  }
0x21: {  	s3 =	sadd.s32 s3, s9;
	s6 =	sadd.s32 @!p0 $0x88, s6;
	s7 =	simm.s32 @p2 $0x1082  }
0x22: {  	[simem:s7], [sflag:s8] =	dma.local @!p0 [hbm:s6], $0xF7A  }
0x23: {  	s9 =	sor.u32 $0xD0000000, s2;
	s6 =	simm.s32 $0x108;
	_ =	swait.ge @!p0 [sflag:s8], $0x0  }
0x24: {  	s3 =	sadd.s32 $0x88, s3;
	s6 =	simm.s32 @!p1 $0x1082;
	[sflag:s4] =	ssyncset.s32 $0xFFFFF086  }
0x25: {  	[simem:s6], [sflag:s4] =	dma.local [hbm:s3], $0xF7A  }
0x26: {  	[smem:$0x3F97] =	sst s1;
	(tag) =	ssettag s2;
	_ =	strace s9  }
0x27: {  	s1 =	sld [smem:$0x3FA7]  }
0x28: {  	s2 =	sld [smem:$0x3FA8]  }
0x29: {  	s4 =	sld [smem:$0x3FAA]  }
0x2a: {  	p0 =	seq.s32 s5, $0x0;
	s5 =	sld [smem:$0x3FAB]  }
0x2b: {  	s6 =	sld [smem:$0x3FAC]  }
0x2c: {  	s7 =	sld [smem:$0x3FAD]  }
0x2d: {  	s3 =	simm.s32 $0x108;
	s8 =	sld [smem:$0x3FAE]  }
0x2e: {  	s3 =	simm.s32 @!p0 $0x1082;
	s9 =	sld [smem:$0x3FAF]  }
0x2f: {  	lr =	sadd.s32 s0, s3;
	s0 =	sld [smem:$0x3FA6]  }
0x30: {  	s3 =	sld [smem:$0x3FA9]  }
0x31: {  	[smem:$0x3FB2] =	sst s10  }
0x32: {  	s10 =	sld [smem:$0x3FB0];
	_ =	sdelay $0x3  }
0x33: {  	p0 =	seq.s32 s10, $0x1;
	s10 =	sld [smem:$0x3FB2];
	_ =	sdelay $0x3  }
0x34: {  	[smem:$0x3FB2] =	sst s10  }
0x35: {  	s10 =	sld [smem:$0x3FB1];
	_ =	sdelay $0x3  }
0x36: {  	p1 =	seq.s32 s10, $0x1;
	s10 =	sld [smem:$0x3FB2];
	_ =	sdelay $0x3  }
0x37: {  	[smem:$0x3FB2] =	sst s10  }
0x38: {  	s10 =	sld [smem:$0x3FB3]  }
0x39: {  	_ = 	snop;
	(pc) =	sbr.ind lr, $3  }
0x3a: {  	_ = 	snop  }
0x3b: {  	_ = 	snop  }
0x3c: {  	p2 =	seq.s32 s10, $0x1;
	s10 =	sld [smem:$0x3FB2]  }
0x3d: {  	_ =	shalt  }
0x3e: {  	_ =	shalt  }
0x3f: {  	_ =	shalt  }
0x40: {  	_ =	shalt  }
0x41: {  	_ =	shalt  }
0x42: {  	_ =	shalt  }
0x43: {  	_ =	shalt  }
0x44: {  	_ =	shalt  }
0x45: {  	_ =	shalt  }
0x46: {  	_ =	shalt  }
0x47: {  	_ =	shalt  }
0x48: {  	_ =	shalt  }
0x49: {  	_ =	shalt  }
0x4a: {  	_ =	shalt  }
0x4b: {  	_ =	shalt  }
0x4c: {  	_ =	shalt  }
0x4d: {  	_ =	shalt  }
0x4e: {  	_ =	shalt  }
0x4f: {  	_ =	shalt  }
0x50: {  	_ =	shalt  }
0x51: {  	_ =	shalt  }
0x52: {  	_ =	shalt  }
0x53: {  	_ =	shalt  }
0x54: {  	_ =	shalt  }
0x55: {  	_ =	shalt  }
0x56: {  	_ =	shalt  }
0x57: {  	_ =	shalt  }
0x58: {  	_ =	shalt  }
0x59: {  	_ =	shalt  }
0x5a: {  	_ =	shalt  }
0x5b: {  	_ =	shalt  }
0x5c: {  	_ =	shalt  }
0x5d: {  	_ =	shalt  }
0x5e: {  	_ =	shalt  }
0x5f: {  	_ =	shalt  }
0x60: {  	_ =	shalt  }
0x61: {  	_ =	shalt  }
0x62: {  	_ =	shalt  }
0x63: {  	_ =	shalt  }
0x64: {  	_ =	shalt  }
0x65: {  	_ =	shalt  }
0x66: {  	_ =	shalt  }
0x67: {  	_ =	shalt  }
0x68: {  	_ =	shalt  }
0x69: {  	_ =	shalt  }
0x6a: {  	_ =	shalt  }
0x6b: {  	_ =	shalt  }
0x6c: {  	_ =	shalt  }
0x6d: {  	_ =	shalt  }
0x6e: {  	_ =	shalt  }
0x6f: {  	_ =	shalt  }
0x70: {  	_ =	shalt  }
0x71: {  	_ =	shalt  }
0x72: {  	_ =	shalt  }
0x73: {  	_ =	shalt  }
0x74: {  	_ =	shalt  }
0x75: {  	_ =	shalt  }
0x76: {  	_ =	shalt  }
0x77: {  	_ =	shalt  }
0x78: {  	_ =	shalt  }
0x79: {  	_ =	shalt  }
0x7a: {  	_ =	shalt  }
0x7b: {  	_ =	shalt  }
0x7c: {  	_ =	shalt  }
0x7d: {  	_ =	shalt  }
0x7e: {  	_ =	shalt  }
0x7f: {  	_ =	shalt  }
0x80: {  	_ =	shalt  }
0x81: {  	_ =	shalt  }
0x82: {  	_ =	shalt  }
0x83: {  	_ =	shalt  }
0x84: {  	_ =	shalt  }
0x85: {  	_ =	shalt  }
0x86: {  	_ =	shalt  }
0x87: {  	_ =	shalt  }
.Lfunc_end0:
.L_simem_size_0:
called_computation.1_lowered:
.L_overlay_start_0:
0x88: {  	s2 =	sld [smem:$0x3FD9]  }
0x89: {  	s3 =	sld [smem:$0x3FFE];
	_ =	sdelay $0x1  }
0x8a: {  	s1 =	srdreg.scid  }
0x8b: {  	s0 =	sand.u32 $0x1, s1  }
0x8c: {  	s16 =	sshll.u32 s0, $0xA;
	s2 =	sadd.s32 s3, s2  }
0x8d: {  	s2 =	sadd.s32 s2, s16  }
0x8e: {  	[smem:$0x3FBE] =	sst s2  }
0x8f: {  	_ = 	snop  }
0x90: {  	(tm) =	ssettm $0x1  }
0x91: {  	s17 =	sld [smem:$0x3FFB];
	_ =	sdelay $0x3  }
0x92: {  	_ =	strace s17  }
0x93: {  	s2 =	sld [smem:$0x3FFC];
	_ =	sdelay $0x3  }
0x94: {  	_ =	strace s2  }
0x95: {  	s2 =	sld [smem:$0x3FFD];
	_ =	sdelay $0x3  }
0x96: {  	_ =	strace s2  }
0x97: {  	_ =	strace $0x8FFFFFFF  }
0x98: {  	s18 =	sld [smem:$0x3FDB];
	_ =	sdelay $0x1  }
0x99: {  	s19 =	simm.s32 $_scs_section_size  }
0x9a: {  	s4 =	simm.s32 $_size__tile_overlayer_lowered;
	s5 =	simm.s32 $_tile_overlayer_lowered  }
0x9b: {  	s22 =	simm.s32 $0x1BFF;
	s21 =	sshll.u32 s5, $0x1;
	s2 =	sadd.s32 s19, s18  }
0x9c: {  	s6 =	simm.s32 $0x0;
	s20 =	sshll.u32 s4, $0x1;
	s4 =	sadd.s32 s21, s2  }
0x9d: {  	[timem:s6], [sflag:s22] =	dma.local [hbm:s4], s20  }
0x9e: {  	_ =	swait.ge [sflag:s22], s20  }
0x9f: {  	s3 =	ssub.s32 $0x0, s20;
	[sflag:s22] =	ssyncset.done $0x0  }
0xa0: {  	[sflag:s22] =	ssyncadd.s32 s3;
	_ =	sdelay $0x1  }
0xa1: {  	s23 =	simm.s32 $0x1B8B  }
0xa2: {  	_ =	swait.ge [sflag:s23], $0x1  }
0xa3: {  	[sflag:s23] =	ssyncset.done $0x0  }
0xa4: {  	s25 =	simm.s32 $0x1B8E;
	s24 =	sld [smem:$0x3FFE];
	[sflag:s23] =	ssyncadd.s32 $0xFFFFFFFF  }
0xa5: {  	s26 =	simm.s32 $execute0_lowered;
	[smem:$0x3FD2] =	sst s25  }
0xa6: {  	s4 =	sshll.u32 s26, $0x1;
	_ =	strace $0x80000049;
	[dreg:$0x1] =	wrdreg $0xFFFFFFFF  }
0xa7: {  	s28 =	simm.s32 $_size_execute0_lowered;
	s2 =	sadd.s32 s2, s4;
	[dreg:$0x0] =	wrdreg $0x0  }
0xa8: {  	s4 =	sshll.u32 s28, $0x1;
	[dreg:$0x2] =	wrdreg s2  }
0xa9: {  	[dreg:$0x3] =	wrdreg s4  }
0xaa: {  	[dreg:$0x4] =	wrdreg $0xC0  }
0xab: {  	_ =	task [dreg:s6], $0x5FFFF  }
0xac: {  	[dreg:$0x1] =	wrdreg $0xFFFFFFFF  }
0xad: {  	[dreg:$0x0] =	wrdreg $0x60  }
0xae: {  	[dreg:$0x2] =	wrdreg s24  }
0xaf: {  	[dreg:$0x3] =	wrdreg $0xA8000  }
0xb0: {  	[dreg:$0x4] =	wrdreg $0x9  }
0xb1: {  	_ =	task.clear_ibuf [dreg:s6], $0x5FFFF;
	_ =	strace $0x90000049  }
0xb2: {  	s29 =	simm.s32 $0x9;
	_ =	strace $0x8000004B  }
0xb3: {  	_ =	swait.ge [sflag:s29], $0x1  }
0xb4: {  	[sflag:s29] =	ssyncadd.s32 $0xFFFFFFFF  }
0xb5: {  	_ =	strace $0x9000004B  }
0xb6: {  	_ =	sfence  }
0xb7: {  	s30 =	sld [smem:$0x0];
	_ =	sdelay $0x2  }
0xb8: {  	s31 =	sshll.u32 s1, $0xD;
	s1 =	sshrl.u32 s1, $0x2  }
0xb9: {  	s3 =	sand.u32 $0x4000, s31;
	s1 =	sadd.s32 s1, s30  }
0xba: {  	s0 =	sor.u32 s3, s0;
	s1 =	sshll.u32 s1, $0x11  }
0xbb: {  	s0 =	sor.u32 s1, s0  }
0xbc: {  	s0 =	sadd.s32 $0x8F2B, s0  }
0xbd: {  	[sflag:s0] =	ssyncadd.remote.s32 $0x1  }
0xbe: {  	_ =	sfence.sel $0xFFFF  }
0xbf: {  	[dreg:$0x0] =	wrdreg $0xFFFFFFFF;
	(pc) =	sbr.abs _section_cstart, $3  }
0xc0: {  	[dreg:$0x1] =	wrdreg $0xFFFFFFFF  }
0xc1: {  	_ =	task.clear_ibuf [dreg:s6], $0x2FFFF;
	_ =	strace $0x9FFFFFFF  }
0xc2: {  	(tm) =	ssettm $0x7FFFFFFF  }
0xc3: {  	_ =	shalt  }
tec
execute0_lowered:
.L_overlay_start_1:
0x0: {  	(tag) =	ssettag $0x1  }
0x1: {  	s1 =	srdreg.scid  }
0x2: {  	s1 =	sand.u32 $0x1, s1  }
0x3: {  	p0 =	seq.s32 s1, $0x1  }
.Ltmp0:
0x4: {  	_ = 	snop;
	(pc) =	sbr.rel @p0 .LBB2_10-.Ltmp0, $4  }
0x5: {  	s4 =	rddreg [dreg:$0x0]  }
0x6: {  	s2 =	rddreg [dreg:$0x1];
	s3 =	simm.s32 $0x0  }
0x7: {  	[smem:$0x7FF] =	sst s3  }
0x8: {  	s0 =	rddreg [dreg:$0x2];
	_ =	strace $0x8000004A;
	s1 =	stileid.u32  }
0x9: {  	s7 =	smul.u32 $0x4F000, s1  }
0xa: {  	s3 =	sadd.s32 $0x16C00, s4;
	s8 =	smul.u32 $0x2780, s1  }
0xb: {  	s5 =	sadd.s32 $0xCC00, s4;
	s6 =	sadd.s32 $0x2C00, s4;
	s16 =	simm.s32 $0x200  }
0xc: {  	s7 =	sshrl.u32 s7, $0x2;
	s9 =	sadd.s32 s8, s4;
	s8 =	smul.u32 $0x780, s1  }
0xd: {  	s4 =	sadd.s32 s7, s2;
	s7 =	sadd.s32 $0x65000, s9;
	s9 =	simm.s32 $0x0  }
0xe: {  	s15 =	sadd.s32 $0x4000, s4;
	s14 =	sadd.s32 $0x8000, s4;
	s13 =	sadd.s32 $0xC000, s4  }
0xf: {  	v0 =	vimm.f32 $0.0e+00;
	s10 =	sadd.s32 $0x10000, s4;
	s12 =	sadd.s32 s5, s8;
	s11 =	sadd.s32 s6, s8  }
.LBB2_2:
0x10: {  	p0 =	sne.s32 s16, $0xFE00;
	[tilespmem:s9+$0x2870] =	vst v0  }
0x11: {  	[tilespmem:s9+$0x2800] =	vst v0  }
0x12: {  	[tilespmem:s9+$0x2810] =	vst v0  }
.Ltmp1:
0x13: {  	[tilespmem:s9+$0x2820] =	vst v0;
	(pc) =	sbr.rel @p0 .LBB2_2-.Ltmp1, $4  }
0x14: {  	[tilespmem:s9+$0x2830] =	vst v0  }
0x15: {  	[tilespmem:s9+$0x2840] =	vst v0  }
0x16: {  	[tilespmem:s9+$0x2850] =	vst v0  }
0x17: {  	[tilespmem:s9+$0x2860] =	vst v0;
	s9 =	sshra.s32 s16, $0x2;
	s16 =	sadd.s32 $0x200, s16  }
0x18: {  	[tilespmem:s9+$0x2870] =	vst v0  }
0x19: {  	[tilespmem:s9+$0x2800] =	vst v0  }
0x1a: {  	[tilespmem:s9+$0x2810] =	vst v0  }
0x1b: {  	[tilespmem:s9+$0x2820] =	vst v0  }
0x1c: {  	[tilespmem:s9+$0x2830] =	vst v0  }
0x1d: {  	[tilespmem:s9+$0x2840] =	vst v0  }
0x1e: {  	[tilespmem:s9+$0x2850] =	vst v0  }
0x1f: {  	[tilespmem:s9+$0x2860] =	vst v0;
	s16 =	simm.s32 $0x2800;
	s9 =	simm.s32 $0x3  }
0x20: {  	[spmem:s4] =	stream.linear.scatter [tilespmem:s16], [sflag:$0x3], $0x4000, $0x38;
	[tilespmem:$0x1E400] =	vst v63  }
0x21: {  	_ =	swait.ge [sflag:s9], $0x4000  }
0x22: {  	[sflag:s9] =	ssyncset.done $0x0  }
0x23: {  	[sflag:s9] =	ssyncadd.s32 $0xFFFFC000  }
0x24: {  	[spmem:s15] =	stream.linear.scatter [tilespmem:s16], [sflag:$0x3], $0x4000, $0x38;
	[tilespmem:$0x1E400] =	vst v63  }
0x25: {  	_ =	swait.ge [sflag:s9], $0x4000  }
0x26: {  	[sflag:s9] =	ssyncset.done $0x0  }
0x27: {  	[sflag:s9] =	ssyncadd.s32 $0xFFFFC000  }
0x28: {  	[spmem:s14] =	stream.linear.scatter [tilespmem:s16], [sflag:$0x3], $0x4000, $0x38;
	[tilespmem:$0x1E400] =	vst v63  }
0x29: {  	_ =	swait.ge [sflag:s9], $0x4000  }
0x2a: {  	[sflag:s9] =	ssyncset.done $0x0  }
0x2b: {  	[sflag:s9] =	ssyncadd.s32 $0xFFFFC000  }
0x2c: {  	[spmem:s13] =	stream.linear.scatter [tilespmem:s16], [sflag:$0x3], $0x4000, $0x38;
	[tilespmem:$0x1E400] =	vst v63  }
0x2d: {  	_ =	swait.ge [sflag:s9], $0x4000  }
0x2e: {  	[sflag:s9] =	ssyncset.done $0x0  }
0x2f: {  	[sflag:s9] =	ssyncadd.s32 $0xFFFFC000  }
0x30: {  	[spmem:s10] =	stream.linear.scatter [tilespmem:s16], [sflag:$0x3], $0x3C00, $0x38;
	[tilespmem:$0x1E400] =	vst v63  }
0x31: {  	_ =	swait.ge [sflag:s9], $0x3C00  }
0x32: {  	[sflag:s9] =	ssyncset.done $0x0  }
0x33: {  	s10 =	simm.s32 $0x0;
	[sflag:s9] =	ssyncadd.s32 $0xFFFFC400  }
0x34: {  	[tilespmem:s10], [sflag:$0x3] =	stream.linear.gather [hbm4b:s12+s10], $0x1400, $0x38;
	[tilespmem:$0x1E400] =	vst v63  }
0x35: {  	_ =	swait.ge [sflag:s9], $0x1400  }
0x36: {  	[sflag:s9] =	ssyncset.done $0x0  }
0x37: {  	s31 =	simm.s32 $0x1400;
	[sflag:s9] =	ssyncadd.s32 $0xFFFFEC00  }
0x38: {  	[tilespmem:s31], [sflag:$0x3] =	stream.linear.gather [hbm4b:s11+s10], $0x1400, $0x38;
	[tilespmem:$0x1E400] =	vst v63  }
0x39: {  	_ =	swait.ge [sflag:s9], $0x1400  }
.Ltmp2:
0x3a: {  	[sflag:s9] =	ssyncset.done $0x0;
	(pc) =	sbr.rel .LBB2_4-.Ltmp2, $4  }
0x3b: {  	[sflag:s9] =	ssyncadd.s32 $0xFFFFEC00  }
0x3c: {  	s11 =	simm.s32 $0x80;
	[bflag:$0x0] =	sbarrier.arrive $0xFFFF  }
0x3d: {  	[tilespmem:s16], [sflag:$0x1] =	stream.indirect.gather [hbm4b:s3+s11], $0x80, s10, s11, $0xb8;
	[tilespmem:$0x1E400] =	vst v63  }
0x3e: {  	s16 =	simm.s32 $0x0  }
.LBB2_5:
0x3f: {  	s17 =	sadd.s32 $0x10, s8  }
0x40: {  	s17 =	sand.u32 $0x1FF80, s17  }
0x41: {  	s17 =	sadd.s32 s5, s17  }
0x42: {  	[tilespmem:s10], [sflag:$0x3] =	stream.linear.gather [hbm4b:s17+s10], $0x1400, $0x38;
	[tilespmem:$0x1E400] =	vst v63  }
0x43: {  	_ =	swait.ge [sflag:s9], $0x1400  }
0x44: {  	[sflag:s9] =	ssyncset.done $0x0  }
0x45: {  	[sflag:s9] =	ssyncadd.s32 $0xFFFFEC00  }
.LBB2_7:
0x46: {  	s17 =	smul.u32 $0xCD, s12;
	_ =	sdelay $0x1  }
0x47: {  	s17 =	sshrl.u32 s17, $0xD  }
0x48: {  	s17 =	sand.u32 $0x7, s17  }
0x49: {  	p0 =	seq.s32 s16, $0x0;
	s17 =	smul.u32 $0x28, s17  }
0x4a: {  	s18 =	sand.u32 $0x1, s12;
	s16 =	sand.u32 @!p0 $0xFF, s14  }
0x4b: {  	s19 =	sshll.u32 s18, $0xE;
	p1 =	sne.s32 @!p0 s16, $0x0;
	s17 =	ssub.s32 s12, s17  }
0x4c: {  	s18 =	sadd.s32 $0x1, s18;
	p0 =	por p1, p0;
	s17 =	sand.u32 $0xFF, s17  }
0x4d: {  	s19 =	sor.u32 $0x2800, s19;
	s8 =	sand.u32 @!p0 $0xFF80, s8;
	s17 =	sshll.u32 s17, $0x7  }
0x4e: {  	[tilespmem:s19], [sflag:s18] =	stream.indirect.gather [hbm4b:s3+s11], $0x80, s17, s11, $0xb8;
	[tilespmem:$0x1E400] =	vst v63  }
0x4f: {  	s16 =	simm.s32 @!p0 $0x0;
	s8 =	sadd.s32 @!p0 s6, s8;
	s17 =	simm.s32 @!p0 $0x1400  }
0x50: {  	[tilespmem:s17], [sflag:$0x3] =	stream.linear.gather @!p0 [hbm4b:s8+s16], $0x1400, $0x38;
	[tilespmem:$0x1E400] =	vst v63  }
0x51: {  	s8 =	simm.s32 @!p0 $0x3  }
0x52: {  	_ =	swait.ge @!p0 [sflag:s8], $0x1400  }
0x53: {  	[sflag:s8] =	ssyncset.done @!p0 $0x0  }
0x54: {  	[sflag:s8] =	ssyncadd.s32 @!p0 $0xFFFFEC00  }
.LBB2_8:
0x55: {  	s8 =	sand.u32 $0xFF, s14  }
0x56: {  	s13 =	sshll.u32 s13, $0xE;
	p0 =	sne.s32 s12, $0x78;
	s8 =	sshll.u32 s8, $0x7  }
.Ltmp3:
0x57: {  	s13 =	sor.u32 $0x2800, s13;
	s8 =	sadd.s32 $0x1400, s8;
	(pc) =	sbr.rel @!p0 .LBB2_9-.Ltmp3, $4  }
0x58: {  	[spmem:s2] =	stream.indirect.scatter.add.f32 [tilespmem:s13], [sflag:$0x3], $0x80, s8, s11, $0xb8;
	[tilespmem:$0x1E400] =	vst v63  }
0x59: {  	_ =	swait.ge [sflag:s9], $0x4000  }
0x5a: {  	[sflag:s9] =	ssyncset.done $0x0  }
0x5b: {  	s16 =	smov.u32 s12;
	s8 =	smov.u32 s15;
	[sflag:s9] =	ssyncadd.s32 $0xFFFFC000  }
.LBB2_4:
0x5c: {  	s12 =	smul.u32 $0xCD, s16;
	_ =	sdelay $0x1  }
0x5d: {  	s12 =	sshrl.u32 s12, $0xD  }
0x5e: {  	s12 =	sand.u32 $0x7, s12  }
0x5f: {  	s12 =	smul.u32 $0x28, s12;
	_ =	sdelay $0x1  }
0x60: {  	p0 =	seq.s32 s16, $0x77;
	s14 =	ssub.s32 s16, s12  }
0x61: {  	s15 =	sand.u32 @!p0 $0xFF, s14  }
0x62: {  	p1 =	sne.s32 @!p0 s15, $0x27  }
0x63: {  	p1 =	por p0, p1  }
.Ltmp4:
0x64: {  	s13 =	sand.u32 $0x1, s16;
	(pc) =	sbr.rel @!p1 .LBB2_5-.Ltmp4, $4  }
0x65: {  	s31 =	sadd.s32 $0x1, s13  }
0x66: {  	_ =	swait.ge [sflag:s31], $0x4000  }
0x67: {  	[sflag:s31] =	ssyncset.done $0x0  }
0x68: {  	[sflag:s31] =	ssyncadd.s32 $0xFFFFC000;
	s12 =	sadd.s32 $0x1, s16;
	s15 =	sadd.s32 $0x10, s8  }
.Ltmp5:
0x69: {  	(pc) =	sbr.rel @p0 .LBB2_8-.Ltmp5, $4  }
.Ltmp6:
0x6a: {  	(pc) =	sbr.rel @!p0 .LBB2_7-.Ltmp6, $4  }
0x6b: {  	_ = 	snop  }
0x6c: {  	_ = 	snop  }
0x6d: {  	_ = 	snop  }
0x6e: {  	_ = 	snop  }
.LBB2_9:
0x6f: {  	s2 =	sshll.u32 s1, $0x6;
	[bflag:$0x0] =	sbarrier.arrive $0xFFFF  }
0x70: {  	s3 =	sshrl.u32 s4, $0x3;
	s31 =	simm.s32 $0x3;
	s2 =	sor.u32 $0x1C03, s2  }
0x71: {  	[hbm:s7], [sflag:s2] =	dma.local [spmem:s3], $0x2780  }
0x72: {  	_ =	swait.ge [sflag:s31], $0x2780  }
0x73: {  	[sflag:s31] =	ssyncset.done $0x0  }
0x74: {  	[sflag:s31] =	ssyncadd.s32 $0xFFFFD880  }
.LBB2_10:
0x75: {  	_ =	sfence.sel $0x180000  }
0x76: {  	[bflag:$0x0] =	sbarrier.arrive $0xFFFF  }
0x77: {  	p0 =	sne.s32 s1, $0x0;
	_ =	strace $0x9000004A  }
0x78: {  	s0 =	sadd.s32 @!p0 $0x100000, s0;
	[bflag:$0x2] =	sbarrier.arrive $0xFFFF  }
0x79: {  	[sflag:s0] =	ssyncadd.tile.s32 @!p0 $0x1;
	_ =	shalt  }
.Lfunc_end2:
_tile_overlayer_lowered:
.L_overlay_start_2:
0x7a: {  	(tag) =	ssettag $0x2  }
0x7b: {  	s0 =	rddreg [dreg:$0x0];
	s2 =	stileid.u32  }
0x7c: {  	s1 =	rddreg [dreg:$0x1];
	p0 =	sne.s32 s2, $0x0  }
0x7d: {  	s3 =	rddreg [dreg:$0x2];
	[bflag:$0x3] =	sbarrier.arrive $0xFFFF;
	s2 =	simm.s32 @!p0 $0x1C03  }
0x7e: {  	[timem:s3], [sflag:s2] =	dma.local @!p0 [hbm:s0], s1  }
0x7f: {  	s0 =	simm.s32 @!p0 $0x3  }
0x80: {  	_ =	swait.ge @!p0 [sflag:s0], s1  }
0x81: {  	s1 =	ssub.s32 @!p0 $0x0, s1;
	[sflag:s0] =	ssyncset.done @!p0 $0x0  }
0x82: {  	[sflag:s0] =	ssyncadd.s32 @!p0 s1  }
0x83: {  	[bflag:$0x3] =	sbarrier.arrive $0xFFFF  }
0x84: {  	_ =	shalt  }

// kernel: kernel.15.cloned.1.call-start
scs
__scs_entry_jumppad:
0x0: {  	(pc) =	sbr.rel $0x88, $3  }
0x1: {  	(tag) =	ssettag $0x0;
	lr =	simm.s32 $0x1  }
0x2: {  	[smem:$0x3F97] =	sst lr;
	_ =	strace $0xD0000000  }
0x3: {  	_ = 	snop  }
0x4: {  	_ = 	snop  }
0x5: {  	_ = 	snop  }
0x6: {  	_ = 	snop  }
0x7: {  	_ = 	snop  }
__scs_overlays_trampoline_lowered:
0x8: {  	[smem:$0x3FA6] =	sst s0  }
0x9: {  	[smem:$0x3FA7] =	sst s1  }
0xa: {  	[smem:$0x3FA8] =	sst s2  }
0xb: {  	[smem:$0x3FA9] =	sst s3  }
0xc: {  	[smem:$0x3FAA] =	sst s4  }
0xd: {  	[smem:$0x3FAB] =	sst s5  }
0xe: {  	[smem:$0x3FAC] =	sst s6  }
0xf: {  	[smem:$0x3FAD] =	sst s7  }
0x10: {  	[smem:$0x3FAE] =	sst s8  }
0x11: {  	[smem:$0x3FAF] =	sst s9;
	s0 =	simm.s32 @!p0 $0x0  }
0x12: {  	s1 =	sld [smem:$0x3F95];
	s0 =	simm.s32 @p0 $0x1  }
0x13: {  	[smem:$0x3FB0] =	sst s0;
	s0 =	simm.s32 @!p1 $0x0  }
0x14: {  	s2 =	sld [smem:$0x3F94];
	s0 =	simm.s32 @p1 $0x1  }
0x15: {  	[smem:$0x3FB1] =	sst s0;
	s0 =	simm.s32 @!p2 $0x0  }
0x16: {  	s3 =	sld [smem:$0x3FDB];
	s0 =	simm.s32 @p2 $0x1  }
0x17: {  	s4 =	simm.s32 $0x1BF5;
	[smem:$0x3FB3] =	sst s0  }
0x18: {  	s0 =	sld [smem:$0x3F96];
	_ =	swait.ge [sflag:s4], $0x0  }
0x19: {  	s7 =	sld [smem:$0x3F97]  }
0x1a: {  	s8 =	sadd.s32 $0xFFFFE003, lr  }
0x1b: {  	s9 =	sadd.s32 $0xFFFFFEF7, lr;
	s5 =	simm.s32 $0xFFFFFFFF;
	p2 =	slt.u32 s8, $0xFFFFF086  }
0x1c: {  	p1 =	slt.u32 s9, $0xF7A;
	s5 =	simm.s32 @!p2 $0x0  }
0x1d: {  	s5 =	simm.s32 @p1 $0x1;
	p0 =	seq.s32 s7, s2  }
0x1e: {  	s7 =	smul.u32 @!p0 $0xF7A, s2;
	p2 =	seq.s32 @!p0 s5, $0x0  }
0x1f: {  	s9 =	smul.u32 $0xF7A, s1;
	s8 =	simm.s32 @!p0 $0x1BF5;
	p2 =	por !p2, p0  }
0x20: {  	[sflag:s8] =	ssyncset.s32 @!p0 $0xFFFFF086;
	s6 =	sadd.s32 @!p0 s3, s7;
	s7 =	simm.s32 @!p0 $0x108  }
0x21: {  	s3 =	sadd.s32 s3, s9;
	s6 =	sadd.s32 @!p0 $0x88, s6;
	s7 =	simm.s32 @p2 $0x1082  }
0x22: {  	[simem:s7], [sflag:s8] =	dma.local @!p0 [hbm:s6], $0xF7A  }
0x23: {  	s9 =	sor.u32 $0xD0000000, s2;
	s6 =	simm.s32 $0x108;
	_ =	swait.ge @!p0 [sflag:s8], $0x0  }
0x24: {  	s3 =	sadd.s32 $0x88, s3;
	s6 =	simm.s32 @!p1 $0x1082;
	[sflag:s4] =	ssyncset.s32 $0xFFFFF086  }
0x25: {  	[simem:s6], [sflag:s4] =	dma.local [hbm:s3], $0xF7A  }
0x26: {  	[smem:$0x3F97] =	sst s1;
	(tag) =	ssettag s2;
	_ =	strace s9  }
0x27: {  	s1 =	sld [smem:$0x3FA7]  }
0x28: {  	s2 =	sld [smem:$0x3FA8]  }
0x29: {  	s4 =	sld [smem:$0x3FAA]  }
0x2a: {  	p0 =	seq.s32 s5, $0x0;
	s5 =	sld [smem:$0x3FAB]  }
0x2b: {  	s6 =	sld [smem:$0x3FAC]  }
0x2c: {  	s7 =	sld [smem:$0x3FAD]  }
0x2d: {  	s3 =	simm.s32 $0x108;
	s8 =	sld [smem:$0x3FAE]  }
0x2e: {  	s3 =	simm.s32 @!p0 $0x1082;
	s9 =	sld [smem:$0x3FAF]  }
0x2f: {  	lr =	sadd.s32 s0, s3;
	s0 =	sld [smem:$0x3FA6]  }
0x30: {  	s3 =	sld [smem:$0x3FA9]  }
0x31: {  	[smem:$0x3FB2] =	sst s10  }
0x32: {  	s10 =	sld [smem:$0x3FB0];
	_ =	sdelay $0x3  }
0x33: {  	p0 =	seq.s32 s10, $0x1;
	s10 =	sld [smem:$0x3FB2];
	_ =	sdelay $0x3  }
0x34: {  	[smem:$0x3FB2] =	sst s10  }
0x35: {  	s10 =	sld [smem:$0x3FB1];
	_ =	sdelay $0x3  }
0x36: {  	p1 =	seq.s32 s10, $0x1;
	s10 =	sld [smem:$0x3FB2];
	_ =	sdelay $0x3  }
0x37: {  	[smem:$0x3FB2] =	sst s10  }
0x38: {  	s10 =	sld [smem:$0x3FB3]  }
0x39: {  	_ = 	snop;
	(pc) =	sbr.ind lr, $3  }
0x3a: {  	_ = 	snop  }
0x3b: {  	_ = 	snop  }
0x3c: {  	p2 =	seq.s32 s10, $0x1;
	s10 =	sld [smem:$0x3FB2]  }
0x3d: {  	_ =	shalt  }
0x3e: {  	_ =	shalt  }
0x3f: {  	_ =	shalt  }
0x40: {  	_ =	shalt  }
0x41: {  	_ =	shalt  }
0x42: {  	_ =	shalt  }
0x43: {  	_ =	shalt  }
0x44: {  	_ =	shalt  }
0x45: {  	_ =	shalt  }
0x46: {  	_ =	shalt  }
0x47: {  	_ =	shalt  }
0x48: {  	_ =	shalt  }
0x49: {  	_ =	shalt  }
0x4a: {  	_ =	shalt  }
0x4b: {  	_ =	shalt  }
0x4c: {  	_ =	shalt  }
0x4d: {  	_ =	shalt  }
0x4e: {  	_ =	shalt  }
0x4f: {  	_ =	shalt  }
0x50: {  	_ =	shalt  }
0x51: {  	_ =	shalt  }
0x52: {  	_ =	shalt  }
0x53: {  	_ =	shalt  }
0x54: {  	_ =	shalt  }
0x55: {  	_ =	shalt  }
0x56: {  	_ =	shalt  }
0x57: {  	_ =	shalt  }
0x58: {  	_ =	shalt  }
0x59: {  	_ =	shalt  }
0x5a: {  	_ =	shalt  }
0x5b: {  	_ =	shalt  }
0x5c: {  	_ =	shalt  }
0x5d: {  	_ =	shalt  }
0x5e: {  	_ =	shalt  }
0x5f: {  	_ =	shalt  }
0x60: {  	_ =	shalt  }
0x61: {  	_ =	shalt  }
0x62: {  	_ =	shalt  }
0x63: {  	_ =	shalt  }
0x64: {  	_ =	shalt  }
0x65: {  	_ =	shalt  }
0x66: {  	_ =	shalt  }
0x67: {  	_ =	shalt  }
0x68: {  	_ =	shalt  }
0x69: {  	_ =	shalt  }
0x6a: {  	_ =	shalt  }
0x6b: {  	_ =	shalt  }
0x6c: {  	_ =	shalt  }
0x6d: {  	_ =	shalt  }
0x6e: {  	_ =	shalt  }
0x6f: {  	_ =	shalt  }
0x70: {  	_ =	shalt  }
0x71: {  	_ =	shalt  }
0x72: {  	_ =	shalt  }
0x73: {  	_ =	shalt  }
0x74: {  	_ =	shalt  }
0x75: {  	_ =	shalt  }
0x76: {  	_ =	shalt  }
0x77: {  	_ =	shalt  }
0x78: {  	_ =	shalt  }
0x79: {  	_ =	shalt  }
0x7a: {  	_ =	shalt  }
0x7b: {  	_ =	shalt  }
0x7c: {  	_ =	shalt  }
0x7d: {  	_ =	shalt  }
0x7e: {  	_ =	shalt  }
0x7f: {  	_ =	shalt  }
0x80: {  	_ =	shalt  }
0x81: {  	_ =	shalt  }
0x82: {  	_ =	shalt  }
0x83: {  	_ =	shalt  }
0x84: {  	_ =	shalt  }
0x85: {  	_ =	shalt  }
0x86: {  	_ =	shalt  }
0x87: {  	_ =	shalt  }
.Lfunc_end0:
.L_simem_size_0:
called_computation.2_lowered:
.L_overlay_start_0:
0x88: {  	s2 =	sld [smem:$0x3FD9]  }
0x89: {  	s3 =	sld [smem:$0x3FFE];
	_ =	sdelay $0x1  }
0x8a: {  	s1 =	srdreg.scid  }
0x8b: {  	s0 =	sand.u32 $0x1, s1  }
0x8c: {  	s16 =	sshll.u32 s0, $0xA;
	s2 =	sadd.s32 s3, s2  }
0x8d: {  	s2 =	sadd.s32 s2, s16  }
0x8e: {  	[smem:$0x3FBE] =	sst s2  }
0x8f: {  	_ = 	snop  }
0x90: {  	(tm) =	ssettm $0x1  }
0x91: {  	s17 =	sld [smem:$0x3FFB];
	_ =	sdelay $0x3  }
0x92: {  	_ =	strace s17  }
0x93: {  	s2 =	sld [smem:$0x3FFC];
	_ =	sdelay $0x3  }
0x94: {  	_ =	strace s2  }
0x95: {  	s2 =	sld [smem:$0x3FFD];
	_ =	sdelay $0x3  }
0x96: {  	_ =	strace s2  }
0x97: {  	_ =	strace $0x8FFFFFFF  }
0x98: {  	s18 =	sld [smem:$0x3FDB];
	_ =	sdelay $0x1  }
0x99: {  	s19 =	simm.s32 $_scs_section_size  }
0x9a: {  	s4 =	simm.s32 $_size__tile_overlayer_lowered;
	s5 =	simm.s32 $_tile_overlayer_lowered  }
0x9b: {  	s22 =	simm.s32 $0x1BFF;
	s21 =	sshll.u32 s5, $0x1;
	s2 =	sadd.s32 s19, s18  }
0x9c: {  	s6 =	simm.s32 $0x0;
	s20 =	sshll.u32 s4, $0x1;
	s4 =	sadd.s32 s21, s2  }
0x9d: {  	[timem:s6], [sflag:s22] =	dma.local [hbm:s4], s20  }
0x9e: {  	_ =	swait.ge [sflag:s22], s20  }
0x9f: {  	s3 =	ssub.s32 $0x0, s20;
	[sflag:s22] =	ssyncset.done $0x0  }
0xa0: {  	[sflag:s22] =	ssyncadd.s32 s3;
	_ =	sdelay $0x1  }
0xa1: {  	s23 =	simm.s32 $0x1B8B  }
0xa2: {  	_ =	swait.ge [sflag:s23], $0x1  }
0xa3: {  	[sflag:s23] =	ssyncset.done $0x0  }
0xa4: {  	s25 =	simm.s32 $0x1B8E;
	s24 =	sld [smem:$0x3FFE];
	[sflag:s23] =	ssyncadd.s32 $0xFFFFFFFF  }
0xa5: {  	s26 =	simm.s32 $execute0_lowered;
	[smem:$0x3FD2] =	sst s25  }
0xa6: {  	s4 =	sshll.u32 s26, $0x1;
	_ =	strace $0x8000004C;
	[dreg:$0x1] =	wrdreg $0xFFFFFFFF  }
0xa7: {  	s28 =	simm.s32 $_size_execute0_lowered;
	s2 =	sadd.s32 s2, s4;
	[dreg:$0x0] =	wrdreg $0x0  }
0xa8: {  	s4 =	sshll.u32 s28, $0x1;
	[dreg:$0x2] =	wrdreg s2  }
0xa9: {  	[dreg:$0x3] =	wrdreg s4  }
0xaa: {  	[dreg:$0x4] =	wrdreg $0xC0  }
0xab: {  	_ =	task [dreg:s6], $0x5FFFF  }
0xac: {  	[dreg:$0x1] =	wrdreg $0xFFFFFFFF  }
0xad: {  	[dreg:$0x0] =	wrdreg $0x60  }
0xae: {  	[dreg:$0x2] =	wrdreg s24  }
0xaf: {  	[dreg:$0x3] =	wrdreg $0xA8000  }
0xb0: {  	[dreg:$0x4] =	wrdreg $0x9  }
0xb1: {  	_ =	task.clear_ibuf [dreg:s6], $0x5FFFF;
	_ =	strace $0x9000004C  }
0xb2: {  	s29 =	simm.s32 $0x9;
	_ =	strace $0x8000004E  }
0xb3: {  	_ =	swait.ge [sflag:s29], $0x1  }
0xb4: {  	[sflag:s29] =	ssyncadd.s32 $0xFFFFFFFF  }
0xb5: {  	_ =	strace $0x9000004E  }
0xb6: {  	_ =	sfence  }
0xb7: {  	s30 =	sld [smem:$0x0];
	_ =	sdelay $0x2  }
0xb8: {  	s31 =	sshll.u32 s1, $0xD;
	s1 =	sshrl.u32 s1, $0x2  }
0xb9: {  	s3 =	sand.u32 $0x4000, s31;
	s1 =	sadd.s32 s1, s30  }
0xba: {  	s0 =	sor.u32 s3, s0;
	s1 =	sshll.u32 s1, $0x11  }
0xbb: {  	s0 =	sor.u32 s1, s0  }
0xbc: {  	s0 =	sadd.s32 $0x8F2B, s0  }
0xbd: {  	[sflag:s0] =	ssyncadd.remote.s32 $0x1  }
0xbe: {  	_ =	sfence.sel $0xFFFF  }
0xbf: {  	[dreg:$0x0] =	wrdreg $0xFFFFFFFF;
	(pc) =	sbr.abs _section_cstart, $3  }
0xc0: {  	[dreg:$0x1] =	wrdreg $0xFFFFFFFF  }
0xc1: {  	_ =	task.clear_ibuf [dreg:s6], $0x2FFFF;
	_ =	strace $0x9FFFFFFF  }
0xc2: {  	(tm) =	ssettm $0x7FFFFFFF  }
0xc3: {  	_ =	shalt  }
tec
execute0_lowered:
.L_overlay_start_1:
0x0: {  	(tag) =	ssettag $0x1  }
0x1: {  	s1 =	srdreg.scid  }
0x2: {  	s1 =	sand.u32 $0x1, s1  }
0x3: {  	p0 =	seq.s32 s1, $0x1  }
.Ltmp0:
0x4: {  	_ = 	snop;
	(pc) =	sbr.rel @p0 .LBB2_10-.Ltmp0, $4  }
0x5: {  	s4 =	rddreg [dreg:$0x0]  }
0x6: {  	s2 =	rddreg [dreg:$0x1];
	s3 =	simm.s32 $0x0  }
0x7: {  	[smem:$0x7FF] =	sst s3  }
0x8: {  	s0 =	rddreg [dreg:$0x2];
	_ =	strace $0x8000004D;
	s1 =	stileid.u32  }
0x9: {  	s7 =	smul.u32 $0x4F000, s1  }
0xa: {  	s3 =	sadd.s32 $0x16C00, s4;
	s8 =	smul.u32 $0x2780, s1  }
0xb: {  	s5 =	sadd.s32 $0xCC00, s4;
	s6 =	sadd.s32 $0x2C00, s4;
	s16 =	simm.s32 $0x200  }
0xc: {  	s7 =	sshrl.u32 s7, $0x2;
	s9 =	sadd.s32 s8, s4;
	s8 =	smul.u32 $0x780, s1  }
0xd: {  	s4 =	sadd.s32 s7, s2;
	s7 =	sadd.s32 $0x3DE00, s9;
	s9 =	simm.s32 $0x0  }
0xe: {  	s15 =	sadd.s32 $0x4000, s4;
	s14 =	sadd.s32 $0x8000, s4;
	s13 =	sadd.s32 $0xC000, s4  }
0xf: {  	v0 =	vimm.f32 $0.0e+00;
	s10 =	sadd.s32 $0x10000, s4;
	s12 =	sadd.s32 s5, s8;
	s11 =	sadd.s32 s6, s8  }
.LBB2_2:
0x10: {  	p0 =	sne.s32 s16, $0xFE00;
	[tilespmem:s9+$0x2870] =	vst v0  }
0x11: {  	[tilespmem:s9+$0x2800] =	vst v0  }
0x12: {  	[tilespmem:s9+$0x2810] =	vst v0  }
.Ltmp1:
0x13: {  	[tilespmem:s9+$0x2820] =	vst v0;
	(pc) =	sbr.rel @p0 .LBB2_2-.Ltmp1, $4  }
0x14: {  	[tilespmem:s9+$0x2830] =	vst v0  }
0x15: {  	[tilespmem:s9+$0x2840] =	vst v0  }
0x16: {  	[tilespmem:s9+$0x2850] =	vst v0  }
0x17: {  	[tilespmem:s9+$0x2860] =	vst v0;
	s9 =	sshra.s32 s16, $0x2;
	s16 =	sadd.s32 $0x200, s16  }
0x18: {  	[tilespmem:s9+$0x2870] =	vst v0  }
0x19: {  	[tilespmem:s9+$0x2800] =	vst v0  }
0x1a: {  	[tilespmem:s9+$0x2810] =	vst v0  }
0x1b: {  	[tilespmem:s9+$0x2820] =	vst v0  }
0x1c: {  	[tilespmem:s9+$0x2830] =	vst v0  }
0x1d: {  	[tilespmem:s9+$0x2840] =	vst v0  }
0x1e: {  	[tilespmem:s9+$0x2850] =	vst v0  }
0x1f: {  	[tilespmem:s9+$0x2860] =	vst v0;
	s16 =	simm.s32 $0x2800;
	s9 =	simm.s32 $0x3  }
0x20: {  	[spmem:s4] =	stream.linear.scatter [tilespmem:s16], [sflag:$0x3], $0x4000, $0x38;
	[tilespmem:$0x1E400] =	vst v63  }
0x21: {  	_ =	swait.ge [sflag:s9], $0x4000  }
0x22: {  	[sflag:s9] =	ssyncset.done $0x0  }
0x23: {  	[sflag:s9] =	ssyncadd.s32 $0xFFFFC000  }
0x24: {  	[spmem:s15] =	stream.linear.scatter [tilespmem:s16], [sflag:$0x3], $0x4000, $0x38;
	[tilespmem:$0x1E400] =	vst v63  }
0x25: {  	_ =	swait.ge [sflag:s9], $0x4000  }
0x26: {  	[sflag:s9] =	ssyncset.done $0x0  }
0x27: {  	[sflag:s9] =	ssyncadd.s32 $0xFFFFC000  }
0x28: {  	[spmem:s14] =	stream.linear.scatter [tilespmem:s16], [sflag:$0x3], $0x4000, $0x38;
	[tilespmem:$0x1E400] =	vst v63  }
0x29: {  	_ =	swait.ge [sflag:s9], $0x4000  }
0x2a: {  	[sflag:s9] =	ssyncset.done $0x0  }
0x2b: {  	[sflag:s9] =	ssyncadd.s32 $0xFFFFC000  }
0x2c: {  	[spmem:s13] =	stream.linear.scatter [tilespmem:s16], [sflag:$0x3], $0x4000, $0x38;
	[tilespmem:$0x1E400] =	vst v63  }
0x2d: {  	_ =	swait.ge [sflag:s9], $0x4000  }
0x2e: {  	[sflag:s9] =	ssyncset.done $0x0  }
0x2f: {  	[sflag:s9] =	ssyncadd.s32 $0xFFFFC000  }
0x30: {  	[spmem:s10] =	stream.linear.scatter [tilespmem:s16], [sflag:$0x3], $0x3C00, $0x38;
	[tilespmem:$0x1E400] =	vst v63  }
0x31: {  	_ =	swait.ge [sflag:s9], $0x3C00  }
0x32: {  	[sflag:s9] =	ssyncset.done $0x0  }
0x33: {  	s10 =	simm.s32 $0x0;
	[sflag:s9] =	ssyncadd.s32 $0xFFFFC400  }
0x34: {  	[tilespmem:s10], [sflag:$0x3] =	stream.linear.gather [hbm4b:s12+s10], $0x1400, $0x38;
	[tilespmem:$0x1E400] =	vst v63  }
0x35: {  	_ =	swait.ge [sflag:s9], $0x1400  }
0x36: {  	[sflag:s9] =	ssyncset.done $0x0  }
0x37: {  	s31 =	simm.s32 $0x1400;
	[sflag:s9] =	ssyncadd.s32 $0xFFFFEC00  }
0x38: {  	[tilespmem:s31], [sflag:$0x3] =	stream.linear.gather [hbm4b:s11+s10], $0x1400, $0x38;
	[tilespmem:$0x1E400] =	vst v63  }
0x39: {  	_ =	swait.ge [sflag:s9], $0x1400  }
.Ltmp2:
0x3a: {  	[sflag:s9] =	ssyncset.done $0x0;
	(pc) =	sbr.rel .LBB2_4-.Ltmp2, $4  }
0x3b: {  	[sflag:s9] =	ssyncadd.s32 $0xFFFFEC00  }
0x3c: {  	s11 =	simm.s32 $0x80;
	[bflag:$0x0] =	sbarrier.arrive $0xFFFF  }
0x3d: {  	[tilespmem:s16], [sflag:$0x1] =	stream.indirect.gather [hbm4b:s3+s11], $0x80, s10, s11, $0xb8;
	[tilespmem:$0x1E400] =	vst v63  }
0x3e: {  	s16 =	simm.s32 $0x0  }
.LBB2_5:
0x3f: {  	s17 =	sadd.s32 $0x10, s8  }
0x40: {  	s17 =	sand.u32 $0x1FF80, s17  }
0x41: {  	s17 =	sadd.s32 s5, s17  }
0x42: {  	[tilespmem:s10], [sflag:$0x3] =	stream.linear.gather [hbm4b:s17+s10], $0x1400, $0x38;
	[tilespmem:$0x1E400] =	vst v63  }
0x43: {  	_ =	swait.ge [sflag:s9], $0x1400  }
0x44: {  	[sflag:s9] =	ssyncset.done $0x0  }
0x45: {  	[sflag:s9] =	ssyncadd.s32 $0xFFFFEC00  }
.LBB2_7:
0x46: {  	s17 =	smul.u32 $0xCD, s12;
	_ =	sdelay $0x1  }
0x47: {  	s17 =	sshrl.u32 s17, $0xD  }
0x48: {  	s17 =	sand.u32 $0x7, s17  }
0x49: {  	p0 =	seq.s32 s16, $0x0;
	s17 =	smul.u32 $0x28, s17  }
0x4a: {  	s18 =	sand.u32 $0x1, s12;
	s16 =	sand.u32 @!p0 $0xFF, s14  }
0x4b: {  	s19 =	sshll.u32 s18, $0xE;
	p1 =	sne.s32 @!p0 s16, $0x0;
	s17 =	ssub.s32 s12, s17  }
0x4c: {  	s18 =	sadd.s32 $0x1, s18;
	p0 =	por p1, p0;
	s17 =	sand.u32 $0xFF, s17  }
0x4d: {  	s19 =	sor.u32 $0x2800, s19;
	s8 =	sand.u32 @!p0 $0xFF80, s8;
	s17 =	sshll.u32 s17, $0x7  }
0x4e: {  	[tilespmem:s19], [sflag:s18] =	stream.indirect.gather [hbm4b:s3+s11], $0x80, s17, s11, $0xb8;
	[tilespmem:$0x1E400] =	vst v63  }
0x4f: {  	s16 =	simm.s32 @!p0 $0x0;
	s8 =	sadd.s32 @!p0 s6, s8;
	s17 =	simm.s32 @!p0 $0x1400  }
0x50: {  	[tilespmem:s17], [sflag:$0x3] =	stream.linear.gather @!p0 [hbm4b:s8+s16], $0x1400, $0x38;
	[tilespmem:$0x1E400] =	vst v63  }
0x51: {  	s8 =	simm.s32 @!p0 $0x3  }
0x52: {  	_ =	swait.ge @!p0 [sflag:s8], $0x1400  }
0x53: {  	[sflag:s8] =	ssyncset.done @!p0 $0x0  }
0x54: {  	[sflag:s8] =	ssyncadd.s32 @!p0 $0xFFFFEC00  }
.LBB2_8:
0x55: {  	s8 =	sand.u32 $0xFF, s14  }
0x56: {  	s13 =	sshll.u32 s13, $0xE;
	p0 =	sne.s32 s12, $0x78;
	s8 =	sshll.u32 s8, $0x7  }
.Ltmp3:
0x57: {  	s13 =	sor.u32 $0x2800, s13;
	s8 =	sadd.s32 $0x1400, s8;
	(pc) =	sbr.rel @!p0 .LBB2_9-.Ltmp3, $4  }
0x58: {  	[spmem:s2] =	stream.indirect.scatter.add.f32 [tilespmem:s13], [sflag:$0x3], $0x80, s8, s11, $0xb8;
	[tilespmem:$0x1E400] =	vst v63  }
0x59: {  	_ =	swait.ge [sflag:s9], $0x4000  }
0x5a: {  	[sflag:s9] =	ssyncset.done $0x0  }
0x5b: {  	s16 =	smov.u32 s12;
	s8 =	smov.u32 s15;
	[sflag:s9] =	ssyncadd.s32 $0xFFFFC000  }
.LBB2_4:
0x5c: {  	s12 =	smul.u32 $0xCD, s16;
	_ =	sdelay $0x1  }
0x5d: {  	s12 =	sshrl.u32 s12, $0xD  }
0x5e: {  	s12 =	sand.u32 $0x7, s12  }
0x5f: {  	s12 =	smul.u32 $0x28, s12;
	_ =	sdelay $0x1  }
0x60: {  	p0 =	seq.s32 s16, $0x77;
	s14 =	ssub.s32 s16, s12  }
0x61: {  	s15 =	sand.u32 @!p0 $0xFF, s14  }
0x62: {  	p1 =	sne.s32 @!p0 s15, $0x27  }
0x63: {  	p1 =	por p0, p1  }
.Ltmp4:
0x64: {  	s13 =	sand.u32 $0x1, s16;
	(pc) =	sbr.rel @!p1 .LBB2_5-.Ltmp4, $4  }
0x65: {  	s31 =	sadd.s32 $0x1, s13  }
0x66: {  	_ =	swait.ge [sflag:s31], $0x4000  }
0x67: {  	[sflag:s31] =	ssyncset.done $0x0  }
0x68: {  	[sflag:s31] =	ssyncadd.s32 $0xFFFFC000;
	s12 =	sadd.s32 $0x1, s16;
	s15 =	sadd.s32 $0x10, s8  }
.Ltmp5:
0x69: {  	(pc) =	sbr.rel @p0 .LBB2_8-.Ltmp5, $4  }
.Ltmp6:
0x6a: {  	(pc) =	sbr.rel @!p0 .LBB2_7-.Ltmp6, $4  }
0x6b: {  	_ = 	snop  }
0x6c: {  	_ = 	snop  }
0x6d: {  	_ = 	snop  }
0x6e: {  	_ = 	snop  }
.LBB2_9:
0x6f: {  	s2 =	sshll.u32 s1, $0x6;
	[bflag:$0x0] =	sbarrier.arrive $0xFFFF  }
0x70: {  	s3 =	sshrl.u32 s4, $0x3;
	s31 =	simm.s32 $0x3;
	s2 =	sor.u32 $0x1C03, s2  }
0x71: {  	[hbm:s7], [sflag:s2] =	dma.local [spmem:s3], $0x2780  }
0x72: {  	_ =	swait.ge [sflag:s31], $0x2780  }
0x73: {  	[sflag:s31] =	ssyncset.done $0x0  }
0x74: {  	[sflag:s31] =	ssyncadd.s32 $0xFFFFD880  }
.LBB2_10:
0x75: {  	_ =	sfence.sel $0x180000  }
0x76: {  	[bflag:$0x0] =	sbarrier.arrive $0xFFFF  }
0x77: {  	p0 =	sne.s32 s1, $0x0;
	_ =	strace $0x9000004D  }
0x78: {  	s0 =	sadd.s32 @!p0 $0x100000, s0;
	[bflag:$0x2] =	sbarrier.arrive $0xFFFF  }
0x79: {  	[sflag:s0] =	ssyncadd.tile.s32 @!p0 $0x1;
	_ =	shalt  }
.Lfunc_end2:
_tile_overlayer_lowered:
.L_overlay_start_2:
0x7a: {  	(tag) =	ssettag $0x2  }
0x7b: {  	s0 =	rddreg [dreg:$0x0];
	s2 =	stileid.u32  }
0x7c: {  	s1 =	rddreg [dreg:$0x1];
	p0 =	sne.s32 s2, $0x0  }
0x7d: {  	s3 =	rddreg [dreg:$0x2];
	[bflag:$0x3] =	sbarrier.arrive $0xFFFF;
	s2 =	simm.s32 @!p0 $0x1C03  }
0x7e: {  	[timem:s3], [sflag:s2] =	dma.local @!p0 [hbm:s0], s1  }
0x7f: {  	s0 =	simm.s32 @!p0 $0x3  }
0x80: {  	_ =	swait.ge @!p0 [sflag:s0], s1  }
0x81: {  	s1 =	ssub.s32 @!p0 $0x0, s1;
	[sflag:s0] =	ssyncset.done @!p0 $0x0  }
0x82: {  	[sflag:s0] =	ssyncadd.s32 @!p0 s1  }
0x83: {  	[bflag:$0x3] =	sbarrier.arrive $0xFFFF  }
0x84: {  	_ =	shalt  }

// kernel: kernel.9.cloned.1.call-start
scs
__scs_entry_jumppad:
0x0: {  	(pc) =	sbr.rel $0x88, $3  }
0x1: {  	(tag) =	ssettag $0x0;
	lr =	simm.s32 $0x1  }
0x2: {  	[smem:$0x3F97] =	sst lr;
	_ =	strace $0xD0000000  }
0x3: {  	_ = 	snop  }
0x4: {  	_ = 	snop  }
0x5: {  	_ = 	snop  }
0x6: {  	_ = 	snop  }
0x7: {  	_ = 	snop  }
__scs_overlays_trampoline_lowered:
0x8: {  	[smem:$0x3FA6] =	sst s0  }
0x9: {  	[smem:$0x3FA7] =	sst s1  }
0xa: {  	[smem:$0x3FA8] =	sst s2  }
0xb: {  	[smem:$0x3FA9] =	sst s3  }
0xc: {  	[smem:$0x3FAA] =	sst s4  }
0xd: {  	[smem:$0x3FAB] =	sst s5  }
0xe: {  	[smem:$0x3FAC] =	sst s6  }
0xf: {  	[smem:$0x3FAD] =	sst s7  }
0x10: {  	[smem:$0x3FAE] =	sst s8  }
0x11: {  	[smem:$0x3FAF] =	sst s9;
	s0 =	simm.s32 @!p0 $0x0  }
0x12: {  	s1 =	sld [smem:$0x3F95];
	s0 =	simm.s32 @p0 $0x1  }
0x13: {  	[smem:$0x3FB0] =	sst s0;
	s0 =	simm.s32 @!p1 $0x0  }
0x14: {  	s2 =	sld [smem:$0x3F94];
	s0 =	simm.s32 @p1 $0x1  }
0x15: {  	[smem:$0x3FB1] =	sst s0;
	s0 =	simm.s32 @!p2 $0x0  }
0x16: {  	s3 =	sld [smem:$0x3FDB];
	s0 =	simm.s32 @p2 $0x1  }
0x17: {  	s4 =	simm.s32 $0x1BF5;
	[smem:$0x3FB3] =	sst s0  }
0x18: {  	s0 =	sld [smem:$0x3F96];
	_ =	swait.ge [sflag:s4], $0x0  }
0x19: {  	s7 =	sld [smem:$0x3F97]  }
0x1a: {  	s8 =	sadd.s32 $0xFFFFE003, lr  }
0x1b: {  	s9 =	sadd.s32 $0xFFFFFEF7, lr;
	s5 =	simm.s32 $0xFFFFFFFF;
	p2 =	slt.u32 s8, $0xFFFFF086  }
0x1c: {  	p1 =	slt.u32 s9, $0xF7A;
	s5 =	simm.s32 @!p2 $0x0  }
0x1d: {  	s5 =	simm.s32 @p1 $0x1;
	p0 =	seq.s32 s7, s2  }
0x1e: {  	s7 =	smul.u32 @!p0 $0xF7A, s2;
	p2 =	seq.s32 @!p0 s5, $0x0  }
0x1f: {  	s9 =	smul.u32 $0xF7A, s1;
	s8 =	simm.s32 @!p0 $0x1BF5;
	p2 =	por !p2, p0  }
0x20: {  	[sflag:s8] =	ssyncset.s32 @!p0 $0xFFFFF086;
	s6 =	sadd.s32 @!p0 s3, s7;
	s7 =	simm.s32 @!p0 $0x108  }
0x21: {  	s3 =	sadd.s32 s3, s9;
	s6 =	sadd.s32 @!p0 $0x88, s6;
	s7 =	simm.s32 @p2 $0x1082  }
0x22: {  	[simem:s7], [sflag:s8] =	dma.local @!p0 [hbm:s6], $0xF7A  }
0x23: {  	s9 =	sor.u32 $0xD0000000, s2;
	s6 =	simm.s32 $0x108;
	_ =	swait.ge @!p0 [sflag:s8], $0x0  }
0x24: {  	s3 =	sadd.s32 $0x88, s3;
	s6 =	simm.s32 @!p1 $0x1082;
	[sflag:s4] =	ssyncset.s32 $0xFFFFF086  }
0x25: {  	[simem:s6], [sflag:s4] =	dma.local [hbm:s3], $0xF7A  }
0x26: {  	[smem:$0x3F97] =	sst s1;
	(tag) =	ssettag s2;
	_ =	strace s9  }
0x27: {  	s1 =	sld [smem:$0x3FA7]  }
0x28: {  	s2 =	sld [smem:$0x3FA8]  }
0x29: {  	s4 =	sld [smem:$0x3FAA]  }
0x2a: {  	p0 =	seq.s32 s5, $0x0;
	s5 =	sld [smem:$0x3FAB]  }
0x2b: {  	s6 =	sld [smem:$0x3FAC]  }
0x2c: {  	s7 =	sld [smem:$0x3FAD]  }
0x2d: {  	s3 =	simm.s32 $0x108;
	s8 =	sld [smem:$0x3FAE]  }
0x2e: {  	s3 =	simm.s32 @!p0 $0x1082;
	s9 =	sld [smem:$0x3FAF]  }
0x2f: {  	lr =	sadd.s32 s0, s3;
	s0 =	sld [smem:$0x3FA6]  }
0x30: {  	s3 =	sld [smem:$0x3FA9]  }
0x31: {  	[smem:$0x3FB2] =	sst s10  }
0x32: {  	s10 =	sld [smem:$0x3FB0];
	_ =	sdelay $0x3  }
0x33: {  	p0 =	seq.s32 s10, $0x1;
	s10 =	sld [smem:$0x3FB2];
	_ =	sdelay $0x3  }
0x34: {  	[smem:$0x3FB2] =	sst s10  }
0x35: {  	s10 =	sld [smem:$0x3FB1];
	_ =	sdelay $0x3  }
0x36: {  	p1 =	seq.s32 s10, $0x1;
	s10 =	sld [smem:$0x3FB2];
	_ =	sdelay $0x3  }
0x37: {  	[smem:$0x3FB2] =	sst s10  }
0x38: {  	s10 =	sld [smem:$0x3FB3]  }
0x39: {  	_ = 	snop;
	(pc) =	sbr.ind lr, $3  }
0x3a: {  	_ = 	snop  }
0x3b: {  	_ = 	snop  }
0x3c: {  	p2 =	seq.s32 s10, $0x1;
	s10 =	sld [smem:$0x3FB2]  }
0x3d: {  	_ =	shalt  }
0x3e: {  	_ =	shalt  }
0x3f: {  	_ =	shalt  }
0x40: {  	_ =	shalt  }
0x41: {  	_ =	shalt  }
0x42: {  	_ =	shalt  }
0x43: {  	_ =	shalt  }
0x44: {  	_ =	shalt  }
0x45: {  	_ =	shalt  }
0x46: {  	_ =	shalt  }
0x47: {  	_ =	shalt  }
0x48: {  	_ =	shalt  }
0x49: {  	_ =	shalt  }
0x4a: {  	_ =	shalt  }
0x4b: {  	_ =	shalt  }
0x4c: {  	_ =	shalt  }
0x4d: {  	_ =	shalt  }
0x4e: {  	_ =	shalt  }
0x4f: {  	_ =	shalt  }
0x50: {  	_ =	shalt  }
0x51: {  	_ =	shalt  }
0x52: {  	_ =	shalt  }
0x53: {  	_ =	shalt  }
0x54: {  	_ =	shalt  }
0x55: {  	_ =	shalt  }
0x56: {  	_ =	shalt  }
0x57: {  	_ =	shalt  }
0x58: {  	_ =	shalt  }
0x59: {  	_ =	shalt  }
0x5a: {  	_ =	shalt  }
0x5b: {  	_ =	shalt  }
0x5c: {  	_ =	shalt  }
0x5d: {  	_ =	shalt  }
0x5e: {  	_ =	shalt  }
0x5f: {  	_ =	shalt  }
0x60: {  	_ =	shalt  }
0x61: {  	_ =	shalt  }
0x62: {  	_ =	shalt  }
0x63: {  	_ =	shalt  }
0x64: {  	_ =	shalt  }
0x65: {  	_ =	shalt  }
0x66: {  	_ =	shalt  }
0x67: {  	_ =	shalt  }
0x68: {  	_ =	shalt  }
0x69: {  	_ =	shalt  }
0x6a: {  	_ =	shalt  }
0x6b: {  	_ =	shalt  }
0x6c: {  	_ =	shalt  }
0x6d: {  	_ =	shalt  }
0x6e: {  	_ =	shalt  }
0x6f: {  	_ =	shalt  }
0x70: {  	_ =	shalt  }
0x71: {  	_ =	shalt  }
0x72: {  	_ =	shalt  }
0x73: {  	_ =	shalt  }
0x74: {  	_ =	shalt  }
0x75: {  	_ =	shalt  }
0x76: {  	_ =	shalt  }
0x77: {  	_ =	shalt  }
0x78: {  	_ =	shalt  }
0x79: {  	_ =	shalt  }
0x7a: {  	_ =	shalt  }
0x7b: {  	_ =	shalt  }
0x7c: {  	_ =	shalt  }
0x7d: {  	_ =	shalt  }
0x7e: {  	_ =	shalt  }
0x7f: {  	_ =	shalt  }
0x80: {  	_ =	shalt  }
0x81: {  	_ =	shalt  }
0x82: {  	_ =	shalt  }
0x83: {  	_ =	shalt  }
0x84: {  	_ =	shalt  }
0x85: {  	_ =	shalt  }
0x86: {  	_ =	shalt  }
0x87: {  	_ =	shalt  }
.Lfunc_end0:
.L_simem_size_0:
called_computation_lowered:
.L_overlay_start_0:
0x88: {  	s2 =	sld [smem:$0x3FD9]  }
0x89: {  	s3 =	sld [smem:$0x3FFE];
	_ =	sdelay $0x1  }
0x8a: {  	s1 =	srdreg.scid  }
0x8b: {  	s0 =	sand.u32 $0x1, s1  }
0x8c: {  	s16 =	sshll.u32 s0, $0xA;
	s2 =	sadd.s32 s3, s2  }
0x8d: {  	s2 =	sadd.s32 s2, s16  }
0x8e: {  	[smem:$0x3FBE] =	sst s2  }
0x8f: {  	_ = 	snop  }
0x90: {  	(tm) =	ssettm $0x1  }
0x91: {  	s17 =	sld [smem:$0x3FFB];
	_ =	sdelay $0x3  }
0x92: {  	_ =	strace s17  }
0x93: {  	s2 =	sld [smem:$0x3FFC];
	_ =	sdelay $0x3  }
0x94: {  	_ =	strace s2  }
0x95: {  	s2 =	sld [smem:$0x3FFD];
	_ =	sdelay $0x3  }
0x96: {  	_ =	strace s2  }
0x97: {  	_ =	strace $0x8FFFFFFF  }
0x98: {  	s18 =	sld [smem:$0x3FDB];
	_ =	sdelay $0x1  }
0x99: {  	s19 =	simm.s32 $_scs_section_size  }
0x9a: {  	s4 =	simm.s32 $_size__tile_overlayer_lowered;
	s5 =	simm.s32 $_tile_overlayer_lowered  }
0x9b: {  	s22 =	simm.s32 $0x1BFF;
	s21 =	sshll.u32 s5, $0x1;
	s2 =	sadd.s32 s19, s18  }
0x9c: {  	s6 =	simm.s32 $0x0;
	s20 =	sshll.u32 s4, $0x1;
	s4 =	sadd.s32 s21, s2  }
0x9d: {  	[timem:s6], [sflag:s22] =	dma.local [hbm:s4], s20  }
0x9e: {  	_ =	swait.ge [sflag:s22], s20  }
0x9f: {  	s3 =	ssub.s32 $0x0, s20;
	[sflag:s22] =	ssyncset.done $0x0  }
0xa0: {  	[sflag:s22] =	ssyncadd.s32 s3;
	_ =	sdelay $0x1  }
0xa1: {  	s23 =	simm.s32 $0x1B8B  }
0xa2: {  	_ =	swait.ge [sflag:s23], $0x1  }
0xa3: {  	[sflag:s23] =	ssyncset.done $0x0  }
0xa4: {  	s25 =	simm.s32 $0x1B8E;
	s24 =	sld [smem:$0x3FFE];
	[sflag:s23] =	ssyncadd.s32 $0xFFFFFFFF  }
0xa5: {  	s26 =	simm.s32 $execute0_lowered;
	[smem:$0x3FD2] =	sst s25  }
0xa6: {  	s4 =	sshll.u32 s26, $0x1;
	_ =	strace $0x80000046;
	[dreg:$0x1] =	wrdreg $0xFFFFFFFF  }
0xa7: {  	s28 =	simm.s32 $_size_execute0_lowered;
	s2 =	sadd.s32 s2, s4;
	[dreg:$0x0] =	wrdreg $0x0  }
0xa8: {  	s4 =	sshll.u32 s28, $0x1;
	[dreg:$0x2] =	wrdreg s2  }
0xa9: {  	[dreg:$0x3] =	wrdreg s4  }
0xaa: {  	[dreg:$0x4] =	wrdreg $0xC0  }
0xab: {  	_ =	task [dreg:s6], $0x5FFFF  }
0xac: {  	[dreg:$0x1] =	wrdreg $0xFFFFFFFF  }
0xad: {  	[dreg:$0x0] =	wrdreg $0x60  }
0xae: {  	[dreg:$0x2] =	wrdreg s24  }
0xaf: {  	[dreg:$0x3] =	wrdreg $0xA8000  }
0xb0: {  	[dreg:$0x4] =	wrdreg $0x9  }
0xb1: {  	_ =	task.clear_ibuf [dreg:s6], $0x5FFFF;
	_ =	strace $0x90000046  }
0xb2: {  	s29 =	simm.s32 $0x9;
	_ =	strace $0x80000048  }
0xb3: {  	_ =	swait.ge [sflag:s29], $0x1  }
0xb4: {  	[sflag:s29] =	ssyncadd.s32 $0xFFFFFFFF  }
0xb5: {  	_ =	strace $0x90000048  }
0xb6: {  	_ =	sfence  }
0xb7: {  	s30 =	sld [smem:$0x0];
	_ =	sdelay $0x2  }
0xb8: {  	s31 =	sshll.u32 s1, $0xD;
	s1 =	sshrl.u32 s1, $0x2  }
0xb9: {  	s3 =	sand.u32 $0x4000, s31;
	s1 =	sadd.s32 s1, s30  }
0xba: {  	s0 =	sor.u32 s3, s0;
	s1 =	sshll.u32 s1, $0x11  }
0xbb: {  	s0 =	sor.u32 s1, s0  }
0xbc: {  	s0 =	sadd.s32 $0x8F2B, s0  }
0xbd: {  	[sflag:s0] =	ssyncadd.remote.s32 $0x1  }
0xbe: {  	_ =	sfence.sel $0xFFFF  }
0xbf: {  	[dreg:$0x0] =	wrdreg $0xFFFFFFFF;
	(pc) =	sbr.abs _section_cstart, $3  }
0xc0: {  	[dreg:$0x1] =	wrdreg $0xFFFFFFFF  }
0xc1: {  	_ =	task.clear_ibuf [dreg:s6], $0x2FFFF;
	_ =	strace $0x9FFFFFFF  }
0xc2: {  	(tm) =	ssettm $0x7FFFFFFF  }
0xc3: {  	_ =	shalt  }
tec
execute0_lowered:
.L_overlay_start_1:
0x0: {  	(tag) =	ssettag $0x1  }
0x1: {  	s1 =	srdreg.scid  }
0x2: {  	s1 =	sand.u32 $0x1, s1  }
0x3: {  	p0 =	seq.s32 s1, $0x1  }
.Ltmp0:
0x4: {  	_ = 	snop;
	(pc) =	sbr.rel @p0 .LBB2_10-.Ltmp0, $4  }
0x5: {  	s4 =	rddreg [dreg:$0x0]  }
0x6: {  	s2 =	rddreg [dreg:$0x1];
	s3 =	simm.s32 $0x0  }
0x7: {  	[smem:$0x7FF] =	sst s3  }
0x8: {  	s0 =	rddreg [dreg:$0x2];
	_ =	strace $0x80000047;
	s1 =	stileid.u32  }
0x9: {  	s7 =	smul.u32 $0x4F000, s1  }
0xa: {  	s3 =	sadd.s32 $0x16C00, s4;
	s8 =	smul.u32 $0x2780, s1  }
0xb: {  	s5 =	sadd.s32 $0xCC00, s4;
	s6 =	sadd.s32 $0x2C00, s4;
	s16 =	simm.s32 $0x200  }
0xc: {  	s7 =	sshrl.u32 s7, $0x2;
	s9 =	sadd.s32 s8, s4;
	s8 =	smul.u32 $0x780, s1  }
0xd: {  	s4 =	sadd.s32 s7, s2;
	s7 =	sadd.s32 $0x3DE00, s9;
	s9 =	simm.s32 $0x0  }
0xe: {  	s15 =	sadd.s32 $0x4000, s4;
	s14 =	sadd.s32 $0x8000, s4;
	s13 =	sadd.s32 $0xC000, s4  }
0xf: {  	v0 =	vimm.f32 $0.0e+00;
	s10 =	sadd.s32 $0x10000, s4;
	s12 =	sadd.s32 s5, s8;
	s11 =	sadd.s32 s6, s8  }
.LBB2_2:
0x10: {  	p0 =	sne.s32 s16, $0xFE00;
	[tilespmem:s9+$0x2870] =	vst v0  }
0x11: {  	[tilespmem:s9+$0x2800] =	vst v0  }
0x12: {  	[tilespmem:s9+$0x2810] =	vst v0  }
.Ltmp1:
0x13: {  	[tilespmem:s9+$0x2820] =	vst v0;
	(pc) =	sbr.rel @p0 .LBB2_2-.Ltmp1, $4  }
0x14: {  	[tilespmem:s9+$0x2830] =	vst v0  }
0x15: {  	[tilespmem:s9+$0x2840] =	vst v0  }
0x16: {  	[tilespmem:s9+$0x2850] =	vst v0  }
0x17: {  	[tilespmem:s9+$0x2860] =	vst v0;
	s9 =	sshra.s32 s16, $0x2;
	s16 =	sadd.s32 $0x200, s16  }
0x18: {  	[tilespmem:s9+$0x2870] =	vst v0  }
0x19: {  	[tilespmem:s9+$0x2800] =	vst v0  }
0x1a: {  	[tilespmem:s9+$0x2810] =	vst v0  }
0x1b: {  	[tilespmem:s9+$0x2820] =	vst v0  }
0x1c: {  	[tilespmem:s9+$0x2830] =	vst v0  }
0x1d: {  	[tilespmem:s9+$0x2840] =	vst v0  }
0x1e: {  	[tilespmem:s9+$0x2850] =	vst v0  }
0x1f: {  	[tilespmem:s9+$0x2860] =	vst v0;
	s16 =	simm.s32 $0x2800;
	s9 =	simm.s32 $0x3  }
0x20: {  	[spmem:s4] =	stream.linear.scatter [tilespmem:s16], [sflag:$0x3], $0x4000, $0x38;
	[tilespmem:$0x1E400] =	vst v63  }
0x21: {  	_ =	swait.ge [sflag:s9], $0x4000  }
0x22: {  	[sflag:s9] =	ssyncset.done $0x0  }
0x23: {  	[sflag:s9] =	ssyncadd.s32 $0xFFFFC000  }
0x24: {  	[spmem:s15] =	stream.linear.scatter [tilespmem:s16], [sflag:$0x3], $0x4000, $0x38;
	[tilespmem:$0x1E400] =	vst v63  }
0x25: {  	_ =	swait.ge [sflag:s9], $0x4000  }
0x26: {  	[sflag:s9] =	ssyncset.done $0x0  }
0x27: {  	[sflag:s9] =	ssyncadd.s32 $0xFFFFC000  }
0x28: {  	[spmem:s14] =	stream.linear.scatter [tilespmem:s16], [sflag:$0x3], $0x4000, $0x38;
	[tilespmem:$0x1E400] =	vst v63  }
0x29: {  	_ =	swait.ge [sflag:s9], $0x4000  }
0x2a: {  	[sflag:s9] =	ssyncset.done $0x0  }
0x2b: {  	[sflag:s9] =	ssyncadd.s32 $0xFFFFC000  }
0x2c: {  	[spmem:s13] =	stream.linear.scatter [tilespmem:s16], [sflag:$0x3], $0x4000, $0x38;
	[tilespmem:$0x1E400] =	vst v63  }
0x2d: {  	_ =	swait.ge [sflag:s9], $0x4000  }
0x2e: {  	[sflag:s9] =	ssyncset.done $0x0  }
0x2f: {  	[sflag:s9] =	ssyncadd.s32 $0xFFFFC000  }
0x30: {  	[spmem:s10] =	stream.linear.scatter [tilespmem:s16], [sflag:$0x3], $0x3C00, $0x38;
	[tilespmem:$0x1E400] =	vst v63  }
0x31: {  	_ =	swait.ge [sflag:s9], $0x3C00  }
0x32: {  	[sflag:s9] =	ssyncset.done $0x0  }
0x33: {  	s10 =	simm.s32 $0x0;
	[sflag:s9] =	ssyncadd.s32 $0xFFFFC400  }
0x34: {  	[tilespmem:s10], [sflag:$0x3] =	stream.linear.gather [hbm4b:s12+s10], $0x1400, $0x38;
	[tilespmem:$0x1E400] =	vst v63  }
0x35: {  	_ =	swait.ge [sflag:s9], $0x1400  }
0x36: {  	[sflag:s9] =	ssyncset.done $0x0  }
0x37: {  	s31 =	simm.s32 $0x1400;
	[sflag:s9] =	ssyncadd.s32 $0xFFFFEC00  }
0x38: {  	[tilespmem:s31], [sflag:$0x3] =	stream.linear.gather [hbm4b:s11+s10], $0x1400, $0x38;
	[tilespmem:$0x1E400] =	vst v63  }
0x39: {  	_ =	swait.ge [sflag:s9], $0x1400  }
.Ltmp2:
0x3a: {  	[sflag:s9] =	ssyncset.done $0x0;
	(pc) =	sbr.rel .LBB2_4-.Ltmp2, $4  }
0x3b: {  	[sflag:s9] =	ssyncadd.s32 $0xFFFFEC00  }
0x3c: {  	s11 =	simm.s32 $0x80;
	[bflag:$0x0] =	sbarrier.arrive $0xFFFF  }
0x3d: {  	[tilespmem:s16], [sflag:$0x1] =	stream.indirect.gather [hbm4b:s3+s11], $0x80, s10, s11, $0xb8;
	[tilespmem:$0x1E400] =	vst v63  }
0x3e: {  	s16 =	simm.s32 $0x0  }
.LBB2_5:
0x3f: {  	s17 =	sadd.s32 $0x10, s8  }
0x40: {  	s17 =	sand.u32 $0x1FF80, s17  }
0x41: {  	s17 =	sadd.s32 s5, s17  }
0x42: {  	[tilespmem:s10], [sflag:$0x3] =	stream.linear.gather [hbm4b:s17+s10], $0x1400, $0x38;
	[tilespmem:$0x1E400] =	vst v63  }
0x43: {  	_ =	swait.ge [sflag:s9], $0x1400  }
0x44: {  	[sflag:s9] =	ssyncset.done $0x0  }
0x45: {  	[sflag:s9] =	ssyncadd.s32 $0xFFFFEC00  }
.LBB2_7:
0x46: {  	s17 =	smul.u32 $0xCD, s12;
	_ =	sdelay $0x1  }
0x47: {  	s17 =	sshrl.u32 s17, $0xD  }
0x48: {  	s17 =	sand.u32 $0x7, s17  }
0x49: {  	p0 =	seq.s32 s16, $0x0;
	s17 =	smul.u32 $0x28, s17  }
0x4a: {  	s18 =	sand.u32 $0x1, s12;
	s16 =	sand.u32 @!p0 $0xFF, s14  }
0x4b: {  	s19 =	sshll.u32 s18, $0xE;
	p1 =	sne.s32 @!p0 s16, $0x0;
	s17 =	ssub.s32 s12, s17  }
0x4c: {  	s18 =	sadd.s32 $0x1, s18;
	p0 =	por p1, p0;
	s17 =	sand.u32 $0xFF, s17  }
0x4d: {  	s19 =	sor.u32 $0x2800, s19;
	s8 =	sand.u32 @!p0 $0xFF80, s8;
	s17 =	sshll.u32 s17, $0x7  }
0x4e: {  	[tilespmem:s19], [sflag:s18] =	stream.indirect.gather [hbm4b:s3+s11], $0x80, s17, s11, $0xb8;
	[tilespmem:$0x1E400] =	vst v63  }
0x4f: {  	s16 =	simm.s32 @!p0 $0x0;
	s8 =	sadd.s32 @!p0 s6, s8;
	s17 =	simm.s32 @!p0 $0x1400  }
0x50: {  	[tilespmem:s17], [sflag:$0x3] =	stream.linear.gather @!p0 [hbm4b:s8+s16], $0x1400, $0x38;
	[tilespmem:$0x1E400] =	vst v63  }
0x51: {  	s8 =	simm.s32 @!p0 $0x3  }
0x52: {  	_ =	swait.ge @!p0 [sflag:s8], $0x1400  }
0x53: {  	[sflag:s8] =	ssyncset.done @!p0 $0x0  }
0x54: {  	[sflag:s8] =	ssyncadd.s32 @!p0 $0xFFFFEC00  }
.LBB2_8:
0x55: {  	s8 =	sand.u32 $0xFF, s14  }
0x56: {  	s13 =	sshll.u32 s13, $0xE;
	p0 =	sne.s32 s12, $0x78;
	s8 =	sshll.u32 s8, $0x7  }
.Ltmp3:
0x57: {  	s13 =	sor.u32 $0x2800, s13;
	s8 =	sadd.s32 $0x1400, s8;
	(pc) =	sbr.rel @!p0 .LBB2_9-.Ltmp3, $4  }
0x58: {  	[spmem:s2] =	stream.indirect.scatter.add.f32 [tilespmem:s13], [sflag:$0x3], $0x80, s8, s11, $0xb8;
	[tilespmem:$0x1E400] =	vst v63  }
0x59: {  	_ =	swait.ge [sflag:s9], $0x4000  }
0x5a: {  	[sflag:s9] =	ssyncset.done $0x0  }
0x5b: {  	s16 =	smov.u32 s12;
	s8 =	smov.u32 s15;
	[sflag:s9] =	ssyncadd.s32 $0xFFFFC000  }
.LBB2_4:
0x5c: {  	s12 =	smul.u32 $0xCD, s16;
	_ =	sdelay $0x1  }
0x5d: {  	s12 =	sshrl.u32 s12, $0xD  }
0x5e: {  	s12 =	sand.u32 $0x7, s12  }
0x5f: {  	s12 =	smul.u32 $0x28, s12;
	_ =	sdelay $0x1  }
0x60: {  	p0 =	seq.s32 s16, $0x77;
	s14 =	ssub.s32 s16, s12  }
0x61: {  	s15 =	sand.u32 @!p0 $0xFF, s14  }
0x62: {  	p1 =	sne.s32 @!p0 s15, $0x27  }
0x63: {  	p1 =	por p0, p1  }
.Ltmp4:
0x64: {  	s13 =	sand.u32 $0x1, s16;
	(pc) =	sbr.rel @!p1 .LBB2_5-.Ltmp4, $4  }
0x65: {  	s31 =	sadd.s32 $0x1, s13  }
0x66: {  	_ =	swait.ge [sflag:s31], $0x4000  }
0x67: {  	[sflag:s31] =	ssyncset.done $0x0  }
0x68: {  	[sflag:s31] =	ssyncadd.s32 $0xFFFFC000;
	s12 =	sadd.s32 $0x1, s16;
	s15 =	sadd.s32 $0x10, s8  }
.Ltmp5:
0x69: {  	(pc) =	sbr.rel @p0 .LBB2_8-.Ltmp5, $4  }
.Ltmp6:
0x6a: {  	(pc) =	sbr.rel @!p0 .LBB2_7-.Ltmp6, $4  }
0x6b: {  	_ = 	snop  }
0x6c: {  	_ = 	snop  }
0x6d: {  	_ = 	snop  }
0x6e: {  	_ = 	snop  }
.LBB2_9:
0x6f: {  	s2 =	sshll.u32 s1, $0x6;
	[bflag:$0x0] =	sbarrier.arrive $0xFFFF  }
0x70: {  	s3 =	sshrl.u32 s4, $0x3;
	s31 =	simm.s32 $0x3;
	s2 =	sor.u32 $0x1C03, s2  }
0x71: {  	[hbm:s7], [sflag:s2] =	dma.local [spmem:s3], $0x2780  }
0x72: {  	_ =	swait.ge [sflag:s31], $0x2780  }
0x73: {  	[sflag:s31] =	ssyncset.done $0x0  }
0x74: {  	[sflag:s31] =	ssyncadd.s32 $0xFFFFD880  }
.LBB2_10:
0x75: {  	_ =	sfence.sel $0x180000  }
0x76: {  	[bflag:$0x0] =	sbarrier.arrive $0xFFFF  }
0x77: {  	p0 =	sne.s32 s1, $0x0;
	_ =	strace $0x90000047  }
0x78: {  	s0 =	sadd.s32 @!p0 $0x100000, s0;
	[bflag:$0x2] =	sbarrier.arrive $0xFFFF  }
0x79: {  	[sflag:s0] =	ssyncadd.tile.s32 @!p0 $0x1;
	_ =	shalt  }
.Lfunc_end2:
_tile_overlayer_lowered:
.L_overlay_start_2:
0x7a: {  	(tag) =	ssettag $0x2  }
0x7b: {  	s0 =	rddreg [dreg:$0x0];
	s2 =	stileid.u32  }
0x7c: {  	s1 =	rddreg [dreg:$0x1];
	p0 =	sne.s32 s2, $0x0  }
0x7d: {  	s3 =	rddreg [dreg:$0x2];
	[bflag:$0x3] =	sbarrier.arrive $0xFFFF;
	s2 =	simm.s32 @!p0 $0x1C03  }
0x7e: {  	[timem:s3], [sflag:s2] =	dma.local @!p0 [hbm:s0], s1  }
0x7f: {  	s0 =	simm.s32 @!p0 $0x3  }
0x80: {  	_ =	swait.ge @!p0 [sflag:s0], s1  }
0x81: {  	s1 =	ssub.s32 @!p0 $0x0, s1;
	[sflag:s0] =	ssyncset.done @!p0 $0x0  }
0x82: {  	[sflag:s0] =	ssyncadd.s32 @!p0 s1  }
0x83: {  	[bflag:$0x3] =	sbarrier.arrive $0xFFFF  }
0x84: {  	_ =	shalt  }

</sc_bundles>
